<compile_context>
chip_gen: v7x
topology: tpu7x:2x2x1
jax: 0.10.2.dev20260603
libtpu: 0.0.44.dev20260713+nightly
codegen_flags: <defaults>
</compile_context>

<pallas_src>
import functools

import jax
import jax.numpy as jnp
from jax import lax
from jax.experimental import pallas as pl
from jax.experimental.pallas import tpu as pltpu
from jax.experimental.pallas import tpu_sc as plsc

N = 10000
D = 128
H = 128
E = 320000
P = 100000

NC = 2
NS = 16
NW = NC * NS
CW = 128

EC = 80
IB = 40
EPW = EC * CW
PAD_E = NW * EPW

GC = 26
PPW = GC * CW
PAD_P = NW * PPW

NROW = 10112
RPT = NROW // NS
DN = 10112
DPT = DN // NS

_MESH = plsc.VectorSubcoreMesh(
    core_axis_name="c", subcore_axis_name="s", num_cores=NC, num_subcores=NS)


def _deg_body(dstp_hbm, ones_hbm, zdeg_hbm, degp_hbm, dst_v, buf_v, ones_v,
              acc_sh):
    c = lax.axis_index("c")
    s = lax.axis_index("s")
    w = s * NC + c
    pltpu.sync_copy(ones_hbm, ones_v)
    pltpu.sync_copy(zdeg_hbm, buf_v)
    pltpu.sync_copy(buf_v, acc_sh.at[pl.ds(s * DPT, DPT)])
    plsc.subcore_barrier()

    for hb in range(EC // IB):
        pltpu.sync_copy(dstp_hbm.at[w * (EC // IB) + hb], dst_v)

        def chunk(g, carry):
            pltpu.sync_copy(ones_v, acc_sh.at[dst_v.at[g]], add=True)
            return carry

        lax.fori_loop(0, IB, chunk, 0)
    plsc.subcore_barrier()
    pltpu.sync_copy(acc_sh.at[pl.ds(s * DPT, DPT)], buf_v)
    pltpu.sync_copy(buf_v, degp_hbm.at[pl.ds(c * DN + s * DPT, DPT)])


_deg_call = pl.kernel(
    _deg_body,
    out_type=jax.ShapeDtypeStruct((NC * DN,), jnp.float32),
    mesh=_MESH,
    scratch_types=[
        pltpu.VMEM((IB, CW), jnp.int32),
        pltpu.VMEM((DPT,), jnp.float32),
        pltpu.VMEM((CW,), jnp.float32),
        pltpu.VMEM_SHARED((DN,), jnp.float32),
    ],
)


def _scatter_body(a_hbm, srcp_hbm, dstp_hbm, zrow_hbm, out_hbm, src_v, dst_v,
                  rbuf0, rbuf1, acc_sh, sem0, sem1, sem2, sem3):
    c = lax.axis_index("c")
    s = lax.axis_index("s")
    w = s * NC + c
    pltpu.sync_copy(srcp_hbm.at[w], src_v)
    pltpu.sync_copy(dstp_hbm.at[w], dst_v)
    base = s * RPT
    rem = RPT - 4 * CW
    pltpu.sync_copy(zrow_hbm, rbuf0)
    for k in range(4):
        pltpu.sync_copy(rbuf0, acc_sh.at[pl.ds(base + k * CW, CW)])
    pltpu.sync_copy(rbuf0.at[pl.ds(0, rem)],
                    acc_sh.at[pl.ds(base + 4 * CW, rem)])
    plsc.subcore_barrier()

    for hb in range(EC // IB):
        pltpu.sync_copy(srcp_hbm.at[w * (EC // IB) + hb], src_v)
        pltpu.sync_copy(dstp_hbm.at[w * (EC // IB) + hb], dst_v)
        pltpu.async_copy(a_hbm.at[src_v.at[0]], rbuf0, sem0)
        pltpu.async_copy(a_hbm.at[src_v.at[1]], rbuf1, sem1)

        def body(i, carry):
            g0 = 2 * i
            g1 = g0 + 1
            pltpu.make_async_copy(zrow_hbm, rbuf0, sem0).wait()
            pltpu.async_copy(rbuf0, acc_sh.at[dst_v.at[g0]], sem2, add=True)
            pltpu.make_async_copy(zrow_hbm, rbuf1, sem1).wait()
            pltpu.async_copy(rbuf1, acc_sh.at[dst_v.at[g1]], sem3, add=True)
            pltpu.make_async_copy(zrow_hbm, rbuf0, sem2).wait()
            pltpu.async_copy(a_hbm.at[src_v.at[jnp.minimum(g0 + 2, IB - 2)]],
                             rbuf0, sem0)
            pltpu.make_async_copy(zrow_hbm, rbuf1, sem3).wait()
            pltpu.async_copy(a_hbm.at[src_v.at[jnp.minimum(g1 + 2, IB - 1)]],
                             rbuf1, sem1)
            return carry

        lax.fori_loop(0, IB // 2, body, 0)
        pltpu.make_async_copy(zrow_hbm, rbuf0, sem0).wait()
        pltpu.make_async_copy(zrow_hbm, rbuf1, sem1).wait()
    plsc.subcore_barrier()
    for k in range(4):
        pltpu.sync_copy(acc_sh.at[pl.ds(base + k * CW, CW)], rbuf0)
        pltpu.sync_copy(rbuf0, out_hbm.at[c, pl.ds(base + k * CW, CW)])
    pltpu.sync_copy(acc_sh.at[pl.ds(base + 4 * CW, rem)],
                    rbuf0.at[pl.ds(0, rem)])
    pltpu.sync_copy(rbuf0.at[pl.ds(0, rem)],
                    out_hbm.at[c, pl.ds(base + 4 * CW, rem)])


_scatter_call = pl.kernel(
    _scatter_body,
    out_type=jax.ShapeDtypeStruct((NC, NROW, D), jnp.float32),
    mesh=_MESH,
    scratch_types=[
        pltpu.VMEM((IB, CW), jnp.int32),
        pltpu.VMEM((IB, CW), jnp.int32),
        pltpu.VMEM((CW, D), jnp.float32),
        pltpu.VMEM((CW, D), jnp.float32),
        pltpu.VMEM_SHARED((NROW, D), jnp.float32),
        pltpu.SemaphoreType.DMA,
        pltpu.SemaphoreType.DMA,
        pltpu.SemaphoreType.DMA,
        pltpu.SemaphoreType.DMA,
    ],
)


TW = 16


def _decode_body(u_hbm, v_hbm, ipp_hbm, jpp_hbm, og_hbm, ip_v, jp_v,
                 ga0, gb0, ga1, gb1, obu, sem0, sem1):
    c = lax.axis_index("c")
    s = lax.axis_index("s")
    w = s * NC + c
    pltpu.sync_copy(ipp_hbm.at[w], ip_v)
    pltpu.sync_copy(jpp_hbm.at[w], jp_v)
    dummy = u_hbm.at[pl.ds(0, CW)]

    pltpu.async_copy(u_hbm.at[ip_v.at[0]], ga0, sem0)
    pltpu.async_copy(v_hbm.at[jp_v.at[0]], gb0, sem0)
    pltpu.async_copy(u_hbm.at[ip_v.at[1]], ga1, sem1)
    pltpu.async_copy(v_hbm.at[jp_v.at[1]], gb1, sem1)

    def emit(g, ga, gb):
        def repack(r, carry2):
            obu[r] = ga[r, pl.ds(0, TW)] + gb[r, pl.ds(0, TW)]
            return carry2

        lax.fori_loop(0, CW, repack, 0)
        orow = pl.ds(w * PPW + g * CW, CW)
        pltpu.sync_copy(obu, og_hbm.at[orow])

    def body(i, carry):
        g0 = 2 * i
        pltpu.make_async_copy(dummy, ga0, sem0).wait()
        pltpu.make_async_copy(dummy, gb0, sem0).wait()
        emit(g0, ga0, gb0)
        nxt = jnp.minimum(g0 + 2, GC - 2)
        pltpu.async_copy(u_hbm.at[ip_v.at[nxt]], ga0, sem0)
        pltpu.async_copy(v_hbm.at[jp_v.at[nxt]], gb0, sem0)
        g1 = g0 + 1
        pltpu.make_async_copy(dummy, ga1, sem1).wait()
        pltpu.make_async_copy(dummy, gb1, sem1).wait()
        emit(g1, ga1, gb1)
        nxt1 = jnp.minimum(g1 + 2, GC - 1)
        pltpu.async_copy(u_hbm.at[ip_v.at[nxt1]], ga1, sem1)
        pltpu.async_copy(v_hbm.at[jp_v.at[nxt1]], gb1, sem1)
        return carry

    lax.fori_loop(0, GC // 2, body, 0)
    pltpu.make_async_copy(dummy, ga0, sem0).wait()
    pltpu.make_async_copy(dummy, gb0, sem0).wait()
    pltpu.make_async_copy(dummy, ga1, sem1).wait()
    pltpu.make_async_copy(dummy, gb1, sem1).wait()


_decode_call = pl.kernel(
    _decode_body,
    out_type=jax.ShapeDtypeStruct((PAD_P, TW), jnp.float32),
    mesh=_MESH,
    scratch_types=[
        pltpu.VMEM((GC, CW), jnp.int32),
        pltpu.VMEM((GC, CW), jnp.int32),
        pltpu.VMEM((CW, D), jnp.float32),
        pltpu.VMEM((CW, D), jnp.float32),
        pltpu.VMEM((CW, D), jnp.float32),
        pltpu.VMEM((CW, D), jnp.float32),
        pltpu.VMEM((CW, TW), jnp.float32),
        pltpu.SemaphoreType.DMA,
        pltpu.SemaphoreType.DMA,
    ],
)


_DOT = functools.partial(jnp.dot, preferred_element_type=jnp.float32,
                         precision=lax.Precision.HIGHEST)


def _dinv_of(dg_ref):
    deg = dg_ref[0] + dg_ref[1] + 1.0
    return lax.rsqrt(jnp.maximum(deg, 1.0))


def _tc_a(x_ref, w1_ref, dg_ref, a1_ref):
    dinv = _dinv_of(dg_ref)
    a1_ref[...] = _DOT(x_ref[...], w1_ref[...]) * dinv


def _tc_c(s1_ref, a1_ref, dg_ref, b1_ref, w2_ref, a2_ref):
    dinv = _dinv_of(dg_ref)
    h = dinv * (s1_ref[0] + s1_ref[1] + a1_ref[...]) + b1_ref[...]
    h = jnp.maximum(h, 0.0)
    a2_ref[...] = _DOT(h, w2_ref[...]) * dinv


def _tc_d(s2_ref, a2_ref, dg_ref, b2_ref, wu_ref, wv_ref, bt_ref, u_ref,
          v_ref):
    dinv = _dinv_of(dg_ref)
    z = dinv * (s2_ref[0] + s2_ref[1] + a2_ref[...]) + b2_ref[...]
    u_ref[...] = _DOT(z, wu_ref[...]) + bt_ref[...]
    v_ref[...] = _DOT(z, wv_ref[...])


def kernel(x, edge_index, edge_index_pairs, W1, b1, W2, b2, Wlin, blin):
    f32 = jnp.float32
    x = x.astype(f32)

    epad = PAD_E - E
    src = jnp.concatenate(
        [edge_index[0], jnp.arange(epad, dtype=jnp.int32) % N])
    dst = jnp.concatenate(
        [edge_index[1], jnp.full((epad,), N, jnp.int32)])
    srcp = src.reshape(NW * (EC // IB), IB, CW)
    dstp = dst.reshape(NW * (EC // IB), IB, CW)

    ppad = PAD_P - P
    ipp = jnp.concatenate(
        [edge_index_pairs[0], jnp.arange(ppad, dtype=jnp.int32) % N]
    ).reshape(NW, GC, CW)
    jpp = jnp.concatenate(
        [edge_index_pairs[1], jnp.arange(ppad, dtype=jnp.int32) % N]
    ).reshape(NW, GC, CW)

    ones = jnp.ones((CW,), f32)
    zdeg = jnp.zeros((DPT,), f32)
    zrow = jnp.zeros((CW, D), f32)

    wu = jnp.zeros((H, D), f32).at[:, 0:2].set(Wlin[:H])
    wv = jnp.zeros((H, D), f32).at[:, 0:2].set(Wlin[H:])
    bt = jnp.zeros((D,), f32).at[:2].set(blin)

    degp = _deg_call(dstp, ones, zdeg)
    dg = degp.reshape(NC, DN)[:, :N].reshape(NC, N, 1)

    BR = 1000
    _row = pl.BlockSpec((BR, D), lambda i: (i, 0))
    _prt = pl.BlockSpec((2, BR, D), lambda i: (0, i, 0))
    _dgb = pl.BlockSpec((2, BR, 1), lambda i: (0, i, 0))
    _vec = pl.BlockSpec((D,), lambda i: (0,))
    _mat = pl.BlockSpec((D, D), lambda i: (0, 0))

    a1 = pl.pallas_call(
        _tc_a,
        grid=(N // BR,),
        in_specs=[_row, _mat, _dgb],
        out_specs=_row,
        out_shape=jax.ShapeDtypeStruct((N, D), f32),
    )(x, W1, dg)

    s1p = _scatter_call(a1, srcp, dstp, zrow)

    a2 = pl.pallas_call(
        _tc_c,
        grid=(N // BR,),
        in_specs=[_prt, _row, _dgb, _vec, _mat],
        out_specs=_row,
        out_shape=jax.ShapeDtypeStruct((N, H), f32),
    )(s1p, a1, dg, b1, W2)

    s2p = _scatter_call(a2, srcp, dstp, zrow)

    ut, vt = pl.pallas_call(
        _tc_d,
        grid=(DN // BR + 1,),
        in_specs=[_prt, _row, _dgb, _vec, _mat, _mat, _vec],
        out_specs=[_row, _row],
        out_shape=[jax.ShapeDtypeStruct((DN, D), f32)] * 2,
    )(s2p, a2, dg, b2, wu, wv, bt)

    og = _decode_call(ut, vt, ipp, jpp)
    return og[:P, :2]

# --- scband reference (transcript-rebuilt; emitter-appended) ---
"""Pipeline reference for scband-gcnlink-predictor-30923764531232 (READ-ONLY COPY).

The authoritative reference and input builder live on the scoring server;
editing this copy changes nothing except your own understanding.
"""

import jax, jax.numpy as jnp
import numpy as np

N = 10000
E = 320000
P = 100000
D = 128
H = 128

def setup_inputs(seed: int = 0) -> dict:
    key = jax.random.key(seed)
    ks = jax.random.split(key, 10)
    x = jax.random.normal(ks[0], (N, D), dtype=jnp.float32)
    edge_index = jax.random.randint(ks[1], (2, E), 0, N, dtype=jnp.int32)
    edge_index_pairs = jax.random.randint(ks[2], (2, P), 0, N, dtype=jnp.int32)
    W1 = jax.random.normal(ks[3], (D, H), dtype=jnp.float32) * 0.05
    b1 = jnp.zeros((H,), dtype=jnp.float32)
    W2 = jax.random.normal(ks[4], (H, H), dtype=jnp.float32) * 0.05
    b2 = jnp.zeros((H,), dtype=jnp.float32)
    Wlin = jax.random.normal(ks[5], (2 * H, 2), dtype=jnp.float32) * 0.05
    blin = jnp.zeros((2,), dtype=jnp.float32)
    return {"x": x, "edge_index": edge_index, "edge_index_pairs": edge_index_pairs,
            "W1": W1, "b1": b1, "W2": W2, "b2": b2, "Wlin": Wlin, "blin": blin}

def _gcn_conv(x, edge_index, W, b):
    # PyG GCNConv: add self-loops, symmetric normalization D^-1/2 A_hat D^-1/2 X W + b
    src = edge_index[0]
    dst = edge_index[1]
    loop = jnp.arange(N, dtype=src.dtype)
    src = jnp.concatenate([src, loop], axis=0)
    dst = jnpp_concat(dst, loop) if False else jnp.concatenate([dst, loop], axis=0)
    xw = x @ W
    ones = jnp.ones(src.shape[0], dtype=x.dtype)
    deg = jax.ops.segment_sum(ones, dst, num_segments=N)
    dinv = jax.lax.rsqrt(jnp.maximum(deg, 1.0))
    norm = dinv[src] * dinv[dst]
    msg = xw[src] * norm[:, None]
    out = jax.ops.segment_sum(msg, dst, num_segments=N)
    return out + b

def reference(x, edge_index, edge_index_pairs, W1, b1, W2, b2, Wlin, blin):
    h = _gcn_conv(x.astype(jnp.float32), edge_index, W1, b1)
    h = jax.nn.relu(h)
    z = _gcn_conv(h, edge_index, W2, b2)
    z_i = z[edge_index_pairs[0]]
    z_j = z[edge_index_pairs[1]]
    z_cat = jnp.concatenate([z_i, z_j], axis=-1)
    return z_cat @ Wlin + blin

if __name__ == "__main__":
    import jax
    _d = setup_inputs()
    print(jax.jit(kernel)(*tuple(_d.values())))

</pallas_src>

<mosaic_0001>
#map = affine_map<(d0, d1) -> (0, 0, 0)>
#map1 = affine_map<(d0, d1) -> (0)>
module attributes {stable_mosaic.version = 14 : i64} {
  func.func @_deg_body(%arg0: i32, %arg1: i32, %arg2: memref<64x40x128xi32, #tpu.memory_space<hbm>>, %arg3: memref<128xf32, #tpu.memory_space<hbm>>, %arg4: memref<632xf32, #tpu.memory_space<hbm>>, %arg5: memref<20224xf32, #tpu.memory_space<hbm>>, %arg6: memref<40x128xi32, #tpu.memory_space<vmem>>, %arg7: memref<632xf32, #tpu.memory_space<vmem>>, %arg8: memref<128xf32, #tpu.memory_space<vmem>>, %arg9: memref<10112xf32, #tpu.memory_space<vmem_shared>>) attributes {dimension_semantics = [#tpu.dimension_semantics<core_parallel>, #tpu.dimension_semantics<subcore_parallel>], iteration_bounds = array<i64: 2, 16>, scalar_prefetch = 0 : i64, scratch_operands = 4 : i64, tpu.core_type = #tpu.core_type<sc_vector_subcore>, window_params = [{transform_indices = #map}, {transform_indices = #map1}, {transform_indices = #map1}, {transform_indices = #map1}]} {
    %mul3A = arith.constant 2 : i32
    %mul3A_0 = arith.muli %arg1, %mul3A : i32
    %add3A = arith.addi %mul3A_0, %arg0 : i32
    "tpu.region"() ({
      %run_scoped3A = tpu.sem_alloc : memref<!tpu.dma_semaphore, #tpu.memory_space<semaphore_mem>>
      tpu.enqueue_dma source(%arg3 : memref<128xf32, #tpu.memory_space<hbm>>) target(%arg8 : memref<128xf32, #tpu.memory_space<vmem>>) target_semaphore(%run_scoped3A : memref<!tpu.dma_semaphore, #tpu.memory_space<semaphore_mem>>)
      tpu.wait_dma2 semaphore(%run_scoped3A : memref<!tpu.dma_semaphore, #tpu.memory_space<semaphore_mem>>) src(%arg3 : memref<128xf32, #tpu.memory_space<hbm>>) dst(%arg8 : memref<128xf32, #tpu.memory_space<vmem>>)
      tpu.yield
    }) : () -> ()
    "tpu.region"() ({
      %run_scoped3A = tpu.sem_alloc : memref<!tpu.dma_semaphore, #tpu.memory_space<semaphore_mem>>
      tpu.enqueue_dma source(%arg4 : memref<632xf32, #tpu.memory_space<hbm>>) target(%arg7 : memref<632xf32, #tpu.memory_space<vmem>>) target_semaphore(%run_scoped3A : memref<!tpu.dma_semaphore, #tpu.memory_space<semaphore_mem>>)
      tpu.wait_dma2 semaphore(%run_scoped3A : memref<!tpu.dma_semaphore, #tpu.memory_space<semaphore_mem>>) src(%arg4 : memref<632xf32, #tpu.memory_space<hbm>>) dst(%arg7 : memref<632xf32, #tpu.memory_space<vmem>>)
      tpu.yield
    }) : () -> ()
    %mul3A_1 = arith.constant 632 : i32
    %mul3A_2 = arith.muli %arg1, %mul3A_1 : i32
    "tpu.region"() ({
      %run_scoped3A = tpu.sem_alloc : memref<!tpu.dma_semaphore, #tpu.memory_space<semaphore_mem>>
      %dma_start3A = tpu.memref_slice %arg9[%mul3A_2] : memref<10112xf32, #tpu.memory_space<vmem_shared>> -> memref<632xf32, #tpu.memory_space<vmem_shared>>
      %dma_start3A_30 = tpu.memref_slice %arg9[%mul3A_2] : memref<10112xf32, #tpu.memory_space<vmem_shared>> -> memref<632xf32, #tpu.memory_space<vmem_shared>>
      tpu.enqueue_dma source(%arg7 : memref<632xf32, #tpu.memory_space<vmem>>) target(%dma_start3A_30 : memref<632xf32, #tpu.memory_space<vmem_shared>>) target_semaphore(%run_scoped3A : memref<!tpu.dma_semaphore, #tpu.memory_space<semaphore_mem>>)
      %dma_wait3A = tpu.memref_slice %arg9[%mul3A_2] : memref<10112xf32, #tpu.memory_space<vmem_shared>> -> memref<632xf32, #tpu.memory_space<vmem_shared>>
      %dma_wait3A_31 = tpu.memref_slice %arg9[%mul3A_2] : memref<10112xf32, #tpu.memory_space<vmem_shared>> -> memref<632xf32, #tpu.memory_space<vmem_shared>>
      tpu.wait_dma2 semaphore(%run_scoped3A : memref<!tpu.dma_semaphore, #tpu.memory_space<semaphore_mem>>) src(%arg7 : memref<632xf32, #tpu.memory_space<vmem>>) dst(%dma_wait3A_31 : memref<632xf32, #tpu.memory_space<vmem_shared>>)
      tpu.yield
    }) : () -> ()
    %barrier3A = arith.constant 0 : index
    tpu.barrier barrier_id(%barrier3A)
    %mul3A_3 = arith.constant 2 : i32
    %mul3A_4 = arith.muli %add3A, %mul3A_3 : i32
    %add3A_5 = arith.constant 0 : i32
    %add3A_6 = arith.addi %mul3A_4, %add3A_5 : i32
    "tpu.region"() ({
      %run_scoped3A = tpu.sem_alloc : memref<!tpu.dma_semaphore, #tpu.memory_space<semaphore_mem>>
      %dma_start3A = arith.constant 0 : i32
      %dma_start3A_30 = arith.constant 0 : i32
      %dma_start3A_31 = tpu.memref_slice %arg2[%add3A_6, %dma_start3A, %dma_start3A_30] : memref<64x40x128xi32, #tpu.memory_space<hbm>> -> memref<1x40x128xi32, #tpu.memory_space<hbm>>
      %dma_start3A_32 = tpu.memref_squeeze %dma_start3A_31 : memref<1x40x128xi32, #tpu.memory_space<hbm>> -> memref<40x128xi32, #tpu.memory_space<hbm>>
      %dma_start3A_33 = arith.constant 0 : i32
      %dma_start3A_34 = arith.constant 0 : i32
      %dma_start3A_35 = tpu.memref_slice %arg2[%add3A_6, %dma_start3A_33, %dma_start3A_34] : memref<64x40x128xi32, #tpu.memory_space<hbm>> -> memref<1x40x128xi32, #tpu.memory_space<hbm>>
      %dma_start3A_36 = tpu.memref_squeeze %dma_start3A_35 : memref<1x40x128xi32, #tpu.memory_space<hbm>> -> memref<40x128xi32, #tpu.memory_space<hbm>>
      tpu.enqueue_dma source(%dma_start3A_36 : memref<40x128xi32, #tpu.memory_space<hbm>>) target(%arg6 : memref<40x128xi32, #tpu.memory_space<vmem>>) target_semaphore(%run_scoped3A : memref<!tpu.dma_semaphore, #tpu.memory_space<semaphore_mem>>)
      %dma_wait3A = arith.constant 0 : i32
      %dma_wait3A_37 = arith.constant 0 : i32
      %dma_wait3A_38 = tpu.memref_slice %arg2[%add3A_6, %dma_wait3A, %dma_wait3A_37] : memref<64x40x128xi32, #tpu.memory_space<hbm>> -> memref<1x40x128xi32, #tpu.memory_space<hbm>>
      %dma_wait3A_39 = tpu.memref_squeeze %dma_wait3A_38 : memref<1x40x128xi32, #tpu.memory_space<hbm>> -> memref<40x128xi32, #tpu.memory_space<hbm>>
      %dma_wait3A_40 = arith.constant 0 : i32
      %dma_wait3A_41 = arith.constant 0 : i32
      %dma_wait3A_42 = tpu.memref_slice %arg2[%add3A_6, %dma_wait3A_40, %dma_wait3A_41] : memref<64x40x128xi32, #tpu.memory_space<hbm>> -> memref<1x40x128xi32, #tpu.memory_space<hbm>>
      %dma_wait3A_43 = tpu.memref_squeeze %dma_wait3A_42 : memref<1x40x128xi32, #tpu.memory_space<hbm>> -> memref<40x128xi32, #tpu.memory_space<hbm>>
      tpu.wait_dma2 semaphore(%run_scoped3A : memref<!tpu.dma_semaphore, #tpu.memory_space<semaphore_mem>>) src(%dma_wait3A_43 : memref<40x128xi32, #tpu.memory_space<hbm>>) dst(%arg6 : memref<40x128xi32, #tpu.memory_space<vmem>>)
      tpu.yield
    }) : () -> ()
    %scan3A = arith.constant 0 : i32
    %scan3A_7 = arith.constant 0 : i32
    %scan3A_8 = arith.constant 40 : i32
    %scan3A_9 = arith.addi %scan3A_7, %scan3A_8 : i32
    %scan3A_10 = arith.constant 1 : i32
    scf.for %scan3A_30 = %scan3A_7 to %scan3A_9 step %scan3A_10  : i32 {
      "tpu.region"() ({
        %run_scoped3A = tpu.sem_alloc : memref<!tpu.dma_semaphore, #tpu.memory_space<semaphore_mem>>
        %dma_start3A = arith.constant 0 : i32
        %dma_start3A_31 = tpu.memref_slice %arg6[%scan3A_30, %dma_start3A] : memref<40x128xi32, #tpu.memory_space<vmem>> -> memref<1x128xi32, #tpu.memory_space<vmem>>
        %dma_start3A_32 = tpu.memref_squeeze %dma_start3A_31 : memref<1x128xi32, #tpu.memory_space<vmem>> -> memref<128xi32, #tpu.memory_space<vmem>>
        %dma_start3A_33 = arith.constant 0 : i32
        %dma_start3A_34 = tpu.memref_slice %arg9[%dma_start3A_33] : memref<10112xf32, #tpu.memory_space<vmem_shared>> -> memref<10112xf32, #tpu.memory_space<vmem_shared>>
        tpu.enqueue_indirect_dma source(%arg8 : memref<128xf32, #tpu.memory_space<vmem>>) target(%dma_start3A_34 : memref<10112xf32, #tpu.memory_space<vmem_shared>>) offsets(%dma_start3A_32 : memref<128xi32, #tpu.memory_space<vmem>>) semaphore(%run_scoped3A : memref<!tpu.dma_semaphore, #tpu.memory_space<semaphore_mem>>) {add = true}
        %dma_wait3A = arith.constant 0 : i32
        %dma_wait3A_35 = tpu.memref_slice %arg6[%scan3A_30, %dma_wait3A] : memref<40x128xi32, #tpu.memory_space<vmem>> -> memref<1x128xi32, #tpu.memory_space<vmem>>
        %dma_wait3A_36 = tpu.memref_squeeze %dma_wait3A_35 : memref<1x128xi32, #tpu.memory_space<vmem>> -> memref<128xi32, #tpu.memory_space<vmem>>
        %dma_wait3A_37 = arith.constant 0 : i32
        %dma_wait3A_38 = tpu.memref_slice %arg9[%dma_wait3A_37] : memref<10112xf32, #tpu.memory_space<vmem_shared>> -> memref<10112xf32, #tpu.memory_space<vmem_shared>>
        tpu.wait_indirect_dma semaphore(%run_scoped3A : memref<!tpu.dma_semaphore, #tpu.memory_space<semaphore_mem>>) src(%arg8 : memref<128xf32, #tpu.memory_space<vmem>>) dst(%dma_wait3A_38 : memref<10112xf32, #tpu.memory_space<vmem_shared>>)
        tpu.yield
      }) : () -> ()
    }
    %scan3A_11 = arith.constant 40 : i32
    %mul3A_12 = arith.constant 2 : i32
    %mul3A_13 = arith.muli %add3A, %mul3A_12 : i32
    %add3A_14 = arith.constant 1 : i32
    %add3A_15 = arith.addi %mul3A_13, %add3A_14 : i32
    "tpu.region"() ({
      %run_scoped3A = tpu.sem_alloc : memref<!tpu.dma_semaphore, #tpu.memory_space<semaphore_mem>>
      %dma_start3A = arith.constant 0 : i32
      %dma_start3A_30 = arith.constant 0 : i32
      %dma_start3A_31 = tpu.memref_slice %arg2[%add3A_15, %dma_start3A, %dma_start3A_30] : memref<64x40x128xi32, #tpu.memory_space<hbm>> -> memref<1x40x128xi32, #tpu.memory_space<hbm>>
      %dma_start3A_32 = tpu.memref_squeeze %dma_start3A_31 : memref<1x40x128xi32, #tpu.memory_space<hbm>> -> memref<40x128xi32, #tpu.memory_space<hbm>>
      %dma_start3A_33 = arith.constant 0 : i32
      %dma_start3A_34 = arith.constant 0 : i32
      %dma_start3A_35 = tpu.memref_slice %arg2[%add3A_15, %dma_start3A_33, %dma_start3A_34] : memref<64x40x128xi32, #tpu.memory_space<hbm>> -> memref<1x40x128xi32, #tpu.memory_space<hbm>>
      %dma_start3A_36 = tpu.memref_squeeze %dma_start3A_35 : memref<1x40x128xi32, #tpu.memory_space<hbm>> -> memref<40x128xi32, #tpu.memory_space<hbm>>
      tpu.enqueue_dma source(%dma_start3A_36 : memref<40x128xi32, #tpu.memory_space<hbm>>) target(%arg6 : memref<40x128xi32, #tpu.memory_space<vmem>>) target_semaphore(%run_scoped3A : memref<!tpu.dma_semaphore, #tpu.memory_space<semaphore_mem>>)
      %dma_wait3A = arith.constant 0 : i32
      %dma_wait3A_37 = arith.constant 0 : i32
      %dma_wait3A_38 = tpu.memref_slice %arg2[%add3A_15, %dma_wait3A, %dma_wait3A_37] : memref<64x40x128xi32, #tpu.memory_space<hbm>> -> memref<1x40x128xi32, #tpu.memory_space<hbm>>
      %dma_wait3A_39 = tpu.memref_squeeze %dma_wait3A_38 : memref<1x40x128xi32, #tpu.memory_space<hbm>> -> memref<40x128xi32, #tpu.memory_space<hbm>>
      %dma_wait3A_40 = arith.constant 0 : i32
      %dma_wait3A_41 = arith.constant 0 : i32
      %dma_wait3A_42 = tpu.memref_slice %arg2[%add3A_15, %dma_wait3A_40, %dma_wait3A_41] : memref<64x40x128xi32, #tpu.memory_space<hbm>> -> memref<1x40x128xi32, #tpu.memory_space<hbm>>
      %dma_wait3A_43 = tpu.memref_squeeze %dma_wait3A_42 : memref<1x40x128xi32, #tpu.memory_space<hbm>> -> memref<40x128xi32, #tpu.memory_space<hbm>>
      tpu.wait_dma2 semaphore(%run_scoped3A : memref<!tpu.dma_semaphore, #tpu.memory_space<semaphore_mem>>) src(%dma_wait3A_43 : memref<40x128xi32, #tpu.memory_space<hbm>>) dst(%arg6 : memref<40x128xi32, #tpu.memory_space<vmem>>)
      tpu.yield
    }) : () -> ()
    %scan3A_16 = arith.constant 0 : i32
    %scan3A_17 = arith.constant 0 : i32
    %scan3A_18 = arith.constant 40 : i32
    %scan3A_19 = arith.addi %scan3A_17, %scan3A_18 : i32
    %scan3A_20 = arith.constant 1 : i32
    scf.for %scan3A_30 = %scan3A_17 to %scan3A_19 step %scan3A_20  : i32 {
      "tpu.region"() ({
        %run_scoped3A = tpu.sem_alloc : memref<!tpu.dma_semaphore, #tpu.memory_space<semaphore_mem>>
        %dma_start3A = arith.constant 0 : i32
        %dma_start3A_31 = tpu.memref_slice %arg6[%scan3A_30, %dma_start3A] : memref<40x128xi32, #tpu.memory_space<vmem>> -> memref<1x128xi32, #tpu.memory_space<vmem>>
        %dma_start3A_32 = tpu.memref_squeeze %dma_start3A_31 : memref<1x128xi32, #tpu.memory_space<vmem>> -> memref<128xi32, #tpu.memory_space<vmem>>
        %dma_start3A_33 = arith.constant 0 : i32
        %dma_start3A_34 = tpu.memref_slice %arg9[%dma_start3A_33] : memref<10112xf32, #tpu.memory_space<vmem_shared>> -> memref<10112xf32, #tpu.memory_space<vmem_shared>>
        tpu.enqueue_indirect_dma source(%arg8 : memref<128xf32, #tpu.memory_space<vmem>>) target(%dma_start3A_34 : memref<10112xf32, #tpu.memory_space<vmem_shared>>) offsets(%dma_start3A_32 : memref<128xi32, #tpu.memory_space<vmem>>) semaphore(%run_scoped3A : memref<!tpu.dma_semaphore, #tpu.memory_space<semaphore_mem>>) {add = true}
        %dma_wait3A = arith.constant 0 : i32
        %dma_wait3A_35 = tpu.memref_slice %arg6[%scan3A_30, %dma_wait3A] : memref<40x128xi32, #tpu.memory_space<vmem>> -> memref<1x128xi32, #tpu.memory_space<vmem>>
        %dma_wait3A_36 = tpu.memref_squeeze %dma_wait3A_35 : memref<1x128xi32, #tpu.memory_space<vmem>> -> memref<128xi32, #tpu.memory_space<vmem>>
        %dma_wait3A_37 = arith.constant 0 : i32
        %dma_wait3A_38 = tpu.memref_slice %arg9[%dma_wait3A_37] : memref<10112xf32, #tpu.memory_space<vmem_shared>> -> memref<10112xf32, #tpu.memory_space<vmem_shared>>
        tpu.wait_indirect_dma semaphore(%run_scoped3A : memref<!tpu.dma_semaphore, #tpu.memory_space<semaphore_mem>>) src(%arg8 : memref<128xf32, #tpu.memory_space<vmem>>) dst(%dma_wait3A_38 : memref<10112xf32, #tpu.memory_space<vmem_shared>>)
        tpu.yield
      }) : () -> ()
    }
    %scan3A_21 = arith.constant 40 : i32
    %barrier3A_22 = arith.constant 0 : index
    tpu.barrier barrier_id(%barrier3A_22)
    %mul3A_23 = arith.constant 632 : i32
    %mul3A_24 = arith.muli %arg1, %mul3A_23 : i32
    "tpu.region"() ({
      %run_scoped3A = tpu.sem_alloc : memref<!tpu.dma_semaphore, #tpu.memory_space<semaphore_mem>>
      %dma_start3A = tpu.memref_slice %arg9[%mul3A_24] : memref<10112xf32, #tpu.memory_space<vmem_shared>> -> memref<632xf32, #tpu.memory_space<vmem_shared>>
      %dma_start3A_30 = tpu.memref_slice %arg9[%mul3A_24] : memref<10112xf32, #tpu.memory_space<vmem_shared>> -> memref<632xf32, #tpu.memory_space<vmem_shared>>
      tpu.enqueue_dma source(%dma_start3A_30 : memref<632xf32, #tpu.memory_space<vmem_shared>>) target(%arg7 : memref<632xf32, #tpu.memory_space<vmem>>) target_semaphore(%run_scoped3A : memref<!tpu.dma_semaphore, #tpu.memory_space<semaphore_mem>>)
      %dma_wait3A = tpu.memref_slice %arg9[%mul3A_24] : memref<10112xf32, #tpu.memory_space<vmem_shared>> -> memref<632xf32, #tpu.memory_space<vmem_shared>>
      %dma_wait3A_31 = tpu.memref_slice %arg9[%mul3A_24] : memref<10112xf32, #tpu.memory_space<vmem_shared>> -> memref<632xf32, #tpu.memory_space<vmem_shared>>
      tpu.wait_dma2 semaphore(%run_scoped3A : memref<!tpu.dma_semaphore, #tpu.memory_space<semaphore_mem>>) src(%dma_wait3A_31 : memref<632xf32, #tpu.memory_space<vmem_shared>>) dst(%arg7 : memref<632xf32, #tpu.memory_space<vmem>>)
      tpu.yield
    }) : () -> ()
    %mul3A_25 = arith.constant 10112 : i32
    %mul3A_26 = arith.muli %arg0, %mul3A_25 : i32
    %mul3A_27 = arith.constant 632 : i32
    %mul3A_28 = arith.muli %arg1, %mul3A_27 : i32
    %add3A_29 = arith.addi %mul3A_26, %mul3A_28 : i32
    "tpu.region"() ({
      %run_scoped3A = tpu.sem_alloc : memref<!tpu.dma_semaphore, #tpu.memory_space<semaphore_mem>>
      %dma_start3A = tpu.memref_slice %arg5[%add3A_29] : memref<20224xf32, #tpu.memory_space<hbm>> -> memref<632xf32, #tpu.memory_space<hbm>>
      %dma_start3A_30 = tpu.memref_slice %arg5[%add3A_29] : memref<20224xf32, #tpu.memory_space<hbm>> -> memref<632xf32, #tpu.memory_space<hbm>>
      tpu.enqueue_dma source(%arg7 : memref<632xf32, #tpu.memory_space<vmem>>) target(%dma_start3A_30 : memref<632xf32, #tpu.memory_space<hbm>>) target_semaphore(%run_scoped3A : memref<!tpu.dma_semaphore, #tpu.memory_space<semaphore_mem>>)
      %dma_wait3A = tpu.memref_slice %arg5[%add3A_29] : memref<20224xf32, #tpu.memory_space<hbm>> -> memref<632xf32, #tpu.memory_space<hbm>>
      %dma_wait3A_31 = tpu.memref_slice %arg5[%add3A_29] : memref<20224xf32, #tpu.memory_space<hbm>> -> memref<632xf32, #tpu.memory_space<hbm>>
      tpu.wait_dma2 semaphore(%run_scoped3A : memref<!tpu.dma_semaphore, #tpu.memory_space<semaphore_mem>>) src(%arg7 : memref<632xf32, #tpu.memory_space<vmem>>) dst(%dma_wait3A_31 : memref<632xf32, #tpu.memory_space<hbm>>)
      tpu.yield
    }) : () -> ()
    return
  }
}

#map = affine_map<(d0, d1) -> (0, 0)>
#map1 = affine_map<(d0, d1) -> (0, 0, 0)>
module attributes {stable_mosaic.version = 14 : i64} {
  func.func @_scatter_body(%arg0: i32, %arg1: i32, %arg2: memref<10000x128xf32, #tpu.memory_space<hbm>>, %arg3: memref<64x40x128xi32, #tpu.memory_space<hbm>>, %arg4: memref<64x40x128xi32, #tpu.memory_space<hbm>>, %arg5: memref<128x128xf32, #tpu.memory_space<hbm>>, %arg6: memref<2x10112x128xf32, #tpu.memory_space<hbm>>, %arg7: memref<40x128xi32, #tpu.memory_space<vmem>>, %arg8: memref<40x128xi32, #tpu.memory_space<vmem>>, %arg9: memref<128x128xf32, #tpu.memory_space<vmem>>, %arg10: memref<128x128xf32, #tpu.memory_space<vmem>>, %arg11: memref<10112x128xf32, #tpu.memory_space<vmem_shared>>, %arg12: memref<!tpu.dma_semaphore, #tpu.memory_space<semaphore_mem>>, %arg13: memref<!tpu.dma_semaphore, #tpu.memory_space<semaphore_mem>>, %arg14: memref<!tpu.dma_semaphore, #tpu.memory_space<semaphore_mem>>, %arg15: memref<!tpu.dma_semaphore, #tpu.memory_space<semaphore_mem>>) attributes {dimension_semantics = [#tpu.dimension_semantics<core_parallel>, #tpu.dimension_semantics<subcore_parallel>], iteration_bounds = array<i64: 2, 16>, scalar_prefetch = 0 : i64, scratch_operands = 9 : i64, tpu.core_type = #tpu.core_type<sc_vector_subcore>, window_params = [{transform_indices = #map}, {transform_indices = #map1}, {transform_indices = #map1}, {transform_indices = #map}, {transform_indices = #map1}]} {
    %mul3A = arith.constant 2 : i32
    %mul3A_0 = arith.muli %arg1, %mul3A : i32
    %add3A = arith.addi %mul3A_0, %arg0 : i32
    "tpu.region"() ({
      %run_scoped3A = tpu.sem_alloc : memref<!tpu.dma_semaphore, #tpu.memory_space<semaphore_mem>>
      %dma_start3A_88 = arith.constant 0 : i32
      %dma_start3A_89 = arith.constant 0 : i32
      %dma_start3A_90 = tpu.memref_slice %arg3[%add3A, %dma_start3A_88, %dma_start3A_89] : memref<64x40x128xi32, #tpu.memory_space<hbm>> -> memref<1x40x128xi32, #tpu.memory_space<hbm>>
      %dma_start3A_91 = tpu.memref_squeeze %dma_start3A_90 : memref<1x40x128xi32, #tpu.memory_space<hbm>> -> memref<40x128xi32, #tpu.memory_space<hbm>>
      %dma_start3A_92 = arith.constant 0 : i32
      %dma_start3A_93 = arith.constant 0 : i32
      %dma_start3A_94 = tpu.memref_slice %arg3[%add3A, %dma_start3A_92, %dma_start3A_93] : memref<64x40x128xi32, #tpu.memory_space<hbm>> -> memref<1x40x128xi32, #tpu.memory_space<hbm>>
      %dma_start3A_95 = tpu.memref_squeeze %dma_start3A_94 : memref<1x40x128xi32, #tpu.memory_space<hbm>> -> memref<40x128xi32, #tpu.memory_space<hbm>>
      tpu.enqueue_dma source(%dma_start3A_95 : memref<40x128xi32, #tpu.memory_space<hbm>>) target(%arg7 : memref<40x128xi32, #tpu.memory_space<vmem>>) target_semaphore(%run_scoped3A : memref<!tpu.dma_semaphore, #tpu.memory_space<semaphore_mem>>)
      %dma_wait3A = arith.constant 0 : i32
      %dma_wait3A_96 = arith.constant 0 : i32
      %dma_wait3A_97 = tpu.memref_slice %arg3[%add3A, %dma_wait3A, %dma_wait3A_96] : memref<64x40x128xi32, #tpu.memory_space<hbm>> -> memref<1x40x128xi32, #tpu.memory_space<hbm>>
      %dma_wait3A_98 = tpu.memref_squeeze %dma_wait3A_97 : memref<1x40x128xi32, #tpu.memory_space<hbm>> -> memref<40x128xi32, #tpu.memory_space<hbm>>
      %dma_wait3A_99 = arith.constant 0 : i32
      %dma_wait3A_100 = arith.constant 0 : i32
      %dma_wait3A_101 = tpu.memref_slice %arg3[%add3A, %dma_wait3A_99, %dma_wait3A_100] : memref<64x40x128xi32, #tpu.memory_space<hbm>> -> memref<1x40x128xi32, #tpu.memory_space<hbm>>
      %dma_wait3A_102 = tpu.memref_squeeze %dma_wait3A_101 : memref<1x40x128xi32, #tpu.memory_space<hbm>> -> memref<40x128xi32, #tpu.memory_space<hbm>>
      tpu.wait_dma2 semaphore(%run_scoped3A : memref<!tpu.dma_semaphore, #tpu.memory_space<semaphore_mem>>) src(%dma_wait3A_102 : memref<40x128xi32, #tpu.memory_space<hbm>>) dst(%arg7 : memref<40x128xi32, #tpu.memory_space<vmem>>)
      tpu.yield
    }) : () -> ()
    "tpu.region"() ({
      %run_scoped3A = tpu.sem_alloc : memref<!tpu.dma_semaphore, #tpu.memory_space<semaphore_mem>>
      %dma_start3A_88 = arith.constant 0 : i32
      %dma_start3A_89 = arith.constant 0 : i32
      %dma_start3A_90 = tpu.memref_slice %arg4[%add3A, %dma_start3A_88, %dma_start3A_89] : memref<64x40x128xi32, #tpu.memory_space<hbm>> -> memref<1x40x128xi32, #tpu.memory_space<hbm>>
      %dma_start3A_91 = tpu.memref_squeeze %dma_start3A_90 : memref<1x40x128xi32, #tpu.memory_space<hbm>> -> memref<40x128xi32, #tpu.memory_space<hbm>>
      %dma_start3A_92 = arith.constant 0 : i32
      %dma_start3A_93 = arith.constant 0 : i32
      %dma_start3A_94 = tpu.memref_slice %arg4[%add3A, %dma_start3A_92, %dma_start3A_93] : memref<64x40x128xi32, #tpu.memory_space<hbm>> -> memref<1x40x128xi32, #tpu.memory_space<hbm>>
      %dma_start3A_95 = tpu.memref_squeeze %dma_start3A_94 : memref<1x40x128xi32, #tpu.memory_space<hbm>> -> memref<40x128xi32, #tpu.memory_space<hbm>>
      tpu.enqueue_dma source(%dma_start3A_95 : memref<40x128xi32, #tpu.memory_space<hbm>>) target(%arg8 : memref<40x128xi32, #tpu.memory_space<vmem>>) target_semaphore(%run_scoped3A : memref<!tpu.dma_semaphore, #tpu.memory_space<semaphore_mem>>)
      %dma_wait3A = arith.constant 0 : i32
      %dma_wait3A_96 = arith.constant 0 : i32
      %dma_wait3A_97 = tpu.memref_slice %arg4[%add3A, %dma_wait3A, %dma_wait3A_96] : memref<64x40x128xi32, #tpu.memory_space<hbm>> -> memref<1x40x128xi32, #tpu.memory_space<hbm>>
      %dma_wait3A_98 = tpu.memref_squeeze %dma_wait3A_97 : memref<1x40x128xi32, #tpu.memory_space<hbm>> -> memref<40x128xi32, #tpu.memory_space<hbm>>
      %dma_wait3A_99 = arith.constant 0 : i32
      %dma_wait3A_100 = arith.constant 0 : i32
      %dma_wait3A_101 = tpu.memref_slice %arg4[%add3A, %dma_wait3A_99, %dma_wait3A_100] : memref<64x40x128xi32, #tpu.memory_space<hbm>> -> memref<1x40x128xi32, #tpu.memory_space<hbm>>
      %dma_wait3A_102 = tpu.memref_squeeze %dma_wait3A_101 : memref<1x40x128xi32, #tpu.memory_space<hbm>> -> memref<40x128xi32, #tpu.memory_space<hbm>>
      tpu.wait_dma2 semaphore(%run_scoped3A : memref<!tpu.dma_semaphore, #tpu.memory_space<semaphore_mem>>) src(%dma_wait3A_102 : memref<40x128xi32, #tpu.memory_space<hbm>>) dst(%arg8 : memref<40x128xi32, #tpu.memory_space<vmem>>)
      tpu.yield
    }) : () -> ()
    %mul3A_1 = arith.constant 632 : i32
    %mul3A_2 = arith.muli %arg1, %mul3A_1 : i32
    "tpu.region"() ({
      %run_scoped3A = tpu.sem_alloc : memref<!tpu.dma_semaphore, #tpu.memory_space<semaphore_mem>>
      tpu.enqueue_dma source(%arg5 : memref<128x128xf32, #tpu.memory_space<hbm>>) target(%arg9 : memref<128x128xf32, #tpu.memory_space<vmem>>) target_semaphore(%run_scoped3A : memref<!tpu.dma_semaphore, #tpu.memory_space<semaphore_mem>>)
      tpu.wait_dma2 semaphore(%run_scoped3A : memref<!tpu.dma_semaphore, #tpu.memory_space<semaphore_mem>>) src(%arg5 : memref<128x128xf32, #tpu.memory_space<hbm>>) dst(%arg9 : memref<128x128xf32, #tpu.memory_space<vmem>>)
      tpu.yield
    }) : () -> ()
    %add3A_3 = arith.constant 0 : i32
    %add3A_4 = arith.addi %mul3A_2, %add3A_3 : i32
    "tpu.region"() ({
      %run_scoped3A = tpu.sem_alloc : memref<!tpu.dma_semaphore, #tpu.memory_space<semaphore_mem>>
      %dma_start3A_88 = arith.constant 0 : i32
      %dma_start3A_89 = tpu.memref_slice %arg11[%add3A_4, %dma_start3A_88] : memref<10112x128xf32, #tpu.memory_space<vmem_shared>> -> memref<128x128xf32, #tpu.memory_space<vmem_shared>>
      %dma_start3A_90 = arith.constant 0 : i32
      %dma_start3A_91 = tpu.memref_slice %arg11[%add3A_4, %dma_start3A_90] : memref<10112x128xf32, #tpu.memory_space<vmem_shared>> -> memref<128x128xf32, #tpu.memory_space<vmem_shared>>
      tpu.enqueue_dma source(%arg9 : memref<128x128xf32, #tpu.memory_space<vmem>>) target(%dma_start3A_91 : memref<128x128xf32, #tpu.memory_space<vmem_shared>>) target_semaphore(%run_scoped3A : memref<!tpu.dma_semaphore, #tpu.memory_space<semaphore_mem>>)
      %dma_wait3A = arith.constant 0 : i32
      %dma_wait3A_92 = tpu.memref_slice %arg11[%add3A_4, %dma_wait3A] : memref<10112x128xf32, #tpu.memory_space<vmem_shared>> -> memref<128x128xf32, #tpu.memory_space<vmem_shared>>
      %dma_wait3A_93 = arith.constant 0 : i32
      %dma_wait3A_94 = tpu.memref_slice %arg11[%add3A_4, %dma_wait3A_93] : memref<10112x128xf32, #tpu.memory_space<vmem_shared>> -> memref<128x128xf32, #tpu.memory_space<vmem_shared>>
      tpu.wait_dma2 semaphore(%run_scoped3A : memref<!tpu.dma_semaphore, #tpu.memory_space<semaphore_mem>>) src(%arg9 : memref<128x128xf32, #tpu.memory_space<vmem>>) dst(%dma_wait3A_94 : memref<128x128xf32, #tpu.memory_space<vmem_shared>>)
      tpu.yield
    }) : () -> ()
    %add3A_5 = arith.constant 128 : i32
    %add3A_6 = arith.addi %mul3A_2, %add3A_5 : i32
    "tpu.region"() ({
      %run_scoped3A = tpu.sem_alloc : memref<!tpu.dma_semaphore, #tpu.memory_space<semaphore_mem>>
      %dma_start3A_88 = arith.constant 0 : i32
      %dma_start3A_89 = tpu.memref_slice %arg11[%add3A_6, %dma_start3A_88] : memref<10112x128xf32, #tpu.memory_space<vmem_shared>> -> memref<128x128xf32, #tpu.memory_space<vmem_shared>>
      %dma_start3A_90 = arith.constant 0 : i32
      %dma_start3A_91 = tpu.memref_slice %arg11[%add3A_6, %dma_start3A_90] : memref<10112x128xf32, #tpu.memory_space<vmem_shared>> -> memref<128x128xf32, #tpu.memory_space<vmem_shared>>
      tpu.enqueue_dma source(%arg9 : memref<128x128xf32, #tpu.memory_space<vmem>>) target(%dma_start3A_91 : memref<128x128xf32, #tpu.memory_space<vmem_shared>>) target_semaphore(%run_scoped3A : memref<!tpu.dma_semaphore, #tpu.memory_space<semaphore_mem>>)
      %dma_wait3A = arith.constant 0 : i32
      %dma_wait3A_92 = tpu.memref_slice %arg11[%add3A_6, %dma_wait3A] : memref<10112x128xf32, #tpu.memory_space<vmem_shared>> -> memref<128x128xf32, #tpu.memory_space<vmem_shared>>
      %dma_wait3A_93 = arith.constant 0 : i32
      %dma_wait3A_94 = tpu.memref_slice %arg11[%add3A_6, %dma_wait3A_93] : memref<10112x128xf32, #tpu.memory_space<vmem_shared>> -> memref<128x128xf32, #tpu.memory_space<vmem_shared>>
      tpu.wait_dma2 semaphore(%run_scoped3A : memref<!tpu.dma_semaphore, #tpu.memory_space<semaphore_mem>>) src(%arg9 : memref<128x128xf32, #tpu.memory_space<vmem>>) dst(%dma_wait3A_94 : memref<128x128xf32, #tpu.memory_space<vmem_shared>>)
      tpu.yield
    }) : () -> ()
    %add3A_7 = arith.constant 256 : i32
    %add3A_8 = arith.addi %mul3A_2, %add3A_7 : i32
    "tpu.region"() ({
      %run_scoped3A = tpu.sem_alloc : memref<!tpu.dma_semaphore, #tpu.memory_space<semaphore_mem>>
      %dma_start3A_88 = arith.constant 0 : i32
      %dma_start3A_89 = tpu.memref_slice %arg11[%add3A_8, %dma_start3A_88] : memref<10112x128xf32, #tpu.memory_space<vmem_shared>> -> memref<128x128xf32, #tpu.memory_space<vmem_shared>>
      %dma_start3A_90 = arith.constant 0 : i32
      %dma_start3A_91 = tpu.memref_slice %arg11[%add3A_8, %dma_start3A_90] : memref<10112x128xf32, #tpu.memory_space<vmem_shared>> -> memref<128x128xf32, #tpu.memory_space<vmem_shared>>
      tpu.enqueue_dma source(%arg9 : memref<128x128xf32, #tpu.memory_space<vmem>>) target(%dma_start3A_91 : memref<128x128xf32, #tpu.memory_space<vmem_shared>>) target_semaphore(%run_scoped3A : memref<!tpu.dma_semaphore, #tpu.memory_space<semaphore_mem>>)
      %dma_wait3A = arith.constant 0 : i32
      %dma_wait3A_92 = tpu.memref_slice %arg11[%add3A_8, %dma_wait3A] : memref<10112x128xf32, #tpu.memory_space<vmem_shared>> -> memref<128x128xf32, #tpu.memory_space<vmem_shared>>
      %dma_wait3A_93 = arith.constant 0 : i32
      %dma_wait3A_94 = tpu.memref_slice %arg11[%add3A_8, %dma_wait3A_93] : memref<10112x128xf32, #tpu.memory_space<vmem_shared>> -> memref<128x128xf32, #tpu.memory_space<vmem_shared>>
      tpu.wait_dma2 semaphore(%run_scoped3A : memref<!tpu.dma_semaphore, #tpu.memory_space<semaphore_mem>>) src(%arg9 : memref<128x128xf32, #tpu.memory_space<vmem>>) dst(%dma_wait3A_94 : memref<128x128xf32, #tpu.memory_space<vmem_shared>>)
      tpu.yield
    }) : () -> ()
    %add3A_9 = arith.constant 384 : i32
    %add3A_10 = arith.addi %mul3A_2, %add3A_9 : i32
    "tpu.region"() ({
      %run_scoped3A = tpu.sem_alloc : memref<!tpu.dma_semaphore, #tpu.memory_space<semaphore_mem>>
      %dma_start3A_88 = arith.constant 0 : i32
      %dma_start3A_89 = tpu.memref_slice %arg11[%add3A_10, %dma_start3A_88] : memref<10112x128xf32, #tpu.memory_space<vmem_shared>> -> memref<128x128xf32, #tpu.memory_space<vmem_shared>>
      %dma_start3A_90 = arith.constant 0 : i32
      %dma_start3A_91 = tpu.memref_slice %arg11[%add3A_10, %dma_start3A_90] : memref<10112x128xf32, #tpu.memory_space<vmem_shared>> -> memref<128x128xf32, #tpu.memory_space<vmem_shared>>
      tpu.enqueue_dma source(%arg9 : memref<128x128xf32, #tpu.memory_space<vmem>>) target(%dma_start3A_91 : memref<128x128xf32, #tpu.memory_space<vmem_shared>>) target_semaphore(%run_scoped3A : memref<!tpu.dma_semaphore, #tpu.memory_space<semaphore_mem>>)
      %dma_wait3A = arith.constant 0 : i32
      %dma_wait3A_92 = tpu.memref_slice %arg11[%add3A_10, %dma_wait3A] : memref<10112x128xf32, #tpu.memory_space<vmem_shared>> -> memref<128x128xf32, #tpu.memory_space<vmem_shared>>
      %dma_wait3A_93 = arith.constant 0 : i32
      %dma_wait3A_94 = tpu.memref_slice %arg11[%add3A_10, %dma_wait3A_93] : memref<10112x128xf32, #tpu.memory_space<vmem_shared>> -> memref<128x128xf32, #tpu.memory_space<vmem_shared>>
      tpu.wait_dma2 semaphore(%run_scoped3A : memref<!tpu.dma_semaphore, #tpu.memory_space<semaphore_mem>>) src(%arg9 : memref<128x128xf32, #tpu.memory_space<vmem>>) dst(%dma_wait3A_94 : memref<128x128xf32, #tpu.memory_space<vmem_shared>>)
      tpu.yield
    }) : () -> ()
    %add3A_11 = arith.constant 512 : i32
    %add3A_12 = arith.addi %mul3A_2, %add3A_11 : i32
    "tpu.region"() ({
      %run_scoped3A = tpu.sem_alloc : memref<!tpu.dma_semaphore, #tpu.memory_space<semaphore_mem>>
      %dma_start3A_88 = arith.constant 0 : i32
      %dma_start3A_89 = arith.constant 0 : i32
      %dma_start3A_90 = tpu.memref_slice %arg9[%dma_start3A_88, %dma_start3A_89] : memref<128x128xf32, #tpu.memory_space<vmem>> -> memref<120x128xf32, #tpu.memory_space<vmem>>
      %dma_start3A_91 = arith.constant 0 : i32
      %dma_start3A_92 = tpu.memref_slice %arg11[%add3A_12, %dma_start3A_91] : memref<10112x128xf32, #tpu.memory_space<vmem_shared>> -> memref<120x128xf32, #tpu.memory_space<vmem_shared>>
      %dma_start3A_93 = arith.constant 0 : i32
      %dma_start3A_94 = tpu.memref_slice %arg11[%add3A_12, %dma_start3A_93] : memref<10112x128xf32, #tpu.memory_space<vmem_shared>> -> memref<120x128xf32, #tpu.memory_space<vmem_shared>>
      %dma_start3A_95 = arith.constant 0 : i32
      %dma_start3A_96 = arith.constant 0 : i32
      %dma_start3A_97 = tpu.memref_slice %arg9[%dma_start3A_95, %dma_start3A_96] : memref<128x128xf32, #tpu.memory_space<vmem>> -> memref<120x128xf32, #tpu.memory_space<vmem>>
      tpu.enqueue_dma source(%dma_start3A_97 : memref<120x128xf32, #tpu.memory_space<vmem>>) target(%dma_start3A_94 : memref<120x128xf32, #tpu.memory_space<vmem_shared>>) target_semaphore(%run_scoped3A : memref<!tpu.dma_semaphore, #tpu.memory_space<semaphore_mem>>)
      %dma_wait3A = arith.constant 0 : i32
      %dma_wait3A_98 = arith.constant 0 : i32
      %dma_wait3A_99 = tpu.memref_slice %arg9[%dma_wait3A, %dma_wait3A_98] : memref<128x128xf32, #tpu.memory_space<vmem>> -> memref<120x128xf32, #tpu.memory_space<vmem>>
      %dma_wait3A_100 = arith.constant 0 : i32
      %dma_wait3A_101 = tpu.memref_slice %arg11[%add3A_12, %dma_wait3A_100] : memref<10112x128xf32, #tpu.memory_space<vmem_shared>> -> memref<120x128xf32, #tpu.memory_space<vmem_shared>>
      %dma_wait3A_102 = arith.constant 0 : i32
      %dma_wait3A_103 = tpu.memref_slice %arg11[%add3A_12, %dma_wait3A_102] : memref<10112x128xf32, #tpu.memory_space<vmem_shared>> -> memref<120x128xf32, #tpu.memory_space<vmem_shared>>
      %dma_wait3A_104 = arith.constant 0 : i32
      %dma_wait3A_105 = arith.constant 0 : i32
      %dma_wait3A_106 = tpu.memref_slice %arg9[%dma_wait3A_104, %dma_wait3A_105] : memref<128x128xf32, #tpu.memory_space<vmem>> -> memref<120x128xf32, #tpu.memory_space<vmem>>
      tpu.wait_dma2 semaphore(%run_scoped3A : memref<!tpu.dma_semaphore, #tpu.memory_space<semaphore_mem>>) src(%dma_wait3A_106 : memref<120x128xf32, #tpu.memory_space<vmem>>) dst(%dma_wait3A_103 : memref<120x128xf32, #tpu.memory_space<vmem_shared>>)
      tpu.yield
    }) : () -> ()
    %barrier3A = arith.constant 0 : index
    tpu.barrier barrier_id(%barrier3A)
    %mul3A_13 = arith.constant 2 : i32
    %mul3A_14 = arith.muli %add3A, %mul3A_13 : i32
    %add3A_15 = arith.constant 0 : i32
    %add3A_16 = arith.addi %mul3A_14, %add3A_15 : i32
    "tpu.region"() ({
      %run_scoped3A = tpu.sem_alloc : memref<!tpu.dma_semaphore, #tpu.memory_space<semaphore_mem>>
      %dma_start3A_88 = arith.constant 0 : i32
      %dma_start3A_89 = arith.constant 0 : i32
      %dma_start3A_90 = tpu.memref_slice %arg3[%add3A_16, %dma_start3A_88, %dma_start3A_89] : memref<64x40x128xi32, #tpu.memory_space<hbm>> -> memref<1x40x128xi32, #tpu.memory_space<hbm>>
      %dma_start3A_91 = tpu.memref_squeeze %dma_start3A_90 : memref<1x40x128xi32, #tpu.memory_space<hbm>> -> memref<40x128xi32, #tpu.memory_space<hbm>>
      %dma_start3A_92 = arith.constant 0 : i32
      %dma_start3A_93 = arith.constant 0 : i32
      %dma_start3A_94 = tpu.memref_slice %arg3[%add3A_16, %dma_start3A_92, %dma_start3A_93] : memref<64x40x128xi32, #tpu.memory_space<hbm>> -> memref<1x40x128xi32, #tpu.memory_space<hbm>>
      %dma_start3A_95 = tpu.memref_squeeze %dma_start3A_94 : memref<1x40x128xi32, #tpu.memory_space<hbm>> -> memref<40x128xi32, #tpu.memory_space<hbm>>
      tpu.enqueue_dma source(%dma_start3A_95 : memref<40x128xi32, #tpu.memory_space<hbm>>) target(%arg7 : memref<40x128xi32, #tpu.memory_space<vmem>>) target_semaphore(%run_scoped3A : memref<!tpu.dma_semaphore, #tpu.memory_space<semaphore_mem>>)
      %dma_wait3A = arith.constant 0 : i32
      %dma_wait3A_96 = arith.constant 0 : i32
      %dma_wait3A_97 = tpu.memref_slice %arg3[%add3A_16, %dma_wait3A, %dma_wait3A_96] : memref<64x40x128xi32, #tpu.memory_space<hbm>> -> memref<1x40x128xi32, #tpu.memory_space<hbm>>
      %dma_wait3A_98 = tpu.memref_squeeze %dma_wait3A_97 : memref<1x40x128xi32, #tpu.memory_space<hbm>> -> memref<40x128xi32, #tpu.memory_space<hbm>>
      %dma_wait3A_99 = arith.constant 0 : i32
      %dma_wait3A_100 = arith.constant 0 : i32
      %dma_wait3A_101 = tpu.memref_slice %arg3[%add3A_16, %dma_wait3A_99, %dma_wait3A_100] : memref<64x40x128xi32, #tpu.memory_space<hbm>> -> memref<1x40x128xi32, #tpu.memory_space<hbm>>
      %dma_wait3A_102 = tpu.memref_squeeze %dma_wait3A_101 : memref<1x40x128xi32, #tpu.memory_space<hbm>> -> memref<40x128xi32, #tpu.memory_space<hbm>>
      tpu.wait_dma2 semaphore(%run_scoped3A : memref<!tpu.dma_semaphore, #tpu.memory_space<semaphore_mem>>) src(%dma_wait3A_102 : memref<40x128xi32, #tpu.memory_space<hbm>>) dst(%arg7 : memref<40x128xi32, #tpu.memory_space<vmem>>)
      tpu.yield
    }) : () -> ()
    %mul3A_17 = arith.constant 2 : i32
    %mul3A_18 = arith.muli %add3A, %mul3A_17 : i32
    %add3A_19 = arith.constant 0 : i32
    %add3A_20 = arith.addi %mul3A_18, %add3A_19 : i32
    "tpu.region"() ({
      %run_scoped3A = tpu.sem_alloc : memref<!tpu.dma_semaphore, #tpu.memory_space<semaphore_mem>>
      %dma_start3A_88 = arith.constant 0 : i32
      %dma_start3A_89 = arith.constant 0 : i32
      %dma_start3A_90 = tpu.memref_slice %arg4[%add3A_20, %dma_start3A_88, %dma_start3A_89] : memref<64x40x128xi32, #tpu.memory_space<hbm>> -> memref<1x40x128xi32, #tpu.memory_space<hbm>>
      %dma_start3A_91 = tpu.memref_squeeze %dma_start3A_90 : memref<1x40x128xi32, #tpu.memory_space<hbm>> -> memref<40x128xi32, #tpu.memory_space<hbm>>
      %dma_start3A_92 = arith.constant 0 : i32
      %dma_start3A_93 = arith.constant 0 : i32
      %dma_start3A_94 = tpu.memref_slice %arg4[%add3A_20, %dma_start3A_92, %dma_start3A_93] : memref<64x40x128xi32, #tpu.memory_space<hbm>> -> memref<1x40x128xi32, #tpu.memory_space<hbm>>
      %dma_start3A_95 = tpu.memref_squeeze %dma_start3A_94 : memref<1x40x128xi32, #tpu.memory_space<hbm>> -> memref<40x128xi32, #tpu.memory_space<hbm>>
      tpu.enqueue_dma source(%dma_start3A_95 : memref<40x128xi32, #tpu.memory_space<hbm>>) target(%arg8 : memref<40x128xi32, #tpu.memory_space<vmem>>) target_semaphore(%run_scoped3A : memref<!tpu.dma_semaphore, #tpu.memory_space<semaphore_mem>>)
      %dma_wait3A = arith.constant 0 : i32
      %dma_wait3A_96 = arith.constant 0 : i32
      %dma_wait3A_97 = tpu.memref_slice %arg4[%add3A_20, %dma_wait3A, %dma_wait3A_96] : memref<64x40x128xi32, #tpu.memory_space<hbm>> -> memref<1x40x128xi32, #tpu.memory_space<hbm>>
      %dma_wait3A_98 = tpu.memref_squeeze %dma_wait3A_97 : memref<1x40x128xi32, #tpu.memory_space<hbm>> -> memref<40x128xi32, #tpu.memory_space<hbm>>
      %dma_wait3A_99 = arith.constant 0 : i32
      %dma_wait3A_100 = arith.constant 0 : i32
      %dma_wait3A_101 = tpu.memref_slice %arg4[%add3A_20, %dma_wait3A_99, %dma_wait3A_100] : memref<64x40x128xi32, #tpu.memory_space<hbm>> -> memref<1x40x128xi32, #tpu.memory_space<hbm>>
      %dma_wait3A_102 = tpu.memref_squeeze %dma_wait3A_101 : memref<1x40x128xi32, #tpu.memory_space<hbm>> -> memref<40x128xi32, #tpu.memory_space<hbm>>
      tpu.wait_dma2 semaphore(%run_scoped3A : memref<!tpu.dma_semaphore, #tpu.memory_space<semaphore_mem>>) src(%dma_wait3A_102 : memref<40x128xi32, #tpu.memory_space<hbm>>) dst(%arg8 : memref<40x128xi32, #tpu.memory_space<vmem>>)
      tpu.yield
    }) : () -> ()
    %dma_start3A = arith.constant 0 : i32
    %dma_start3A_21 = arith.constant 0 : i32
    %dma_start3A_22 = tpu.memref_slice %arg7[%dma_start3A, %dma_start3A_21] : memref<40x128xi32, #tpu.memory_space<vmem>> -> memref<1x128xi32, #tpu.memory_space<vmem>>
    %dma_start3A_23 = tpu.memref_squeeze %dma_start3A_22 : memref<1x128xi32, #tpu.memory_space<vmem>> -> memref<128xi32, #tpu.memory_space<vmem>>
    %dma_start3A_24 = arith.constant 0 : i32
    %dma_start3A_25 = arith.constant 0 : i32
    %dma_start3A_26 = tpu.memref_slice %arg2[%dma_start3A_24, %dma_start3A_25] : memref<10000x128xf32, #tpu.memory_space<hbm>> -> memref<10000x128xf32, #tpu.memory_space<hbm>>
    tpu.enqueue_indirect_dma source(%dma_start3A_26 : memref<10000x128xf32, #tpu.memory_space<hbm>>) target(%arg9 : memref<128x128xf32, #tpu.memory_space<vmem>>) offsets(%dma_start3A_23 : memref<128xi32, #tpu.memory_space<vmem>>) semaphore(%arg12 : memref<!tpu.dma_semaphore, #tpu.memory_space<semaphore_mem>>)
    %dma_start3A_27 = arith.constant 1 : i32
    %dma_start3A_28 = arith.constant 0 : i32
    %dma_start3A_29 = tpu.memref_slice %arg7[%dma_start3A_27, %dma_start3A_28] : memref<40x128xi32, #tpu.memory_space<vmem>> -> memref<1x128xi32, #tpu.memory_space<vmem>>
    %dma_start3A_30 = tpu.memref_squeeze %dma_start3A_29 : memref<1x128xi32, #tpu.memory_space<vmem>> -> memref<128xi32, #tpu.memory_space<vmem>>
    %dma_start3A_31 = arith.constant 0 : i32
    %dma_start3A_32 = arith.constant 0 : i32
    %dma_start3A_33 = tpu.memref_slice %arg2[%dma_start3A_31, %dma_start3A_32] : memref<10000x128xf32, #tpu.memory_space<hbm>> -> memref<10000x128xf32, #tpu.memory_space<hbm>>
    tpu.enqueue_indirect_dma source(%dma_start3A_33 : memref<10000x128xf32, #tpu.memory_space<hbm>>) target(%arg10 : memref<128x128xf32, #tpu.memory_space<vmem>>) offsets(%dma_start3A_30 : memref<128xi32, #tpu.memory_space<vmem>>) semaphore(%arg13 : memref<!tpu.dma_semaphore, #tpu.memory_space<semaphore_mem>>)
    %scan3A = arith.constant 0 : i32
    %scan3A_34 = arith.constant 0 : i32
    %scan3A_35 = arith.constant 20 : i32
    %scan3A_36 = arith.addi %scan3A_34, %scan3A_35 : i32
    %scan3A_37 = arith.constant 1 : i32
    scf.for %scan3A_88 = %scan3A_34 to %scan3A_36 step %scan3A_37  : i32 {
      %mul3A_89 = arith.constant 2 : i32
      %mul3A_90 = arith.muli %mul3A_89, %scan3A_88 : i32
      %add3A_91 = arith.constant 1 : i32
      %add3A_92 = arith.addi %mul3A_90, %add3A_91 : i32
      tpu.wait_dma2 semaphore(%arg12 : memref<!tpu.dma_semaphore, #tpu.memory_space<semaphore_mem>>) src(%arg5 : memref<128x128xf32, #tpu.memory_space<hbm>>) dst(%arg9 : memref<128x128xf32, #tpu.memory_space<vmem>>)
      %dma_start3A_93 = arith.constant 0 : i32
      %dma_start3A_94 = tpu.memref_slice %arg8[%mul3A_90, %dma_start3A_93] : memref<40x128xi32, #tpu.memory_space<vmem>> -> memref<1x128xi32, #tpu.memory_space<vmem>>
      %dma_start3A_95 = tpu.memref_squeeze %dma_start3A_94 : memref<1x128xi32, #tpu.memory_space<vmem>> -> memref<128xi32, #tpu.memory_space<vmem>>
      %dma_start3A_96 = arith.constant 0 : i32
      %dma_start3A_97 = arith.constant 0 : i32
      %dma_start3A_98 = tpu.memref_slice %arg11[%dma_start3A_96, %dma_start3A_97] : memref<10112x128xf32, #tpu.memory_space<vmem_shared>> -> memref<10112x128xf32, #tpu.memory_space<vmem_shared>>
      tpu.enqueue_indirect_dma source(%arg9 : memref<128x128xf32, #tpu.memory_space<vmem>>) target(%dma_start3A_98 : memref<10112x128xf32, #tpu.memory_space<vmem_shared>>) offsets(%dma_start3A_95 : memref<128xi32, #tpu.memory_space<vmem>>) semaphore(%arg14 : memref<!tpu.dma_semaphore, #tpu.memory_space<semaphore_mem>>) {add = true}
      tpu.wait_dma2 semaphore(%arg13 : memref<!tpu.dma_semaphore, #tpu.memory_space<semaphore_mem>>) src(%arg5 : memref<128x128xf32, #tpu.memory_space<hbm>>) dst(%arg10 : memref<128x128xf32, #tpu.memory_space<vmem>>)
      %dma_start3A_99 = arith.constant 0 : i32
      %dma_start3A_100 = tpu.memref_slice %arg8[%add3A_92, %dma_start3A_99] : memref<40x128xi32, #tpu.memory_space<vmem>> -> memref<1x128xi32, #tpu.memory_space<vmem>>
      %dma_start3A_101 = tpu.memref_squeeze %dma_start3A_100 : memref<1x128xi32, #tpu.memory_space<vmem>> -> memref<128xi32, #tpu.memory_space<vmem>>
      %dma_start3A_102 = arith.constant 0 : i32
      %dma_start3A_103 = arith.constant 0 : i32
      %dma_start3A_104 = tpu.memref_slice %arg11[%dma_start3A_102, %dma_start3A_103] : memref<10112x128xf32, #tpu.memory_space<vmem_shared>> -> memref<10112x128xf32, #tpu.memory_space<vmem_shared>>
      tpu.enqueue_indirect_dma source(%arg10 : memref<128x128xf32, #tpu.memory_space<vmem>>) target(%dma_start3A_104 : memref<10112x128xf32, #tpu.memory_space<vmem_shared>>) offsets(%dma_start3A_101 : memref<128xi32, #tpu.memory_space<vmem>>) semaphore(%arg15 : memref<!tpu.dma_semaphore, #tpu.memory_space<semaphore_mem>>) {add = true}
      tpu.wait_dma2 semaphore(%arg14 : memref<!tpu.dma_semaphore, #tpu.memory_space<semaphore_mem>>) src(%arg5 : memref<128x128xf32, #tpu.memory_space<hbm>>) dst(%arg9 : memref<128x128xf32, #tpu.memory_space<vmem>>)
      %add3A_105 = arith.constant 2 : i32
      %add3A_106 = arith.addi %mul3A_90, %add3A_105 : i32
      %min3A = arith.constant 38 : i32
      %min3A_107 = arith.minsi %add3A_106, %min3A : i32
      %dma_start3A_108 = arith.constant 0 : i32
      %dma_start3A_109 = tpu.memref_slice %arg7[%min3A_107, %dma_start3A_108] : memref<40x128xi32, #tpu.memory_space<vmem>> -> memref<1x128xi32, #tpu.memory_space<vmem>>
      %dma_start3A_110 = tpu.memref_squeeze %dma_start3A_109 : memref<1x128xi32, #tpu.memory_space<vmem>> -> memref<128xi32, #tpu.memory_space<vmem>>
      %dma_start3A_111 = arith.constant 0 : i32
      %dma_start3A_112 = arith.constant 0 : i32
      %dma_start3A_113 = tpu.memref_slice %arg2[%dma_start3A_111, %dma_start3A_112] : memref<10000x128xf32, #tpu.memory_space<hbm>> -> memref<10000x128xf32, #tpu.memory_space<hbm>>
      tpu.enqueue_indirect_dma source(%dma_start3A_113 : memref<10000x128xf32, #tpu.memory_space<hbm>>) target(%arg9 : memref<128x128xf32, #tpu.memory_space<vmem>>) offsets(%dma_start3A_110 : memref<128xi32, #tpu.memory_space<vmem>>) semaphore(%arg12 : memref<!tpu.dma_semaphore, #tpu.memory_space<semaphore_mem>>)
      tpu.wait_dma2 semaphore(%arg15 : memref<!tpu.dma_semaphore, #tpu.memory_space<semaphore_mem>>) src(%arg5 : memref<128x128xf32, #tpu.memory_space<hbm>>) dst(%arg10 : memref<128x128xf32, #tpu.memory_space<vmem>>)
      %add3A_114 = arith.constant 2 : i32
      %add3A_115 = arith.addi %add3A_92, %add3A_114 : i32
      %min3A_116 = arith.constant 39 : i32
      %min3A_117 = arith.minsi %add3A_115, %min3A_116 : i32
      %dma_start3A_118 = arith.constant 0 : i32
      %dma_start3A_119 = tpu.memref_slice %arg7[%min3A_117, %dma_start3A_118] : memref<40x128xi32, #tpu.memory_space<vmem>> -> memref<1x128xi32, #tpu.memory_space<vmem>>
      %dma_start3A_120 = tpu.memref_squeeze %dma_start3A_119 : memref<1x128xi32, #tpu.memory_space<vmem>> -> memref<128xi32, #tpu.memory_space<vmem>>
      %dma_start3A_121 = arith.constant 0 : i32
      %dma_start3A_122 = arith.constant 0 : i32
      %dma_start3A_123 = tpu.memref_slice %arg2[%dma_start3A_121, %dma_start3A_122] : memref<10000x128xf32, #tpu.memory_space<hbm>> -> memref<10000x128xf32, #tpu.memory_space<hbm>>
      tpu.enqueue_indirect_dma source(%dma_start3A_123 : memref<10000x128xf32, #tpu.memory_space<hbm>>) target(%arg10 : memref<128x128xf32, #tpu.memory_space<vmem>>) offsets(%dma_start3A_120 : memref<128xi32, #tpu.memory_space<vmem>>) semaphore(%arg13 : memref<!tpu.dma_semaphore, #tpu.memory_space<semaphore_mem>>)
    }
    %scan3A_38 = arith.constant 20 : i32
    tpu.wait_dma2 semaphore(%arg12 : memref<!tpu.dma_semaphore, #tpu.memory_space<semaphore_mem>>) src(%arg5 : memref<128x128xf32, #tpu.memory_space<hbm>>) dst(%arg9 : memref<128x128xf32, #tpu.memory_space<vmem>>)
    tpu.wait_dma2 semaphore(%arg13 : memref<!tpu.dma_semaphore, #tpu.memory_space<semaphore_mem>>) src(%arg5 : memref<128x128xf32, #tpu.memory_space<hbm>>) dst(%arg10 : memref<128x128xf32, #tpu.memory_space<vmem>>)
    %mul3A_39 = arith.constant 2 : i32
    %mul3A_40 = arith.muli %add3A, %mul3A_39 : i32
    %add3A_41 = arith.constant 1 : i32
    %add3A_42 = arith.addi %mul3A_40, %add3A_41 : i32
    "tpu.region"() ({
      %run_scoped3A = tpu.sem_alloc : memref<!tpu.dma_semaphore, #tpu.memory_space<semaphore_mem>>
      %dma_start3A_88 = arith.constant 0 : i32
      %dma_start3A_89 = arith.constant 0 : i32
      %dma_start3A_90 = tpu.memref_slice %arg3[%add3A_42, %dma_start3A_88, %dma_start3A_89] : memref<64x40x128xi32, #tpu.memory_space<hbm>> -> memref<1x40x128xi32, #tpu.memory_space<hbm>>
      %dma_start3A_91 = tpu.memref_squeeze %dma_start3A_90 : memref<1x40x128xi32, #tpu.memory_space<hbm>> -> memref<40x128xi32, #tpu.memory_space<hbm>>
      %dma_start3A_92 = arith.constant 0 : i32
      %dma_start3A_93 = arith.constant 0 : i32
      %dma_start3A_94 = tpu.memref_slice %arg3[%add3A_42, %dma_start3A_92, %dma_start3A_93] : memref<64x40x128xi32, #tpu.memory_space<hbm>> -> memref<1x40x128xi32, #tpu.memory_space<hbm>>
      %dma_start3A_95 = tpu.memref_squeeze %dma_start3A_94 : memref<1x40x128xi32, #tpu.memory_space<hbm>> -> memref<40x128xi32, #tpu.memory_space<hbm>>
      tpu.enqueue_dma source(%dma_start3A_95 : memref<40x128xi32, #tpu.memory_space<hbm>>) target(%arg7 : memref<40x128xi32, #tpu.memory_space<vmem>>) target_semaphore(%run_scoped3A : memref<!tpu.dma_semaphore, #tpu.memory_space<semaphore_mem>>)
      %dma_wait3A = arith.constant 0 : i32
      %dma_wait3A_96 = arith.constant 0 : i32
      %dma_wait3A_97 = tpu.memref_slice %arg3[%add3A_42, %dma_wait3A, %dma_wait3A_96] : memref<64x40x128xi32, #tpu.memory_space<hbm>> -> memref<1x40x128xi32, #tpu.memory_space<hbm>>
      %dma_wait3A_98 = tpu.memref_squeeze %dma_wait3A_97 : memref<1x40x128xi32, #tpu.memory_space<hbm>> -> memref<40x128xi32, #tpu.memory_space<hbm>>
      %dma_wait3A_99 = arith.constant 0 : i32
      %dma_wait3A_100 = arith.constant 0 : i32
      %dma_wait3A_101 = tpu.memref_slice %arg3[%add3A_42, %dma_wait3A_99, %dma_wait3A_100] : memref<64x40x128xi32, #tpu.memory_space<hbm>> -> memref<1x40x128xi32, #tpu.memory_space<hbm>>
      %dma_wait3A_102 = tpu.memref_squeeze %dma_wait3A_101 : memref<1x40x128xi32, #tpu.memory_space<hbm>> -> memref<40x128xi32, #tpu.memory_space<hbm>>
      tpu.wait_dma2 semaphore(%run_scoped3A : memref<!tpu.dma_semaphore, #tpu.memory_space<semaphore_mem>>) src(%dma_wait3A_102 : memref<40x128xi32, #tpu.memory_space<hbm>>) dst(%arg7 : memref<40x128xi32, #tpu.memory_space<vmem>>)
      tpu.yield
    }) : () -> ()
    %mul3A_43 = arith.constant 2 : i32
    %mul3A_44 = arith.muli %add3A, %mul3A_43 : i32
    %add3A_45 = arith.constant 1 : i32
    %add3A_46 = arith.addi %mul3A_44, %add3A_45 : i32
    "tpu.region"() ({
      %run_scoped3A = tpu.sem_alloc : memref<!tpu.dma_semaphore, #tpu.memory_space<semaphore_mem>>
      %dma_start3A_88 = arith.constant 0 : i32
      %dma_start3A_89 = arith.constant 0 : i32
      %dma_start3A_90 = tpu.memref_slice %arg4[%add3A_46, %dma_start3A_88, %dma_start3A_89] : memref<64x40x128xi32, #tpu.memory_space<hbm>> -> memref<1x40x128xi32, #tpu.memory_space<hbm>>
      %dma_start3A_91 = tpu.memref_squeeze %dma_start3A_90 : memref<1x40x128xi32, #tpu.memory_space<hbm>> -> memref<40x128xi32, #tpu.memory_space<hbm>>
      %dma_start3A_92 = arith.constant 0 : i32
      %dma_start3A_93 = arith.constant 0 : i32
      %dma_start3A_94 = tpu.memref_slice %arg4[%add3A_46, %dma_start3A_92, %dma_start3A_93] : memref<64x40x128xi32, #tpu.memory_space<hbm>> -> memref<1x40x128xi32, #tpu.memory_space<hbm>>
      %dma_start3A_95 = tpu.memref_squeeze %dma_start3A_94 : memref<1x40x128xi32, #tpu.memory_space<hbm>> -> memref<40x128xi32, #tpu.memory_space<hbm>>
      tpu.enqueue_dma source(%dma_start3A_95 : memref<40x128xi32, #tpu.memory_space<hbm>>) target(%arg8 : memref<40x128xi32, #tpu.memory_space<vmem>>) target_semaphore(%run_scoped3A : memref<!tpu.dma_semaphore, #tpu.memory_space<semaphore_mem>>)
      %dma_wait3A = arith.constant 0 : i32
      %dma_wait3A_96 = arith.constant 0 : i32
      %dma_wait3A_97 = tpu.memref_slice %arg4[%add3A_46, %dma_wait3A, %dma_wait3A_96] : memref<64x40x128xi32, #tpu.memory_space<hbm>> -> memref<1x40x128xi32, #tpu.memory_space<hbm>>
      %dma_wait3A_98 = tpu.memref_squeeze %dma_wait3A_97 : memref<1x40x128xi32, #tpu.memory_space<hbm>> -> memref<40x128xi32, #tpu.memory_space<hbm>>
      %dma_wait3A_99 = arith.constant 0 : i32
      %dma_wait3A_100 = arith.constant 0 : i32
      %dma_wait3A_101 = tpu.memref_slice %arg4[%add3A_46, %dma_wait3A_99, %dma_wait3A_100] : memref<64x40x128xi32, #tpu.memory_space<hbm>> -> memref<1x40x128xi32, #tpu.memory_space<hbm>>
      %dma_wait3A_102 = tpu.memref_squeeze %dma_wait3A_101 : memref<1x40x128xi32, #tpu.memory_space<hbm>> -> memref<40x128xi32, #tpu.memory_space<hbm>>
      tpu.wait_dma2 semaphore(%run_scoped3A : memref<!tpu.dma_semaphore, #tpu.memory_space<semaphore_mem>>) src(%dma_wait3A_102 : memref<40x128xi32, #tpu.memory_space<hbm>>) dst(%arg8 : memref<40x128xi32, #tpu.memory_space<vmem>>)
      tpu.yield
    }) : () -> ()
    %dma_start3A_47 = arith.constant 0 : i32
    %dma_start3A_48 = arith.constant 0 : i32
    %dma_start3A_49 = tpu.memref_slice %arg7[%dma_start3A_47, %dma_start3A_48] : memref<40x128xi32, #tpu.memory_space<vmem>> -> memref<1x128xi32, #tpu.memory_space<vmem>>
    %dma_start3A_50 = tpu.memref_squeeze %dma_start3A_49 : memref<1x128xi32, #tpu.memory_space<vmem>> -> memref<128xi32, #tpu.memory_space<vmem>>
    %dma_start3A_51 = arith.constant 0 : i32
    %dma_start3A_52 = arith.constant 0 : i32
    %dma_start3A_53 = tpu.memref_slice %arg2[%dma_start3A_51, %dma_start3A_52] : memref<10000x128xf32, #tpu.memory_space<hbm>> -> memref<10000x128xf32, #tpu.memory_space<hbm>>
    tpu.enqueue_indirect_dma source(%dma_start3A_53 : memref<10000x128xf32, #tpu.memory_space<hbm>>) target(%arg9 : memref<128x128xf32, #tpu.memory_space<vmem>>) offsets(%dma_start3A_50 : memref<128xi32, #tpu.memory_space<vmem>>) semaphore(%arg12 : memref<!tpu.dma_semaphore, #tpu.memory_space<semaphore_mem>>)
    %dma_start3A_54 = arith.constant 1 : i32
    %dma_start3A_55 = arith.constant 0 : i32
    %dma_start3A_56 = tpu.memref_slice %arg7[%dma_start3A_54, %dma_start3A_55] : memref<40x128xi32, #tpu.memory_space<vmem>> -> memref<1x128xi32, #tpu.memory_space<vmem>>
    %dma_start3A_57 = tpu.memref_squeeze %dma_start3A_56 : memref<1x128xi32, #tpu.memory_space<vmem>> -> memref<128xi32, #tpu.memory_space<vmem>>
    %dma_start3A_58 = arith.constant 0 : i32
    %dma_start3A_59 = arith.constant 0 : i32
    %dma_start3A_60 = tpu.memref_slice %arg2[%dma_start3A_58, %dma_start3A_59] : memref<10000x128xf32, #tpu.memory_space<hbm>> -> memref<10000x128xf32, #tpu.memory_space<hbm>>
    tpu.enqueue_indirect_dma source(%dma_start3A_60 : memref<10000x128xf32, #tpu.memory_space<hbm>>) target(%arg10 : memref<128x128xf32, #tpu.memory_space<vmem>>) offsets(%dma_start3A_57 : memref<128xi32, #tpu.memory_space<vmem>>) semaphore(%arg13 : memref<!tpu.dma_semaphore, #tpu.memory_space<semaphore_mem>>)
    %scan3A_61 = arith.constant 0 : i32
    %scan3A_62 = arith.constant 0 : i32
    %scan3A_63 = arith.constant 20 : i32
    %scan3A_64 = arith.addi %scan3A_62, %scan3A_63 : i32
    %scan3A_65 = arith.constant 1 : i32
    scf.for %scan3A_88 = %scan3A_62 to %scan3A_64 step %scan3A_65  : i32 {
      %mul3A_89 = arith.constant 2 : i32
      %mul3A_90 = arith.muli %mul3A_89, %scan3A_88 : i32
      %add3A_91 = arith.constant 1 : i32
      %add3A_92 = arith.addi %mul3A_90, %add3A_91 : i32
      tpu.wait_dma2 semaphore(%arg12 : memref<!tpu.dma_semaphore, #tpu.memory_space<semaphore_mem>>) src(%arg5 : memref<128x128xf32, #tpu.memory_space<hbm>>) dst(%arg9 : memref<128x128xf32, #tpu.memory_space<vmem>>)
      %dma_start3A_93 = arith.constant 0 : i32
      %dma_start3A_94 = tpu.memref_slice %arg8[%mul3A_90, %dma_start3A_93] : memref<40x128xi32, #tpu.memory_space<vmem>> -> memref<1x128xi32, #tpu.memory_space<vmem>>
      %dma_start3A_95 = tpu.memref_squeeze %dma_start3A_94 : memref<1x128xi32, #tpu.memory_space<vmem>> -> memref<128xi32, #tpu.memory_space<vmem>>
      %dma_start3A_96 = arith.constant 0 : i32
      %dma_start3A_97 = arith.constant 0 : i32
      %dma_start3A_98 = tpu.memref_slice %arg11[%dma_start3A_96, %dma_start3A_97] : memref<10112x128xf32, #tpu.memory_space<vmem_shared>> -> memref<10112x128xf32, #tpu.memory_space<vmem_shared>>
      tpu.enqueue_indirect_dma source(%arg9 : memref<128x128xf32, #tpu.memory_space<vmem>>) target(%dma_start3A_98 : memref<10112x128xf32, #tpu.memory_space<vmem_shared>>) offsets(%dma_start3A_95 : memref<128xi32, #tpu.memory_space<vmem>>) semaphore(%arg14 : memref<!tpu.dma_semaphore, #tpu.memory_space<semaphore_mem>>) {add = true}
      tpu.wait_dma2 semaphore(%arg13 : memref<!tpu.dma_semaphore, #tpu.memory_space<semaphore_mem>>) src(%arg5 : memref<128x128xf32, #tpu.memory_space<hbm>>) dst(%arg10 : memref<128x128xf32, #tpu.memory_space<vmem>>)
      %dma_start3A_99 = arith.constant 0 : i32
      %dma_start3A_100 = tpu.memref_slice %arg8[%add3A_92, %dma_start3A_99] : memref<40x128xi32, #tpu.memory_space<vmem>> -> memref<1x128xi32, #tpu.memory_space<vmem>>
      %dma_start3A_101 = tpu.memref_squeeze %dma_start3A_100 : memref<1x128xi32, #tpu.memory_space<vmem>> -> memref<128xi32, #tpu.memory_space<vmem>>
      %dma_start3A_102 = arith.constant 0 : i32
      %dma_start3A_103 = arith.constant 0 : i32
      %dma_start3A_104 = tpu.memref_slice %arg11[%dma_start3A_102, %dma_start3A_103] : memref<10112x128xf32, #tpu.memory_space<vmem_shared>> -> memref<10112x128xf32, #tpu.memory_space<vmem_shared>>
      tpu.enqueue_indirect_dma source(%arg10 : memref<128x128xf32, #tpu.memory_space<vmem>>) target(%dma_start3A_104 : memref<10112x128xf32, #tpu.memory_space<vmem_shared>>) offsets(%dma_start3A_101 : memref<128xi32, #tpu.memory_space<vmem>>) semaphore(%arg15 : memref<!tpu.dma_semaphore, #tpu.memory_space<semaphore_mem>>) {add = true}
      tpu.wait_dma2 semaphore(%arg14 : memref<!tpu.dma_semaphore, #tpu.memory_space<semaphore_mem>>) src(%arg5 : memref<128x128xf32, #tpu.memory_space<hbm>>) dst(%arg9 : memref<128x128xf32, #tpu.memory_space<vmem>>)
      %add3A_105 = arith.constant 2 : i32
      %add3A_106 = arith.addi %mul3A_90, %add3A_105 : i32
      %min3A = arith.constant 38 : i32
      %min3A_107 = arith.minsi %add3A_106, %min3A : i32
      %dma_start3A_108 = arith.constant 0 : i32
      %dma_start3A_109 = tpu.memref_slice %arg7[%min3A_107, %dma_start3A_108] : memref<40x128xi32, #tpu.memory_space<vmem>> -> memref<1x128xi32, #tpu.memory_space<vmem>>
      %dma_start3A_110 = tpu.memref_squeeze %dma_start3A_109 : memref<1x128xi32, #tpu.memory_space<vmem>> -> memref<128xi32, #tpu.memory_space<vmem>>
      %dma_start3A_111 = arith.constant 0 : i32
      %dma_start3A_112 = arith.constant 0 : i32
      %dma_start3A_113 = tpu.memref_slice %arg2[%dma_start3A_111, %dma_start3A_112] : memref<10000x128xf32, #tpu.memory_space<hbm>> -> memref<10000x128xf32, #tpu.memory_space<hbm>>
      tpu.enqueue_indirect_dma source(%dma_start3A_113 : memref<10000x128xf32, #tpu.memory_space<hbm>>) target(%arg9 : memref<128x128xf32, #tpu.memory_space<vmem>>) offsets(%dma_start3A_110 : memref<128xi32, #tpu.memory_space<vmem>>) semaphore(%arg12 : memref<!tpu.dma_semaphore, #tpu.memory_space<semaphore_mem>>)
      tpu.wait_dma2 semaphore(%arg15 : memref<!tpu.dma_semaphore, #tpu.memory_space<semaphore_mem>>) src(%arg5 : memref<128x128xf32, #tpu.memory_space<hbm>>) dst(%arg10 : memref<128x128xf32, #tpu.memory_space<vmem>>)
      %add3A_114 = arith.constant 2 : i32
      %add3A_115 = arith.addi %add3A_92, %add3A_114 : i32
      %min3A_116 = arith.constant 39 : i32
      %min3A_117 = arith.minsi %add3A_115, %min3A_116 : i32
      %dma_start3A_118 = arith.constant 0 : i32
      %dma_start3A_119 = tpu.memref_slice %arg7[%min3A_117, %dma_start3A_118] : memref<40x128xi32, #tpu.memory_space<vmem>> -> memref<1x128xi32, #tpu.memory_space<vmem>>
      %dma_start3A_120 = tpu.memref_squeeze %dma_start3A_119 : memref<1x128xi32, #tpu.memory_space<vmem>> -> memref<128xi32, #tpu.memory_space<vmem>>
      %dma_start3A_121 = arith.constant 0 : i32
      %dma_start3A_122 = arith.constant 0 : i32
      %dma_start3A_123 = tpu.memref_slice %arg2[%dma_start3A_121, %dma_start3A_122] : memref<10000x128xf32, #tpu.memory_space<hbm>> -> memref<10000x128xf32, #tpu.memory_space<hbm>>
      tpu.enqueue_indirect_dma source(%dma_start3A_123 : memref<10000x128xf32, #tpu.memory_space<hbm>>) target(%arg10 : memref<128x128xf32, #tpu.memory_space<vmem>>) offsets(%dma_start3A_120 : memref<128xi32, #tpu.memory_space<vmem>>) semaphore(%arg13 : memref<!tpu.dma_semaphore, #tpu.memory_space<semaphore_mem>>)
    }
    %scan3A_66 = arith.constant 20 : i32
    tpu.wait_dma2 semaphore(%arg12 : memref<!tpu.dma_semaphore, #tpu.memory_space<semaphore_mem>>) src(%arg5 : memref<128x128xf32, #tpu.memory_space<hbm>>) dst(%arg9 : memref<128x128xf32, #tpu.memory_space<vmem>>)
    tpu.wait_dma2 semaphore(%arg13 : memref<!tpu.dma_semaphore, #tpu.memory_space<semaphore_mem>>) src(%arg5 : memref<128x128xf32, #tpu.memory_space<hbm>>) dst(%arg10 : memref<128x128xf32, #tpu.memory_space<vmem>>)
    %barrier3A_67 = arith.constant 0 : index
    tpu.barrier barrier_id(%barrier3A_67)
    %add3A_68 = arith.constant 0 : i32
    %add3A_69 = arith.addi %mul3A_2, %add3A_68 : i32
    "tpu.region"() ({
      %run_scoped3A = tpu.sem_alloc : memref<!tpu.dma_semaphore, #tpu.memory_space<semaphore_mem>>
      %dma_start3A_88 = arith.constant 0 : i32
      %dma_start3A_89 = tpu.memref_slice %arg11[%add3A_69, %dma_start3A_88] : memref<10112x128xf32, #tpu.memory_space<vmem_shared>> -> memref<128x128xf32, #tpu.memory_space<vmem_shared>>
      %dma_start3A_90 = arith.constant 0 : i32
      %dma_start3A_91 = tpu.memref_slice %arg11[%add3A_69, %dma_start3A_90] : memref<10112x128xf32, #tpu.memory_space<vmem_shared>> -> memref<128x128xf32, #tpu.memory_space<vmem_shared>>
      tpu.enqueue_dma source(%dma_start3A_91 : memref<128x128xf32, #tpu.memory_space<vmem_shared>>) target(%arg9 : memref<128x128xf32, #tpu.memory_space<vmem>>) target_semaphore(%run_scoped3A : memref<!tpu.dma_semaphore, #tpu.memory_space<semaphore_mem>>)
      %dma_wait3A = arith.constant 0 : i32
      %dma_wait3A_92 = tpu.memref_slice %arg11[%add3A_69, %dma_wait3A] : memref<10112x128xf32, #tpu.memory_space<vmem_shared>> -> memref<128x128xf32, #tpu.memory_space<vmem_shared>>
      %dma_wait3A_93 = arith.constant 0 : i32
      %dma_wait3A_94 = tpu.memref_slice %arg11[%add3A_69, %dma_wait3A_93] : memref<10112x128xf32, #tpu.memory_space<vmem_shared>> -> memref<128x128xf32, #tpu.memory_space<vmem_shared>>
      tpu.wait_dma2 semaphore(%run_scoped3A : memref<!tpu.dma_semaphore, #tpu.memory_space<semaphore_mem>>) src(%dma_wait3A_94 : memref<128x128xf32, #tpu.memory_space<vmem_shared>>) dst(%arg9 : memref<128x128xf32, #tpu.memory_space<vmem>>)
      tpu.yield
    }) : () -> ()
    %add3A_70 = arith.constant 0 : i32
    %add3A_71 = arith.addi %mul3A_2, %add3A_70 : i32
    "tpu.region"() ({
      %run_scoped3A = tpu.sem_alloc : memref<!tpu.dma_semaphore, #tpu.memory_space<semaphore_mem>>
      %dma_start3A_88 = arith.constant 0 : i32
      %dma_start3A_89 = tpu.memref_slice %arg6[%arg0, %add3A_71, %dma_start3A_88] : memref<2x10112x128xf32, #tpu.memory_space<hbm>> -> memref<1x128x128xf32, #tpu.memory_space<hbm>>
      %dma_start3A_90 = tpu.memref_squeeze %dma_start3A_89 : memref<1x128x128xf32, #tpu.memory_space<hbm>> -> memref<128x128xf32, #tpu.memory_space<hbm>>
      %dma_start3A_91 = arith.constant 0 : i32
      %dma_start3A_92 = tpu.memref_slice %arg6[%arg0, %add3A_71, %dma_start3A_91] : memref<2x10112x128xf32, #tpu.memory_space<hbm>> -> memref<1x128x128xf32, #tpu.memory_space<hbm>>
      %dma_start3A_93 = tpu.memref_squeeze %dma_start3A_92 : memref<1x128x128xf32, #tpu.memory_space<hbm>> -> memref<128x128xf32, #tpu.memory_space<hbm>>
      tpu.enqueue_dma source(%arg9 : memref<128x128xf32, #tpu.memory_space<vmem>>) target(%dma_start3A_93 : memref<128x128xf32, #tpu.memory_space<hbm>>) target_semaphore(%run_scoped3A : memref<!tpu.dma_semaphore, #tpu.memory_space<semaphore_mem>>)
      %dma_wait3A = arith.constant 0 : i32
      %dma_wait3A_94 = tpu.memref_slice %arg6[%arg0, %add3A_71, %dma_wait3A] : memref<2x10112x128xf32, #tpu.memory_space<hbm>> -> memref<1x128x128xf32, #tpu.memory_space<hbm>>
      %dma_wait3A_95 = tpu.memref_squeeze %dma_wait3A_94 : memref<1x128x128xf32, #tpu.memory_space<hbm>> -> memref<128x128xf32, #tpu.memory_space<hbm>>
      %dma_wait3A_96 = arith.constant 0 : i32
      %dma_wait3A_97 = tpu.memref_slice %arg6[%arg0, %add3A_71, %dma_wait3A_96] : memref<2x10112x128xf32, #tpu.memory_space<hbm>> -> memref<1x128x128xf32, #tpu.memory_space<hbm>>
      %dma_wait3A_98 = tpu.memref_squeeze %dma_wait3A_97 : memref<1x128x128xf32, #tpu.memory_space<hbm>> -> memref<128x128xf32, #tpu.memory_space<hbm>>
      tpu.wait_dma2 semaphore(%run_scoped3A : memref<!tpu.dma_semaphore, #tpu.memory_space<semaphore_mem>>) src(%arg9 : memref<128x128xf32, #tpu.memory_space<vmem>>) dst(%dma_wait3A_98 : memref<128x128xf32, #tpu.memory_space<hbm>>)
      tpu.yield
    }) : () -> ()
    %add3A_72 = arith.constant 128 : i32
    %add3A_73 = arith.addi %mul3A_2, %add3A_72 : i32
    "tpu.region"() ({
      %run_scoped3A = tpu.sem_alloc : memref<!tpu.dma_semaphore, #tpu.memory_space<semaphore_mem>>
      %dma_start3A_88 = arith.constant 0 : i32
      %dma_start3A_89 = tpu.memref_slice %arg11[%add3A_73, %dma_start3A_88] : memref<10112x128xf32, #tpu.memory_space<vmem_shared>> -> memref<128x128xf32, #tpu.memory_space<vmem_shared>>
      %dma_start3A_90 = arith.constant 0 : i32
      %dma_start3A_91 = tpu.memref_slice %arg11[%add3A_73, %dma_start3A_90] : memref<10112x128xf32, #tpu.memory_space<vmem_shared>> -> memref<128x128xf32, #tpu.memory_space<vmem_shared>>
      tpu.enqueue_dma source(%dma_start3A_91 : memref<128x128xf32, #tpu.memory_space<vmem_shared>>) target(%arg9 : memref<128x128xf32, #tpu.memory_space<vmem>>) target_semaphore(%run_scoped3A : memref<!tpu.dma_semaphore, #tpu.memory_space<semaphore_mem>>)
      %dma_wait3A = arith.constant 0 : i32
      %dma_wait3A_92 = tpu.memref_slice %arg11[%add3A_73, %dma_wait3A] : memref<10112x128xf32, #tpu.memory_space<vmem_shared>> -> memref<128x128xf32, #tpu.memory_space<vmem_shared>>
      %dma_wait3A_93 = arith.constant 0 : i32
      %dma_wait3A_94 = tpu.memref_slice %arg11[%add3A_73, %dma_wait3A_93] : memref<10112x128xf32, #tpu.memory_space<vmem_shared>> -> memref<128x128xf32, #tpu.memory_space<vmem_shared>>
      tpu.wait_dma2 semaphore(%run_scoped3A : memref<!tpu.dma_semaphore, #tpu.memory_space<semaphore_mem>>) src(%dma_wait3A_94 : memref<128x128xf32, #tpu.memory_space<vmem_shared>>) dst(%arg9 : memref<128x128xf32, #tpu.memory_space<vmem>>)
      tpu.yield
    }) : () -> ()
    %add3A_74 = arith.constant 128 : i32
    %add3A_75 = arith.addi %mul3A_2, %add3A_74 : i32
    "tpu.region"() ({
      %run_scoped3A = tpu.sem_alloc : memref<!tpu.dma_semaphore, #tpu.memory_space<semaphore_mem>>
      %dma_start3A_88 = arith.constant 0 : i32
      %dma_start3A_89 = tpu.memref_slice %arg6[%arg0, %add3A_75, %dma_start3A_88] : memref<2x10112x128xf32, #tpu.memory_space<hbm>> -> memref<1x128x128xf32, #tpu.memory_space<hbm>>
      %dma_start3A_90 = tpu.memref_squeeze %dma_start3A_89 : memref<1x128x128xf32, #tpu.memory_space<hbm>> -> memref<128x128xf32, #tpu.memory_space<hbm>>
      %dma_start3A_91 = arith.constant 0 : i32
      %dma_start3A_92 = tpu.memref_slice %arg6[%arg0, %add3A_75, %dma_start3A_91] : memref<2x10112x128xf32, #tpu.memory_space<hbm>> -> memref<1x128x128xf32, #tpu.memory_space<hbm>>
      %dma_start3A_93 = tpu.memref_squeeze %dma_start3A_92 : memref<1x128x128xf32, #tpu.memory_space<hbm>> -> memref<128x128xf32, #tpu.memory_space<hbm>>
      tpu.enqueue_dma source(%arg9 : memref<128x128xf32, #tpu.memory_space<vmem>>) target(%dma_start3A_93 : memref<128x128xf32, #tpu.memory_space<hbm>>) target_semaphore(%run_scoped3A : memref<!tpu.dma_semaphore, #tpu.memory_space<semaphore_mem>>)
      %dma_wait3A = arith.constant 0 : i32
      %dma_wait3A_94 = tpu.memref_slice %arg6[%arg0, %add3A_75, %dma_wait3A] : memref<2x10112x128xf32, #tpu.memory_space<hbm>> -> memref<1x128x128xf32, #tpu.memory_space<hbm>>
      %dma_wait3A_95 = tpu.memref_squeeze %dma_wait3A_94 : memref<1x128x128xf32, #tpu.memory_space<hbm>> -> memref<128x128xf32, #tpu.memory_space<hbm>>
      %dma_wait3A_96 = arith.constant 0 : i32
      %dma_wait3A_97 = tpu.memref_slice %arg6[%arg0, %add3A_75, %dma_wait3A_96] : memref<2x10112x128xf32, #tpu.memory_space<hbm>> -> memref<1x128x128xf32, #tpu.memory_space<hbm>>
      %dma_wait3A_98 = tpu.memref_squeeze %dma_wait3A_97 : memref<1x128x128xf32, #tpu.memory_space<hbm>> -> memref<128x128xf32, #tpu.memory_space<hbm>>
      tpu.wait_dma2 semaphore(%run_scoped3A : memref<!tpu.dma_semaphore, #tpu.memory_space<semaphore_mem>>) src(%arg9 : memref<128x128xf32, #tpu.memory_space<vmem>>) dst(%dma_wait3A_98 : memref<128x128xf32, #tpu.memory_space<hbm>>)
      tpu.yield
    }) : () -> ()
    %add3A_76 = arith.constant 256 : i32
    %add3A_77 = arith.addi %mul3A_2, %add3A_76 : i32
    "tpu.region"() ({
      %run_scoped3A = tpu.sem_alloc : memref<!tpu.dma_semaphore, #tpu.memory_space<semaphore_mem>>
      %dma_start3A_88 = arith.constant 0 : i32
      %dma_start3A_89 = tpu.memref_slice %arg11[%add3A_77, %dma_start3A_88] : memref<10112x128xf32, #tpu.memory_space<vmem_shared>> -> memref<128x128xf32, #tpu.memory_space<vmem_shared>>
      %dma_start3A_90 = arith.constant 0 : i32
      %dma_start3A_91 = tpu.memref_slice %arg11[%add3A_77, %dma_start3A_90] : memref<10112x128xf32, #tpu.memory_space<vmem_shared>> -> memref<128x128xf32, #tpu.memory_space<vmem_shared>>
      tpu.enqueue_dma source(%dma_start3A_91 : memref<128x128xf32, #tpu.memory_space<vmem_shared>>) target(%arg9 : memref<128x128xf32, #tpu.memory_space<vmem>>) target_semaphore(%run_scoped3A : memref<!tpu.dma_semaphore, #tpu.memory_space<semaphore_mem>>)
      %dma_wait3A = arith.constant 0 : i32
      %dma_wait3A_92 = tpu.memref_slice %arg11[%add3A_77, %dma_wait3A] : memref<10112x128xf32, #tpu.memory_space<vmem_shared>> -> memref<128x128xf32, #tpu.memory_space<vmem_shared>>
      %dma_wait3A_93 = arith.constant 0 : i32
      %dma_wait3A_94 = tpu.memref_slice %arg11[%add3A_77, %dma_wait3A_93] : memref<10112x128xf32, #tpu.memory_space<vmem_shared>> -> memref<128x128xf32, #tpu.memory_space<vmem_shared>>
      tpu.wait_dma2 semaphore(%run_scoped3A : memref<!tpu.dma_semaphore, #tpu.memory_space<semaphore_mem>>) src(%dma_wait3A_94 : memref<128x128xf32, #tpu.memory_space<vmem_shared>>) dst(%arg9 : memref<128x128xf32, #tpu.memory_space<vmem>>)
      tpu.yield
    }) : () -> ()
    %add3A_78 = arith.constant 256 : i32
    %add3A_79 = arith.addi %mul3A_2, %add3A_78 : i32
    "tpu.region"() ({
      %run_scoped3A = tpu.sem_alloc : memref<!tpu.dma_semaphore, #tpu.memory_space<semaphore_mem>>
      %dma_start3A_88 = arith.constant 0 : i32
      %dma_start3A_89 = tpu.memref_slice %arg6[%arg0, %add3A_79, %dma_start3A_88] : memref<2x10112x128xf32, #tpu.memory_space<hbm>> -> memref<1x128x128xf32, #tpu.memory_space<hbm>>
      %dma_start3A_90 = tpu.memref_squeeze %dma_start3A_89 : memref<1x128x128xf32, #tpu.memory_space<hbm>> -> memref<128x128xf32, #tpu.memory_space<hbm>>
      %dma_start3A_91 = arith.constant 0 : i32
      %dma_start3A_92 = tpu.memref_slice %arg6[%arg0, %add3A_79, %dma_start3A_91] : memref<2x10112x128xf32, #tpu.memory_space<hbm>> -> memref<1x128x128xf32, #tpu.memory_space<hbm>>
      %dma_start3A_93 = tpu.memref_squeeze %dma_start3A_92 : memref<1x128x128xf32, #tpu.memory_space<hbm>> -> memref<128x128xf32, #tpu.memory_space<hbm>>
      tpu.enqueue_dma source(%arg9 : memref<128x128xf32, #tpu.memory_space<vmem>>) target(%dma_start3A_93 : memref<128x128xf32, #tpu.memory_space<hbm>>) target_semaphore(%run_scoped3A : memref<!tpu.dma_semaphore, #tpu.memory_space<semaphore_mem>>)
      %dma_wait3A = arith.constant 0 : i32
      %dma_wait3A_94 = tpu.memref_slice %arg6[%arg0, %add3A_79, %dma_wait3A] : memref<2x10112x128xf32, #tpu.memory_space<hbm>> -> memref<1x128x128xf32, #tpu.memory_space<hbm>>
      %dma_wait3A_95 = tpu.memref_squeeze %dma_wait3A_94 : memref<1x128x128xf32, #tpu.memory_space<hbm>> -> memref<128x128xf32, #tpu.memory_space<hbm>>
      %dma_wait3A_96 = arith.constant 0 : i32
      %dma_wait3A_97 = tpu.memref_slice %arg6[%arg0, %add3A_79, %dma_wait3A_96] : memref<2x10112x128xf32, #tpu.memory_space<hbm>> -> memref<1x128x128xf32, #tpu.memory_space<hbm>>
      %dma_wait3A_98 = tpu.memref_squeeze %dma_wait3A_97 : memref<1x128x128xf32, #tpu.memory_space<hbm>> -> memref<128x128xf32, #tpu.memory_space<hbm>>
      tpu.wait_dma2 semaphore(%run_scoped3A : memref<!tpu.dma_semaphore, #tpu.memory_space<semaphore_mem>>) src(%arg9 : memref<128x128xf32, #tpu.memory_space<vmem>>) dst(%dma_wait3A_98 : memref<128x128xf32, #tpu.memory_space<hbm>>)
      tpu.yield
    }) : () -> ()
    %add3A_80 = arith.constant 384 : i32
    %add3A_81 = arith.addi %mul3A_2, %add3A_80 : i32
    "tpu.region"() ({
      %run_scoped3A = tpu.sem_alloc : memref<!tpu.dma_semaphore, #tpu.memory_space<semaphore_mem>>
      %dma_start3A_88 = arith.constant 0 : i32
      %dma_start3A_89 = tpu.memref_slice %arg11[%add3A_81, %dma_start3A_88] : memref<10112x128xf32, #tpu.memory_space<vmem_shared>> -> memref<128x128xf32, #tpu.memory_space<vmem_shared>>
      %dma_start3A_90 = arith.constant 0 : i32
      %dma_start3A_91 = tpu.memref_slice %arg11[%add3A_81, %dma_start3A_90] : memref<10112x128xf32, #tpu.memory_space<vmem_shared>> -> memref<128x128xf32, #tpu.memory_space<vmem_shared>>
      tpu.enqueue_dma source(%dma_start3A_91 : memref<128x128xf32, #tpu.memory_space<vmem_shared>>) target(%arg9 : memref<128x128xf32, #tpu.memory_space<vmem>>) target_semaphore(%run_scoped3A : memref<!tpu.dma_semaphore, #tpu.memory_space<semaphore_mem>>)
      %dma_wait3A = arith.constant 0 : i32
      %dma_wait3A_92 = tpu.memref_slice %arg11[%add3A_81, %dma_wait3A] : memref<10112x128xf32, #tpu.memory_space<vmem_shared>> -> memref<128x128xf32, #tpu.memory_space<vmem_shared>>
      %dma_wait3A_93 = arith.constant 0 : i32
      %dma_wait3A_94 = tpu.memref_slice %arg11[%add3A_81, %dma_wait3A_93] : memref<10112x128xf32, #tpu.memory_space<vmem_shared>> -> memref<128x128xf32, #tpu.memory_space<vmem_shared>>
      tpu.wait_dma2 semaphore(%run_scoped3A : memref<!tpu.dma_semaphore, #tpu.memory_space<semaphore_mem>>) src(%dma_wait3A_94 : memref<128x128xf32, #tpu.memory_space<vmem_shared>>) dst(%arg9 : memref<128x128xf32, #tpu.memory_space<vmem>>)
      tpu.yield
    }) : () -> ()
    %add3A_82 = arith.constant 384 : i32
    %add3A_83 = arith.addi %mul3A_2, %add3A_82 : i32
    "tpu.region"() ({
      %run_scoped3A = tpu.sem_alloc : memref<!tpu.dma_semaphore, #tpu.memory_space<semaphore_mem>>
      %dma_start3A_88 = arith.constant 0 : i32
      %dma_start3A_89 = tpu.memref_slice %arg6[%arg0, %add3A_83, %dma_start3A_88] : memref<2x10112x128xf32, #tpu.memory_space<hbm>> -> memref<1x128x128xf32, #tpu.memory_space<hbm>>
      %dma_start3A_90 = tpu.memref_squeeze %dma_start3A_89 : memref<1x128x128xf32, #tpu.memory_space<hbm>> -> memref<128x128xf32, #tpu.memory_space<hbm>>
      %dma_start3A_91 = arith.constant 0 : i32
      %dma_start3A_92 = tpu.memref_slice %arg6[%arg0, %add3A_83, %dma_start3A_91] : memref<2x10112x128xf32, #tpu.memory_space<hbm>> -> memref<1x128x128xf32, #tpu.memory_space<hbm>>
      %dma_start3A_93 = tpu.memref_squeeze %dma_start3A_92 : memref<1x128x128xf32, #tpu.memory_space<hbm>> -> memref<128x128xf32, #tpu.memory_space<hbm>>
      tpu.enqueue_dma source(%arg9 : memref<128x128xf32, #tpu.memory_space<vmem>>) target(%dma_start3A_93 : memref<128x128xf32, #tpu.memory_space<hbm>>) target_semaphore(%run_scoped3A : memref<!tpu.dma_semaphore, #tpu.memory_space<semaphore_mem>>)
      %dma_wait3A = arith.constant 0 : i32
      %dma_wait3A_94 = tpu.memref_slice %arg6[%arg0, %add3A_83, %dma_wait3A] : memref<2x10112x128xf32, #tpu.memory_space<hbm>> -> memref<1x128x128xf32, #tpu.memory_space<hbm>>
      %dma_wait3A_95 = tpu.memref_squeeze %dma_wait3A_94 : memref<1x128x128xf32, #tpu.memory_space<hbm>> -> memref<128x128xf32, #tpu.memory_space<hbm>>
      %dma_wait3A_96 = arith.constant 0 : i32
      %dma_wait3A_97 = tpu.memref_slice %arg6[%arg0, %add3A_83, %dma_wait3A_96] : memref<2x10112x128xf32, #tpu.memory_space<hbm>> -> memref<1x128x128xf32, #tpu.memory_space<hbm>>
      %dma_wait3A_98 = tpu.memref_squeeze %dma_wait3A_97 : memref<1x128x128xf32, #tpu.memory_space<hbm>> -> memref<128x128xf32, #tpu.memory_space<hbm>>
      tpu.wait_dma2 semaphore(%run_scoped3A : memref<!tpu.dma_semaphore, #tpu.memory_space<semaphore_mem>>) src(%arg9 : memref<128x128xf32, #tpu.memory_space<vmem>>) dst(%dma_wait3A_98 : memref<128x128xf32, #tpu.memory_space<hbm>>)
      tpu.yield
    }) : () -> ()
    %add3A_84 = arith.constant 512 : i32
    %add3A_85 = arith.addi %mul3A_2, %add3A_84 : i32
    "tpu.region"() ({
      %run_scoped3A = tpu.sem_alloc : memref<!tpu.dma_semaphore, #tpu.memory_space<semaphore_mem>>
      %dma_start3A_88 = arith.constant 0 : i32
      %dma_start3A_89 = arith.constant 0 : i32
      %dma_start3A_90 = tpu.memref_slice %arg9[%dma_start3A_88, %dma_start3A_89] : memref<128x128xf32, #tpu.memory_space<vmem>> -> memref<120x128xf32, #tpu.memory_space<vmem>>
      %dma_start3A_91 = arith.constant 0 : i32
      %dma_start3A_92 = tpu.memref_slice %arg11[%add3A_85, %dma_start3A_91] : memref<10112x128xf32, #tpu.memory_space<vmem_shared>> -> memref<120x128xf32, #tpu.memory_space<vmem_shared>>
      %dma_start3A_93 = arith.constant 0 : i32
      %dma_start3A_94 = arith.constant 0 : i32
      %dma_start3A_95 = tpu.memref_slice %arg9[%dma_start3A_93, %dma_start3A_94] : memref<128x128xf32, #tpu.memory_space<vmem>> -> memref<120x128xf32, #tpu.memory_space<vmem>>
      %dma_start3A_96 = arith.constant 0 : i32
      %dma_start3A_97 = tpu.memref_slice %arg11[%add3A_85, %dma_start3A_96] : memref<10112x128xf32, #tpu.memory_space<vmem_shared>> -> memref<120x128xf32, #tpu.memory_space<vmem_shared>>
      tpu.enqueue_dma source(%dma_start3A_97 : memref<120x128xf32, #tpu.memory_space<vmem_shared>>) target(%dma_start3A_95 : memref<120x128xf32, #tpu.memory_space<vmem>>) target_semaphore(%run_scoped3A : memref<!tpu.dma_semaphore, #tpu.memory_space<semaphore_mem>>)
      %dma_wait3A = arith.constant 0 : i32
      %dma_wait3A_98 = arith.constant 0 : i32
      %dma_wait3A_99 = tpu.memref_slice %arg9[%dma_wait3A, %dma_wait3A_98] : memref<128x128xf32, #tpu.memory_space<vmem>> -> memref<120x128xf32, #tpu.memory_space<vmem>>
      %dma_wait3A_100 = arith.constant 0 : i32
      %dma_wait3A_101 = tpu.memref_slice %arg11[%add3A_85, %dma_wait3A_100] : memref<10112x128xf32, #tpu.memory_space<vmem_shared>> -> memref<120x128xf32, #tpu.memory_space<vmem_shared>>
      %dma_wait3A_102 = arith.constant 0 : i32
      %dma_wait3A_103 = arith.constant 0 : i32
      %dma_wait3A_104 = tpu.memref_slice %arg9[%dma_wait3A_102, %dma_wait3A_103] : memref<128x128xf32, #tpu.memory_space<vmem>> -> memref<120x128xf32, #tpu.memory_space<vmem>>
      %dma_wait3A_105 = arith.constant 0 : i32
      %dma_wait3A_106 = tpu.memref_slice %arg11[%add3A_85, %dma_wait3A_105] : memref<10112x128xf32, #tpu.memory_space<vmem_shared>> -> memref<120x128xf32, #tpu.memory_space<vmem_shared>>
      tpu.wait_dma2 semaphore(%run_scoped3A : memref<!tpu.dma_semaphore, #tpu.memory_space<semaphore_mem>>) src(%dma_wait3A_106 : memref<120x128xf32, #tpu.memory_space<vmem_shared>>) dst(%dma_wait3A_104 : memref<120x128xf32, #tpu.memory_space<vmem>>)
      tpu.yield
    }) : () -> ()
    %add3A_86 = arith.constant 512 : i32
    %add3A_87 = arith.addi %mul3A_2, %add3A_86 : i32
    "tpu.region"() ({
      %run_scoped3A = tpu.sem_alloc : memref<!tpu.dma_semaphore, #tpu.memory_space<semaphore_mem>>
      %dma_start3A_88 = arith.constant 0 : i32
      %dma_start3A_89 = arith.constant 0 : i32
      %dma_start3A_90 = tpu.memref_slice %arg9[%dma_start3A_88, %dma_start3A_89] : memref<128x128xf32, #tpu.memory_space<vmem>> -> memref<120x128xf32, #tpu.memory_space<vmem>>
      %dma_start3A_91 = arith.constant 0 : i32
      %dma_start3A_92 = tpu.memref_slice %arg6[%arg0, %add3A_87, %dma_start3A_91] : memref<2x10112x128xf32, #tpu.memory_space<hbm>> -> memref<1x120x128xf32, #tpu.memory_space<hbm>>
      %dma_start3A_93 = tpu.memref_squeeze %dma_start3A_92 : memref<1x120x128xf32, #tpu.memory_space<hbm>> -> memref<120x128xf32, #tpu.memory_space<hbm>>
      %dma_start3A_94 = arith.constant 0 : i32
      %dma_start3A_95 = tpu.memref_slice %arg6[%arg0, %add3A_87, %dma_start3A_94] : memref<2x10112x128xf32, #tpu.memory_space<hbm>> -> memref<1x120x128xf32, #tpu.memory_space<hbm>>
      %dma_start3A_96 = tpu.memref_squeeze %dma_start3A_95 : memref<1x120x128xf32, #tpu.memory_space<hbm>> -> memref<120x128xf32, #tpu.memory_space<hbm>>
      %dma_start3A_97 = arith.constant 0 : i32
      %dma_start3A_98 = arith.constant 0 : i32
      %dma_start3A_99 = tpu.memref_slice %arg9[%dma_start3A_97, %dma_start3A_98] : memref<128x128xf32, #tpu.memory_space<vmem>> -> memref<120x128xf32, #tpu.memory_space<vmem>>
      tpu.enqueue_dma source(%dma_start3A_99 : memref<120x128xf32, #tpu.memory_space<vmem>>) target(%dma_start3A_96 : memref<120x128xf32, #tpu.memory_space<hbm>>) target_semaphore(%run_scoped3A : memref<!tpu.dma_semaphore, #tpu.memory_space<semaphore_mem>>)
      %dma_wait3A = arith.constant 0 : i32
      %dma_wait3A_100 = arith.constant 0 : i32
      %dma_wait3A_101 = tpu.memref_slice %arg9[%dma_wait3A, %dma_wait3A_100] : memref<128x128xf32, #tpu.memory_space<vmem>> -> memref<120x128xf32, #tpu.memory_space<vmem>>
      %dma_wait3A_102 = arith.constant 0 : i32
      %dma_wait3A_103 = tpu.memref_slice %arg6[%arg0, %add3A_87, %dma_wait3A_102] : memref<2x10112x128xf32, #tpu.memory_space<hbm>> -> memref<1x120x128xf32, #tpu.memory_space<hbm>>
      %dma_wait3A_104 = tpu.memref_squeeze %dma_wait3A_103 : memref<1x120x128xf32, #tpu.memory_space<hbm>> -> memref<120x128xf32, #tpu.memory_space<hbm>>
      %dma_wait3A_105 = arith.constant 0 : i32
      %dma_wait3A_106 = tpu.memref_slice %arg6[%arg0, %add3A_87, %dma_wait3A_105] : memref<2x10112x128xf32, #tpu.memory_space<hbm>> -> memref<1x120x128xf32, #tpu.memory_space<hbm>>
      %dma_wait3A_107 = tpu.memref_squeeze %dma_wait3A_106 : memref<1x120x128xf32, #tpu.memory_space<hbm>> -> memref<120x128xf32, #tpu.memory_space<hbm>>
      %dma_wait3A_108 = arith.constant 0 : i32
      %dma_wait3A_109 = arith.constant 0 : i32
      %dma_wait3A_110 = tpu.memref_slice %arg9[%dma_wait3A_108, %dma_wait3A_109] : memref<128x128xf32, #tpu.memory_space<vmem>> -> memref<120x128xf32, #tpu.memory_space<vmem>>
      tpu.wait_dma2 semaphore(%run_scoped3A : memref<!tpu.dma_semaphore, #tpu.memory_space<semaphore_mem>>) src(%dma_wait3A_110 : memref<120x128xf32, #tpu.memory_space<vmem>>) dst(%dma_wait3A_107 : memref<120x128xf32, #tpu.memory_space<hbm>>)
      tpu.yield
    }) : () -> ()
    return
  }
}

#map = affine_map<(d0, d1) -> (0, 0)>
#map1 = affine_map<(d0, d1) -> (0, 0, 0)>
module attributes {stable_mosaic.version = 14 : i64} {
  func.func @_decode_body(%arg0: i32, %arg1: i32, %arg2: memref<10112x128xf32, #tpu.memory_space<hbm>>, %arg3: memref<10112x128xf32, #tpu.memory_space<hbm>>, %arg4: memref<32x26x128xi32, #tpu.memory_space<hbm>>, %arg5: memref<32x26x128xi32, #tpu.memory_space<hbm>>, %arg6: memref<106496x16xf32, #tpu.memory_space<hbm>>, %arg7: memref<26x128xi32, #tpu.memory_space<vmem>>, %arg8: memref<26x128xi32, #tpu.memory_space<vmem>>, %arg9: memref<128x128xf32, #tpu.memory_space<vmem>>, %arg10: memref<128x128xf32, #tpu.memory_space<vmem>>, %arg11: memref<128x128xf32, #tpu.memory_space<vmem>>, %arg12: memref<128x128xf32, #tpu.memory_space<vmem>>, %arg13: memref<128x16xf32, #tpu.memory_space<vmem>>, %arg14: memref<!tpu.dma_semaphore, #tpu.memory_space<semaphore_mem>>, %arg15: memref<!tpu.dma_semaphore, #tpu.memory_space<semaphore_mem>>) attributes {dimension_semantics = [#tpu.dimension_semantics<core_parallel>, #tpu.dimension_semantics<subcore_parallel>], iteration_bounds = array<i64: 2, 16>, scalar_prefetch = 0 : i64, scratch_operands = 9 : i64, tpu.core_type = #tpu.core_type<sc_vector_subcore>, window_params = [{transform_indices = #map}, {transform_indices = #map}, {transform_indices = #map1}, {transform_indices = #map1}, {transform_indices = #map}]} {
    %mul3A = arith.constant 2 : i32
    %mul3A_0 = arith.muli %arg1, %mul3A : i32
    %add3A = arith.addi %mul3A_0, %arg0 : i32
    "tpu.region"() ({
      %run_scoped3A = tpu.sem_alloc : memref<!tpu.dma_semaphore, #tpu.memory_space<semaphore_mem>>
      %dma_start3A_56 = arith.constant 0 : i32
      %dma_start3A_57 = arith.constant 0 : i32
      %dma_start3A_58 = tpu.memref_slice %arg4[%add3A, %dma_start3A_56, %dma_start3A_57] : memref<32x26x128xi32, #tpu.memory_space<hbm>> -> memref<1x26x128xi32, #tpu.memory_space<hbm>>
      %dma_start3A_59 = tpu.memref_squeeze %dma_start3A_58 : memref<1x26x128xi32, #tpu.memory_space<hbm>> -> memref<26x128xi32, #tpu.memory_space<hbm>>
      %dma_start3A_60 = arith.constant 0 : i32
      %dma_start3A_61 = arith.constant 0 : i32
      %dma_start3A_62 = tpu.memref_slice %arg4[%add3A, %dma_start3A_60, %dma_start3A_61] : memref<32x26x128xi32, #tpu.memory_space<hbm>> -> memref<1x26x128xi32, #tpu.memory_space<hbm>>
      %dma_start3A_63 = tpu.memref_squeeze %dma_start3A_62 : memref<1x26x128xi32, #tpu.memory_space<hbm>> -> memref<26x128xi32, #tpu.memory_space<hbm>>
      tpu.enqueue_dma source(%dma_start3A_63 : memref<26x128xi32, #tpu.memory_space<hbm>>) target(%arg7 : memref<26x128xi32, #tpu.memory_space<vmem>>) target_semaphore(%run_scoped3A : memref<!tpu.dma_semaphore, #tpu.memory_space<semaphore_mem>>)
      %dma_wait3A_64 = arith.constant 0 : i32
      %dma_wait3A_65 = arith.constant 0 : i32
      %dma_wait3A_66 = tpu.memref_slice %arg4[%add3A, %dma_wait3A_64, %dma_wait3A_65] : memref<32x26x128xi32, #tpu.memory_space<hbm>> -> memref<1x26x128xi32, #tpu.memory_space<hbm>>
      %dma_wait3A_67 = tpu.memref_squeeze %dma_wait3A_66 : memref<1x26x128xi32, #tpu.memory_space<hbm>> -> memref<26x128xi32, #tpu.memory_space<hbm>>
      %dma_wait3A_68 = arith.constant 0 : i32
      %dma_wait3A_69 = arith.constant 0 : i32
      %dma_wait3A_70 = tpu.memref_slice %arg4[%add3A, %dma_wait3A_68, %dma_wait3A_69] : memref<32x26x128xi32, #tpu.memory_space<hbm>> -> memref<1x26x128xi32, #tpu.memory_space<hbm>>
      %dma_wait3A_71 = tpu.memref_squeeze %dma_wait3A_70 : memref<1x26x128xi32, #tpu.memory_space<hbm>> -> memref<26x128xi32, #tpu.memory_space<hbm>>
      tpu.wait_dma2 semaphore(%run_scoped3A : memref<!tpu.dma_semaphore, #tpu.memory_space<semaphore_mem>>) src(%dma_wait3A_71 : memref<26x128xi32, #tpu.memory_space<hbm>>) dst(%arg7 : memref<26x128xi32, #tpu.memory_space<vmem>>)
      tpu.yield
    }) : () -> ()
    "tpu.region"() ({
      %run_scoped3A = tpu.sem_alloc : memref<!tpu.dma_semaphore, #tpu.memory_space<semaphore_mem>>
      %dma_start3A_56 = arith.constant 0 : i32
      %dma_start3A_57 = arith.constant 0 : i32
      %dma_start3A_58 = tpu.memref_slice %arg5[%add3A, %dma_start3A_56, %dma_start3A_57] : memref<32x26x128xi32, #tpu.memory_space<hbm>> -> memref<1x26x128xi32, #tpu.memory_space<hbm>>
      %dma_start3A_59 = tpu.memref_squeeze %dma_start3A_58 : memref<1x26x128xi32, #tpu.memory_space<hbm>> -> memref<26x128xi32, #tpu.memory_space<hbm>>
      %dma_start3A_60 = arith.constant 0 : i32
      %dma_start3A_61 = arith.constant 0 : i32
      %dma_start3A_62 = tpu.memref_slice %arg5[%add3A, %dma_start3A_60, %dma_start3A_61] : memref<32x26x128xi32, #tpu.memory_space<hbm>> -> memref<1x26x128xi32, #tpu.memory_space<hbm>>
      %dma_start3A_63 = tpu.memref_squeeze %dma_start3A_62 : memref<1x26x128xi32, #tpu.memory_space<hbm>> -> memref<26x128xi32, #tpu.memory_space<hbm>>
      tpu.enqueue_dma source(%dma_start3A_63 : memref<26x128xi32, #tpu.memory_space<hbm>>) target(%arg8 : memref<26x128xi32, #tpu.memory_space<vmem>>) target_semaphore(%run_scoped3A : memref<!tpu.dma_semaphore, #tpu.memory_space<semaphore_mem>>)
      %dma_wait3A_64 = arith.constant 0 : i32
      %dma_wait3A_65 = arith.constant 0 : i32
      %dma_wait3A_66 = tpu.memref_slice %arg5[%add3A, %dma_wait3A_64, %dma_wait3A_65] : memref<32x26x128xi32, #tpu.memory_space<hbm>> -> memref<1x26x128xi32, #tpu.memory_space<hbm>>
      %dma_wait3A_67 = tpu.memref_squeeze %dma_wait3A_66 : memref<1x26x128xi32, #tpu.memory_space<hbm>> -> memref<26x128xi32, #tpu.memory_space<hbm>>
      %dma_wait3A_68 = arith.constant 0 : i32
      %dma_wait3A_69 = arith.constant 0 : i32
      %dma_wait3A_70 = tpu.memref_slice %arg5[%add3A, %dma_wait3A_68, %dma_wait3A_69] : memref<32x26x128xi32, #tpu.memory_space<hbm>> -> memref<1x26x128xi32, #tpu.memory_space<hbm>>
      %dma_wait3A_71 = tpu.memref_squeeze %dma_wait3A_70 : memref<1x26x128xi32, #tpu.memory_space<hbm>> -> memref<26x128xi32, #tpu.memory_space<hbm>>
      tpu.wait_dma2 semaphore(%run_scoped3A : memref<!tpu.dma_semaphore, #tpu.memory_space<semaphore_mem>>) src(%dma_wait3A_71 : memref<26x128xi32, #tpu.memory_space<hbm>>) dst(%arg8 : memref<26x128xi32, #tpu.memory_space<vmem>>)
      tpu.yield
    }) : () -> ()
    %dma_start3A = arith.constant 0 : i32
    %dma_start3A_1 = arith.constant 0 : i32
    %dma_start3A_2 = tpu.memref_slice %arg7[%dma_start3A, %dma_start3A_1] : memref<26x128xi32, #tpu.memory_space<vmem>> -> memref<1x128xi32, #tpu.memory_space<vmem>>
    %dma_start3A_3 = tpu.memref_squeeze %dma_start3A_2 : memref<1x128xi32, #tpu.memory_space<vmem>> -> memref<128xi32, #tpu.memory_space<vmem>>
    %dma_start3A_4 = arith.constant 0 : i32
    %dma_start3A_5 = arith.constant 0 : i32
    %dma_start3A_6 = tpu.memref_slice %arg2[%dma_start3A_4, %dma_start3A_5] : memref<10112x128xf32, #tpu.memory_space<hbm>> -> memref<10112x128xf32, #tpu.memory_space<hbm>>
    tpu.enqueue_indirect_dma source(%dma_start3A_6 : memref<10112x128xf32, #tpu.memory_space<hbm>>) target(%arg9 : memref<128x128xf32, #tpu.memory_space<vmem>>) offsets(%dma_start3A_3 : memref<128xi32, #tpu.memory_space<vmem>>) semaphore(%arg14 : memref<!tpu.dma_semaphore, #tpu.memory_space<semaphore_mem>>)
    %dma_start3A_7 = arith.constant 0 : i32
    %dma_start3A_8 = arith.constant 0 : i32
    %dma_start3A_9 = tpu.memref_slice %arg8[%dma_start3A_7, %dma_start3A_8] : memref<26x128xi32, #tpu.memory_space<vmem>> -> memref<1x128xi32, #tpu.memory_space<vmem>>
    %dma_start3A_10 = tpu.memref_squeeze %dma_start3A_9 : memref<1x128xi32, #tpu.memory_space<vmem>> -> memref<128xi32, #tpu.memory_space<vmem>>
    %dma_start3A_11 = arith.constant 0 : i32
    %dma_start3A_12 = arith.constant 0 : i32
    %dma_start3A_13 = tpu.memref_slice %arg3[%dma_start3A_11, %dma_start3A_12] : memref<10112x128xf32, #tpu.memory_space<hbm>> -> memref<10112x128xf32, #tpu.memory_space<hbm>>
    tpu.enqueue_indirect_dma source(%dma_start3A_13 : memref<10112x128xf32, #tpu.memory_space<hbm>>) target(%arg10 : memref<128x128xf32, #tpu.memory_space<vmem>>) offsets(%dma_start3A_10 : memref<128xi32, #tpu.memory_space<vmem>>) semaphore(%arg14 : memref<!tpu.dma_semaphore, #tpu.memory_space<semaphore_mem>>)
    %dma_start3A_14 = arith.constant 1 : i32
    %dma_start3A_15 = arith.constant 0 : i32
    %dma_start3A_16 = tpu.memref_slice %arg7[%dma_start3A_14, %dma_start3A_15] : memref<26x128xi32, #tpu.memory_space<vmem>> -> memref<1x128xi32, #tpu.memory_space<vmem>>
    %dma_start3A_17 = tpu.memref_squeeze %dma_start3A_16 : memref<1x128xi32, #tpu.memory_space<vmem>> -> memref<128xi32, #tpu.memory_space<vmem>>
    %dma_start3A_18 = arith.constant 0 : i32
    %dma_start3A_19 = arith.constant 0 : i32
    %dma_start3A_20 = tpu.memref_slice %arg2[%dma_start3A_18, %dma_start3A_19] : memref<10112x128xf32, #tpu.memory_space<hbm>> -> memref<10112x128xf32, #tpu.memory_space<hbm>>
    tpu.enqueue_indirect_dma source(%dma_start3A_20 : memref<10112x128xf32, #tpu.memory_space<hbm>>) target(%arg11 : memref<128x128xf32, #tpu.memory_space<vmem>>) offsets(%dma_start3A_17 : memref<128xi32, #tpu.memory_space<vmem>>) semaphore(%arg15 : memref<!tpu.dma_semaphore, #tpu.memory_space<semaphore_mem>>)
    %dma_start3A_21 = arith.constant 1 : i32
    %dma_start3A_22 = arith.constant 0 : i32
    %dma_start3A_23 = tpu.memref_slice %arg8[%dma_start3A_21, %dma_start3A_22] : memref<26x128xi32, #tpu.memory_space<vmem>> -> memref<1x128xi32, #tpu.memory_space<vmem>>
    %dma_start3A_24 = tpu.memref_squeeze %dma_start3A_23 : memref<1x128xi32, #tpu.memory_space<vmem>> -> memref<128xi32, #tpu.memory_space<vmem>>
    %dma_start3A_25 = arith.constant 0 : i32
    %dma_start3A_26 = arith.constant 0 : i32
    %dma_start3A_27 = tpu.memref_slice %arg3[%dma_start3A_25, %dma_start3A_26] : memref<10112x128xf32, #tpu.memory_space<hbm>> -> memref<10112x128xf32, #tpu.memory_space<hbm>>
    tpu.enqueue_indirect_dma source(%dma_start3A_27 : memref<10112x128xf32, #tpu.memory_space<hbm>>) target(%arg12 : memref<128x128xf32, #tpu.memory_space<vmem>>) offsets(%dma_start3A_24 : memref<128xi32, #tpu.memory_space<vmem>>) semaphore(%arg15 : memref<!tpu.dma_semaphore, #tpu.memory_space<semaphore_mem>>)
    %scan3A = arith.constant 0 : i32
    %scan3A_28 = arith.constant 0 : i32
    %scan3A_29 = arith.constant 13 : i32
    %scan3A_30 = arith.addi %scan3A_28, %scan3A_29 : i32
    %scan3A_31 = arith.constant 1 : i32
    scf.for %scan3A_56 = %scan3A_28 to %scan3A_30 step %scan3A_31  : i32 {
      %mul3A_57 = arith.constant 2 : i32
      %mul3A_58 = arith.muli %mul3A_57, %scan3A_56 : i32
      %dma_wait3A_59 = arith.constant 0 : i32
      %dma_wait3A_60 = arith.constant 0 : i32
      %dma_wait3A_61 = tpu.memref_slice %arg2[%dma_wait3A_59, %dma_wait3A_60] : memref<10112x128xf32, #tpu.memory_space<hbm>> -> memref<128x128xf32, #tpu.memory_space<hbm>>
      %dma_wait3A_62 = arith.constant 0 : i32
      %dma_wait3A_63 = arith.constant 0 : i32
      %dma_wait3A_64 = tpu.memref_slice %arg2[%dma_wait3A_62, %dma_wait3A_63] : memref<10112x128xf32, #tpu.memory_space<hbm>> -> memref<128x128xf32, #tpu.memory_space<hbm>>
      tpu.wait_dma2 semaphore(%arg14 : memref<!tpu.dma_semaphore, #tpu.memory_space<semaphore_mem>>) src(%dma_wait3A_64 : memref<128x128xf32, #tpu.memory_space<hbm>>) dst(%arg9 : memref<128x128xf32, #tpu.memory_space<vmem>>)
      %dma_wait3A_65 = arith.constant 0 : i32
      %dma_wait3A_66 = arith.constant 0 : i32
      %dma_wait3A_67 = tpu.memref_slice %arg2[%dma_wait3A_65, %dma_wait3A_66] : memref<10112x128xf32, #tpu.memory_space<hbm>> -> memref<128x128xf32, #tpu.memory_space<hbm>>
      %dma_wait3A_68 = arith.constant 0 : i32
      %dma_wait3A_69 = arith.constant 0 : i32
      %dma_wait3A_70 = tpu.memref_slice %arg2[%dma_wait3A_68, %dma_wait3A_69] : memref<10112x128xf32, #tpu.memory_space<hbm>> -> memref<128x128xf32, #tpu.memory_space<hbm>>
      tpu.wait_dma2 semaphore(%arg14 : memref<!tpu.dma_semaphore, #tpu.memory_space<semaphore_mem>>) src(%dma_wait3A_70 : memref<128x128xf32, #tpu.memory_space<hbm>>) dst(%arg10 : memref<128x128xf32, #tpu.memory_space<vmem>>)
      %scan3A_71 = arith.constant 0 : i32
      %scan3A_72 = arith.constant 0 : i32
      %scan3A_73 = arith.constant 128 : i32
      %scan3A_74 = arith.addi %scan3A_72, %scan3A_73 : i32
      %scan3A_75 = arith.constant 1 : i32
      scf.for %scan3A_138 = %scan3A_72 to %scan3A_74 step %scan3A_75  : i32 {
        %get3A = arith.index_cast %scan3A_138 : i32 to index
        %get3A_139 = arith.constant 0 : index
        %get3A_140 = tpu.vector_load %arg9[%get3A, %get3A_139] {strides = array<i32>} : memref<128x128xf32, #tpu.memory_space<vmem>>, vector<1x16xf32>,
        %get3A_141 = vector.shape_cast %get3A_140 : vector<1x16xf32> to vector<16xf32>
        %get3A_142 = arith.index_cast %scan3A_138 : i32 to index
        %get3A_143 = arith.constant 0 : index
        %get3A_144 = tpu.vector_load %arg10[%get3A_142, %get3A_143] {strides = array<i32>} : memref<128x128xf32, #tpu.memory_space<vmem>>, vector<1x16xf32>,
        %get3A_145 = vector.shape_cast %get3A_144 : vector<1x16xf32> to vector<16xf32>
        %add3A_146 = arith.addf %get3A_141, %get3A_145 : vector<16xf32>
        %swap3A = arith.index_cast %scan3A_138 : i32 to index
        %swap3A_147 = arith.constant 0 : index
        %swap3A_148 = tpu.vector_load %arg13[%swap3A, %swap3A_147] {strides = array<i32>} : memref<128x16xf32, #tpu.memory_space<vmem>>, vector<1x16xf32>,
        %swap3A_149 = vector.shape_cast %swap3A_148 : vector<1x16xf32> to vector<16xf32>
        %swap3A_150 = vector.shape_cast %add3A_146 : vector<16xf32> to vector<1x16xf32>
        tpu.vector_store %arg13[%swap3A, %swap3A_147], %swap3A_150 {strides = array<i32>} : memref<128x16xf32, #tpu.memory_space<vmem>>, vector<1x16xf32>,
      }
      %scan3A_76 = arith.constant 128 : i32
      %mul3A_77 = arith.constant 3328 : i32
      %mul3A_78 = arith.muli %add3A, %mul3A_77 : i32
      %mul3A_79 = arith.constant 128 : i32
      %mul3A_80 = arith.muli %mul3A_58, %mul3A_79 : i32
      %add3A_81 = arith.addi %mul3A_78, %mul3A_80 : i32
      "tpu.region"() ({
        %run_scoped3A = tpu.sem_alloc : memref<!tpu.dma_semaphore, #tpu.memory_space<semaphore_mem>>
        %dma_start3A_138 = arith.constant 0 : i32
        %dma_start3A_139 = tpu.memref_slice %arg6[%add3A_81, %dma_start3A_138] : memref<106496x16xf32, #tpu.memory_space<hbm>> -> memref<128x16xf32, #tpu.memory_space<hbm>>
        %dma_start3A_140 = arith.constant 0 : i32
        %dma_start3A_141 = tpu.memref_slice %arg6[%add3A_81, %dma_start3A_140] : memref<106496x16xf32, #tpu.memory_space<hbm>> -> memref<128x16xf32, #tpu.memory_space<hbm>>
        tpu.enqueue_dma source(%arg13 : memref<128x16xf32, #tpu.memory_space<vmem>>) target(%dma_start3A_141 : memref<128x16xf32, #tpu.memory_space<hbm>>) target_semaphore(%run_scoped3A : memref<!tpu.dma_semaphore, #tpu.memory_space<semaphore_mem>>)
        %dma_wait3A_142 = arith.constant 0 : i32
        %dma_wait3A_143 = tpu.memref_slice %arg6[%add3A_81, %dma_wait3A_142] : memref<106496x16xf32, #tpu.memory_space<hbm>> -> memref<128x16xf32, #tpu.memory_space<hbm>>
        %dma_wait3A_144 = arith.constant 0 : i32
        %dma_wait3A_145 = tpu.memref_slice %arg6[%add3A_81, %dma_wait3A_144] : memref<106496x16xf32, #tpu.memory_space<hbm>> -> memref<128x16xf32, #tpu.memory_space<hbm>>
        tpu.wait_dma2 semaphore(%run_scoped3A : memref<!tpu.dma_semaphore, #tpu.memory_space<semaphore_mem>>) src(%arg13 : memref<128x16xf32, #tpu.memory_space<vmem>>) dst(%dma_wait3A_145 : memref<128x16xf32, #tpu.memory_space<hbm>>)
        tpu.yield
      }) : () -> ()
      %add3A_82 = arith.constant 2 : i32
      %add3A_83 = arith.addi %mul3A_58, %add3A_82 : i32
      %min3A = arith.constant 24 : i32
      %min3A_84 = arith.minsi %add3A_83, %min3A : i32
      %dma_start3A_85 = arith.constant 0 : i32
      %dma_start3A_86 = tpu.memref_slice %arg7[%min3A_84, %dma_start3A_85] : memref<26x128xi32, #tpu.memory_space<vmem>> -> memref<1x128xi32, #tpu.memory_space<vmem>>
      %dma_start3A_87 = tpu.memref_squeeze %dma_start3A_86 : memref<1x128xi32, #tpu.memory_space<vmem>> -> memref<128xi32, #tpu.memory_space<vmem>>
      %dma_start3A_88 = arith.constant 0 : i32
      %dma_start3A_89 = arith.constant 0 : i32
      %dma_start3A_90 = tpu.memref_slice %arg2[%dma_start3A_88, %dma_start3A_89] : memref<10112x128xf32, #tpu.memory_space<hbm>> -> memref<10112x128xf32, #tpu.memory_space<hbm>>
      tpu.enqueue_indirect_dma source(%dma_start3A_90 : memref<10112x128xf32, #tpu.memory_space<hbm>>) target(%arg9 : memref<128x128xf32, #tpu.memory_space<vmem>>) offsets(%dma_start3A_87 : memref<128xi32, #tpu.memory_space<vmem>>) semaphore(%arg14 : memref<!tpu.dma_semaphore, #tpu.memory_space<semaphore_mem>>)
      %dma_start3A_91 = arith.constant 0 : i32
      %dma_start3A_92 = tpu.memref_slice %arg8[%min3A_84, %dma_start3A_91] : memref<26x128xi32, #tpu.memory_space<vmem>> -> memref<1x128xi32, #tpu.memory_space<vmem>>
      %dma_start3A_93 = tpu.memref_squeeze %dma_start3A_92 : memref<1x128xi32, #tpu.memory_space<vmem>> -> memref<128xi32, #tpu.memory_space<vmem>>
      %dma_start3A_94 = arith.constant 0 : i32
      %dma_start3A_95 = arith.constant 0 : i32
      %dma_start3A_96 = tpu.memref_slice %arg3[%dma_start3A_94, %dma_start3A_95] : memref<10112x128xf32, #tpu.memory_space<hbm>> -> memref<10112x128xf32, #tpu.memory_space<hbm>>
      tpu.enqueue_indirect_dma source(%dma_start3A_96 : memref<10112x128xf32, #tpu.memory_space<hbm>>) target(%arg10 : memref<128x128xf32, #tpu.memory_space<vmem>>) offsets(%dma_start3A_93 : memref<128xi32, #tpu.memory_space<vmem>>) semaphore(%arg14 : memref<!tpu.dma_semaphore, #tpu.memory_space<semaphore_mem>>)
      %add3A_97 = arith.constant 1 : i32
      %add3A_98 = arith.addi %mul3A_58, %add3A_97 : i32
      %dma_wait3A_99 = arith.constant 0 : i32
      %dma_wait3A_100 = arith.constant 0 : i32
      %dma_wait3A_101 = tpu.memref_slice %arg2[%dma_wait3A_99, %dma_wait3A_100] : memref<10112x128xf32, #tpu.memory_space<hbm>> -> memref<128x128xf32, #tpu.memory_space<hbm>>
      %dma_wait3A_102 = arith.constant 0 : i32
      %dma_wait3A_103 = arith.constant 0 : i32
      %dma_wait3A_104 = tpu.memref_slice %arg2[%dma_wait3A_102, %dma_wait3A_103] : memref<10112x128xf32, #tpu.memory_space<hbm>> -> memref<128x128xf32, #tpu.memory_space<hbm>>
      tpu.wait_dma2 semaphore(%arg15 : memref<!tpu.dma_semaphore, #tpu.memory_space<semaphore_mem>>) src(%dma_wait3A_104 : memref<128x128xf32, #tpu.memory_space<hbm>>) dst(%arg11 : memref<128x128xf32, #tpu.memory_space<vmem>>)
      %dma_wait3A_105 = arith.constant 0 : i32
      %dma_wait3A_106 = arith.constant 0 : i32
      %dma_wait3A_107 = tpu.memref_slice %arg2[%dma_wait3A_105, %dma_wait3A_106] : memref<10112x128xf32, #tpu.memory_space<hbm>> -> memref<128x128xf32, #tpu.memory_space<hbm>>
      %dma_wait3A_108 = arith.constant 0 : i32
      %dma_wait3A_109 = arith.constant 0 : i32
      %dma_wait3A_110 = tpu.memref_slice %arg2[%dma_wait3A_108, %dma_wait3A_109] : memref<10112x128xf32, #tpu.memory_space<hbm>> -> memref<128x128xf32, #tpu.memory_space<hbm>>
      tpu.wait_dma2 semaphore(%arg15 : memref<!tpu.dma_semaphore, #tpu.memory_space<semaphore_mem>>) src(%dma_wait3A_110 : memref<128x128xf32, #tpu.memory_space<hbm>>) dst(%arg12 : memref<128x128xf32, #tpu.memory_space<vmem>>)
      %scan3A_111 = arith.constant 0 : i32
      %scan3A_112 = arith.constant 0 : i32
      %scan3A_113 = arith.constant 128 : i32
      %scan3A_114 = arith.addi %scan3A_112, %scan3A_113 : i32
      %scan3A_115 = arith.constant 1 : i32
      scf.for %scan3A_138 = %scan3A_112 to %scan3A_114 step %scan3A_115  : i32 {
        %get3A = arith.index_cast %scan3A_138 : i32 to index
        %get3A_139 = arith.constant 0 : index
        %get3A_140 = tpu.vector_load %arg11[%get3A, %get3A_139] {strides = array<i32>} : memref<128x128xf32, #tpu.memory_space<vmem>>, vector<1x16xf32>,
        %get3A_141 = vector.shape_cast %get3A_140 : vector<1x16xf32> to vector<16xf32>
        %get3A_142 = arith.index_cast %scan3A_138 : i32 to index
        %get3A_143 = arith.constant 0 : index
        %get3A_144 = tpu.vector_load %arg12[%get3A_142, %get3A_143] {strides = array<i32>} : memref<128x128xf32, #tpu.memory_space<vmem>>, vector<1x16xf32>,
        %get3A_145 = vector.shape_cast %get3A_144 : vector<1x16xf32> to vector<16xf32>
        %add3A_146 = arith.addf %get3A_141, %get3A_145 : vector<16xf32>
        %swap3A = arith.index_cast %scan3A_138 : i32 to index
        %swap3A_147 = arith.constant 0 : index
        %swap3A_148 = tpu.vector_load %arg13[%swap3A, %swap3A_147] {strides = array<i32>} : memref<128x16xf32, #tpu.memory_space<vmem>>, vector<1x16xf32>,
        %swap3A_149 = vector.shape_cast %swap3A_148 : vector<1x16xf32> to vector<16xf32>
        %swap3A_150 = vector.shape_cast %add3A_146 : vector<16xf32> to vector<1x16xf32>
        tpu.vector_store %arg13[%swap3A, %swap3A_147], %swap3A_150 {strides = array<i32>} : memref<128x16xf32, #tpu.memory_space<vmem>>, vector<1x16xf32>,
      }
      %scan3A_116 = arith.constant 128 : i32
      %mul3A_117 = arith.constant 3328 : i32
      %mul3A_118 = arith.muli %add3A, %mul3A_117 : i32
      %mul3A_119 = arith.constant 128 : i32
      %mul3A_120 = arith.muli %add3A_98, %mul3A_119 : i32
      %add3A_121 = arith.addi %mul3A_118, %mul3A_120 : i32
      "tpu.region"() ({
        %run_scoped3A = tpu.sem_alloc : memref<!tpu.dma_semaphore, #tpu.memory_space<semaphore_mem>>
        %dma_start3A_138 = arith.constant 0 : i32
        %dma_start3A_139 = tpu.memref_slice %arg6[%add3A_121, %dma_start3A_138] : memref<106496x16xf32, #tpu.memory_space<hbm>> -> memref<128x16xf32, #tpu.memory_space<hbm>>
        %dma_start3A_140 = arith.constant 0 : i32
        %dma_start3A_141 = tpu.memref_slice %arg6[%add3A_121, %dma_start3A_140] : memref<106496x16xf32, #tpu.memory_space<hbm>> -> memref<128x16xf32, #tpu.memory_space<hbm>>
        tpu.enqueue_dma source(%arg13 : memref<128x16xf32, #tpu.memory_space<vmem>>) target(%dma_start3A_141 : memref<128x16xf32, #tpu.memory_space<hbm>>) target_semaphore(%run_scoped3A : memref<!tpu.dma_semaphore, #tpu.memory_space<semaphore_mem>>)
        %dma_wait3A_142 = arith.constant 0 : i32
        %dma_wait3A_143 = tpu.memref_slice %arg6[%add3A_121, %dma_wait3A_142] : memref<106496x16xf32, #tpu.memory_space<hbm>> -> memref<128x16xf32, #tpu.memory_space<hbm>>
        %dma_wait3A_144 = arith.constant 0 : i32
        %dma_wait3A_145 = tpu.memref_slice %arg6[%add3A_121, %dma_wait3A_144] : memref<106496x16xf32, #tpu.memory_space<hbm>> -> memref<128x16xf32, #tpu.memory_space<hbm>>
        tpu.wait_dma2 semaphore(%run_scoped3A : memref<!tpu.dma_semaphore, #tpu.memory_space<semaphore_mem>>) src(%arg13 : memref<128x16xf32, #tpu.memory_space<vmem>>) dst(%dma_wait3A_145 : memref<128x16xf32, #tpu.memory_space<hbm>>)
        tpu.yield
      }) : () -> ()
      %add3A_122 = arith.constant 2 : i32
      %add3A_123 = arith.addi %add3A_98, %add3A_122 : i32
      %min3A_124 = arith.constant 25 : i32
      %min3A_125 = arith.minsi %add3A_123, %min3A_124 : i32
      %dma_start3A_126 = arith.constant 0 : i32
      %dma_start3A_127 = tpu.memref_slice %arg7[%min3A_125, %dma_start3A_126] : memref<26x128xi32, #tpu.memory_space<vmem>> -> memref<1x128xi32, #tpu.memory_space<vmem>>
      %dma_start3A_128 = tpu.memref_squeeze %dma_start3A_127 : memref<1x128xi32, #tpu.memory_space<vmem>> -> memref<128xi32, #tpu.memory_space<vmem>>
      %dma_start3A_129 = arith.constant 0 : i32
      %dma_start3A_130 = arith.constant 0 : i32
      %dma_start3A_131 = tpu.memref_slice %arg2[%dma_start3A_129, %dma_start3A_130] : memref<10112x128xf32, #tpu.memory_space<hbm>> -> memref<10112x128xf32, #tpu.memory_space<hbm>>
      tpu.enqueue_indirect_dma source(%dma_start3A_131 : memref<10112x128xf32, #tpu.memory_space<hbm>>) target(%arg11 : memref<128x128xf32, #tpu.memory_space<vmem>>) offsets(%dma_start3A_128 : memref<128xi32, #tpu.memory_space<vmem>>) semaphore(%arg15 : memref<!tpu.dma_semaphore, #tpu.memory_space<semaphore_mem>>)
      %dma_start3A_132 = arith.constant 0 : i32
      %dma_start3A_133 = tpu.memref_slice %arg8[%min3A_125, %dma_start3A_132] : memref<26x128xi32, #tpu.memory_space<vmem>> -> memref<1x128xi32, #tpu.memory_space<vmem>>
      %dma_start3A_134 = tpu.memref_squeeze %dma_start3A_133 : memref<1x128xi32, #tpu.memory_space<vmem>> -> memref<128xi32, #tpu.memory_space<vmem>>
      %dma_start3A_135 = arith.constant 0 : i32
      %dma_start3A_136 = arith.constant 0 : i32
      %dma_start3A_137 = tpu.memref_slice %arg3[%dma_start3A_135, %dma_start3A_136] : memref<10112x128xf32, #tpu.memory_space<hbm>> -> memref<10112x128xf32, #tpu.memory_space<hbm>>
      tpu.enqueue_indirect_dma source(%dma_start3A_137 : memref<10112x128xf32, #tpu.memory_space<hbm>>) target(%arg12 : memref<128x128xf32, #tpu.memory_space<vmem>>) offsets(%dma_start3A_134 : memref<128xi32, #tpu.memory_space<vmem>>) semaphore(%arg15 : memref<!tpu.dma_semaphore, #tpu.memory_space<semaphore_mem>>)
    }
    %scan3A_32 = arith.constant 13 : i32
    %dma_wait3A = arith.constant 0 : i32
    %dma_wait3A_33 = arith.constant 0 : i32
    %dma_wait3A_34 = tpu.memref_slice %arg2[%dma_wait3A, %dma_wait3A_33] : memref<10112x128xf32, #tpu.memory_space<hbm>> -> memref<128x128xf32, #tpu.memory_space<hbm>>
    %dma_wait3A_35 = arith.constant 0 : i32
    %dma_wait3A_36 = arith.constant 0 : i32
    %dma_wait3A_37 = tpu.memref_slice %arg2[%dma_wait3A_35, %dma_wait3A_36] : memref<10112x128xf32, #tpu.memory_space<hbm>> -> memref<128x128xf32, #tpu.memory_space<hbm>>
    tpu.wait_dma2 semaphore(%arg14 : memref<!tpu.dma_semaphore, #tpu.memory_space<semaphore_mem>>) src(%dma_wait3A_37 : memref<128x128xf32, #tpu.memory_space<hbm>>) dst(%arg9 : memref<128x128xf32, #tpu.memory_space<vmem>>)
    %dma_wait3A_38 = arith.constant 0 : i32
    %dma_wait3A_39 = arith.constant 0 : i32
    %dma_wait3A_40 = tpu.memref_slice %arg2[%dma_wait3A_38, %dma_wait3A_39] : memref<10112x128xf32, #tpu.memory_space<hbm>> -> memref<128x128xf32, #tpu.memory_space<hbm>>
    %dma_wait3A_41 = arith.constant 0 : i32
    %dma_wait3A_42 = arith.constant 0 : i32
    %dma_wait3A_43 = tpu.memref_slice %arg2[%dma_wait3A_41, %dma_wait3A_42] : memref<10112x128xf32, #tpu.memory_space<hbm>> -> memref<128x128xf32, #tpu.memory_space<hbm>>
    tpu.wait_dma2 semaphore(%arg14 : memref<!tpu.dma_semaphore, #tpu.memory_space<semaphore_mem>>) src(%dma_wait3A_43 : memref<128x128xf32, #tpu.memory_space<hbm>>) dst(%arg10 : memref<128x128xf32, #tpu.memory_space<vmem>>)
    %dma_wait3A_44 = arith.constant 0 : i32
    %dma_wait3A_45 = arith.constant 0 : i32
    %dma_wait3A_46 = tpu.memref_slice %arg2[%dma_wait3A_44, %dma_wait3A_45] : memref<10112x128xf32, #tpu.memory_space<hbm>> -> memref<128x128xf32, #tpu.memory_space<hbm>>
    %dma_wait3A_47 = arith.constant 0 : i32
    %dma_wait3A_48 = arith.constant 0 : i32
    %dma_wait3A_49 = tpu.memref_slice %arg2[%dma_wait3A_47, %dma_wait3A_48] : memref<10112x128xf32, #tpu.memory_space<hbm>> -> memref<128x128xf32, #tpu.memory_space<hbm>>
    tpu.wait_dma2 semaphore(%arg15 : memref<!tpu.dma_semaphore, #tpu.memory_space<semaphore_mem>>) src(%dma_wait3A_49 : memref<128x128xf32, #tpu.memory_space<hbm>>) dst(%arg11 : memref<128x128xf32, #tpu.memory_space<vmem>>)
    %dma_wait3A_50 = arith.constant 0 : i32
    %dma_wait3A_51 = arith.constant 0 : i32
    %dma_wait3A_52 = tpu.memref_slice %arg2[%dma_wait3A_50, %dma_wait3A_51] : memref<10112x128xf32, #tpu.memory_space<hbm>> -> memref<128x128xf32, #tpu.memory_space<hbm>>
    %dma_wait3A_53 = arith.constant 0 : i32
    %dma_wait3A_54 = arith.constant 0 : i32
    %dma_wait3A_55 = tpu.memref_slice %arg2[%dma_wait3A_53, %dma_wait3A_54] : memref<10112x128xf32, #tpu.memory_space<hbm>> -> memref<128x128xf32, #tpu.memory_space<hbm>>
    tpu.wait_dma2 semaphore(%arg15 : memref<!tpu.dma_semaphore, #tpu.memory_space<semaphore_mem>>) src(%dma_wait3A_55 : memref<128x128xf32, #tpu.memory_space<hbm>>) dst(%arg12 : memref<128x128xf32, #tpu.memory_space<vmem>>)
    return
  }
}

#map = affine_map<(d0, d1) -> (0, 0)>
#map1 = affine_map<(d0, d1) -> (0, 0, 0)>
module attributes {stable_mosaic.version = 14 : i64} {
  func.func @_scatter_body(%arg0: i32, %arg1: i32, %arg2: memref<10000x128xf32, #tpu.memory_space<hbm>>, %arg3: memref<64x40x128xi32, #tpu.memory_space<hbm>>, %arg4: memref<64x40x128xi32, #tpu.memory_space<hbm>>, %arg5: memref<128x128xf32, #tpu.memory_space<hbm>>, %arg6: memref<2x10112x128xf32, #tpu.memory_space<hbm>>, %arg7: memref<40x128xi32, #tpu.memory_space<vmem>>, %arg8: memref<40x128xi32, #tpu.memory_space<vmem>>, %arg9: memref<128x128xf32, #tpu.memory_space<vmem>>, %arg10: memref<128x128xf32, #tpu.memory_space<vmem>>, %arg11: memref<10112x128xf32, #tpu.memory_space<vmem_shared>>, %arg12: memref<!tpu.dma_semaphore, #tpu.memory_space<semaphore_mem>>, %arg13: memref<!tpu.dma_semaphore, #tpu.memory_space<semaphore_mem>>, %arg14: memref<!tpu.dma_semaphore, #tpu.memory_space<semaphore_mem>>, %arg15: memref<!tpu.dma_semaphore, #tpu.memory_space<semaphore_mem>>) attributes {dimension_semantics = [#tpu.dimension_semantics<core_parallel>, #tpu.dimension_semantics<subcore_parallel>], iteration_bounds = array<i64: 2, 16>, scalar_prefetch = 0 : i64, scratch_operands = 9 : i64, tpu.core_type = #tpu.core_type<sc_vector_subcore>, window_params = [{transform_indices = #map}, {transform_indices = #map1}, {transform_indices = #map1}, {transform_indices = #map}, {transform_indices = #map1}]} {
    %mul3A = arith.constant 2 : i32
    %mul3A_0 = arith.muli %arg1, %mul3A : i32
    %add3A = arith.addi %mul3A_0, %arg0 : i32
    "tpu.region"() ({
      %run_scoped3A = tpu.sem_alloc : memref<!tpu.dma_semaphore, #tpu.memory_space<semaphore_mem>>
      %dma_start3A_88 = arith.constant 0 : i32
      %dma_start3A_89 = arith.constant 0 : i32
      %dma_start3A_90 = tpu.memref_slice %arg3[%add3A, %dma_start3A_88, %dma_start3A_89] : memref<64x40x128xi32, #tpu.memory_space<hbm>> -> memref<1x40x128xi32, #tpu.memory_space<hbm>>
      %dma_start3A_91 = tpu.memref_squeeze %dma_start3A_90 : memref<1x40x128xi32, #tpu.memory_space<hbm>> -> memref<40x128xi32, #tpu.memory_space<hbm>>
      %dma_start3A_92 = arith.constant 0 : i32
      %dma_start3A_93 = arith.constant 0 : i32
      %dma_start3A_94 = tpu.memref_slice %arg3[%add3A, %dma_start3A_92, %dma_start3A_93] : memref<64x40x128xi32, #tpu.memory_space<hbm>> -> memref<1x40x128xi32, #tpu.memory_space<hbm>>
      %dma_start3A_95 = tpu.memref_squeeze %dma_start3A_94 : memref<1x40x128xi32, #tpu.memory_space<hbm>> -> memref<40x128xi32, #tpu.memory_space<hbm>>
      tpu.enqueue_dma source(%dma_start3A_95 : memref<40x128xi32, #tpu.memory_space<hbm>>) target(%arg7 : memref<40x128xi32, #tpu.memory_space<vmem>>) target_semaphore(%run_scoped3A : memref<!tpu.dma_semaphore, #tpu.memory_space<semaphore_mem>>)
      %dma_wait3A = arith.constant 0 : i32
      %dma_wait3A_96 = arith.constant 0 : i32
      %dma_wait3A_97 = tpu.memref_slice %arg3[%add3A, %dma_wait3A, %dma_wait3A_96] : memref<64x40x128xi32, #tpu.memory_space<hbm>> -> memref<1x40x128xi32, #tpu.memory_space<hbm>>
      %dma_wait3A_98 = tpu.memref_squeeze %dma_wait3A_97 : memref<1x40x128xi32, #tpu.memory_space<hbm>> -> memref<40x128xi32, #tpu.memory_space<hbm>>
      %dma_wait3A_99 = arith.constant 0 : i32
      %dma_wait3A_100 = arith.constant 0 : i32
      %dma_wait3A_101 = tpu.memref_slice %arg3[%add3A, %dma_wait3A_99, %dma_wait3A_100] : memref<64x40x128xi32, #tpu.memory_space<hbm>> -> memref<1x40x128xi32, #tpu.memory_space<hbm>>
      %dma_wait3A_102 = tpu.memref_squeeze %dma_wait3A_101 : memref<1x40x128xi32, #tpu.memory_space<hbm>> -> memref<40x128xi32, #tpu.memory_space<hbm>>
      tpu.wait_dma2 semaphore(%run_scoped3A : memref<!tpu.dma_semaphore, #tpu.memory_space<semaphore_mem>>) src(%dma_wait3A_102 : memref<40x128xi32, #tpu.memory_space<hbm>>) dst(%arg7 : memref<40x128xi32, #tpu.memory_space<vmem>>)
      tpu.yield
    }) : () -> ()
    "tpu.region"() ({
      %run_scoped3A = tpu.sem_alloc : memref<!tpu.dma_semaphore, #tpu.memory_space<semaphore_mem>>
      %dma_start3A_88 = arith.constant 0 : i32
      %dma_start3A_89 = arith.constant 0 : i32
      %dma_start3A_90 = tpu.memref_slice %arg4[%add3A, %dma_start3A_88, %dma_start3A_89] : memref<64x40x128xi32, #tpu.memory_space<hbm>> -> memref<1x40x128xi32, #tpu.memory_space<hbm>>
      %dma_start3A_91 = tpu.memref_squeeze %dma_start3A_90 : memref<1x40x128xi32, #tpu.memory_space<hbm>> -> memref<40x128xi32, #tpu.memory_space<hbm>>
      %dma_start3A_92 = arith.constant 0 : i32
      %dma_start3A_93 = arith.constant 0 : i32
      %dma_start3A_94 = tpu.memref_slice %arg4[%add3A, %dma_start3A_92, %dma_start3A_93] : memref<64x40x128xi32, #tpu.memory_space<hbm>> -> memref<1x40x128xi32, #tpu.memory_space<hbm>>
      %dma_start3A_95 = tpu.memref_squeeze %dma_start3A_94 : memref<1x40x128xi32, #tpu.memory_space<hbm>> -> memref<40x128xi32, #tpu.memory_space<hbm>>
      tpu.enqueue_dma source(%dma_start3A_95 : memref<40x128xi32, #tpu.memory_space<hbm>>) target(%arg8 : memref<40x128xi32, #tpu.memory_space<vmem>>) target_semaphore(%run_scoped3A : memref<!tpu.dma_semaphore, #tpu.memory_space<semaphore_mem>>)
      %dma_wait3A = arith.constant 0 : i32
      %dma_wait3A_96 = arith.constant 0 : i32
      %dma_wait3A_97 = tpu.memref_slice %arg4[%add3A, %dma_wait3A, %dma_wait3A_96] : memref<64x40x128xi32, #tpu.memory_space<hbm>> -> memref<1x40x128xi32, #tpu.memory_space<hbm>>
      %dma_wait3A_98 = tpu.memref_squeeze %dma_wait3A_97 : memref<1x40x128xi32, #tpu.memory_space<hbm>> -> memref<40x128xi32, #tpu.memory_space<hbm>>
      %dma_wait3A_99 = arith.constant 0 : i32
      %dma_wait3A_100 = arith.constant 0 : i32
      %dma_wait3A_101 = tpu.memref_slice %arg4[%add3A, %dma_wait3A_99, %dma_wait3A_100] : memref<64x40x128xi32, #tpu.memory_space<hbm>> -> memref<1x40x128xi32, #tpu.memory_space<hbm>>
      %dma_wait3A_102 = tpu.memref_squeeze %dma_wait3A_101 : memref<1x40x128xi32, #tpu.memory_space<hbm>> -> memref<40x128xi32, #tpu.memory_space<hbm>>
      tpu.wait_dma2 semaphore(%run_scoped3A : memref<!tpu.dma_semaphore, #tpu.memory_space<semaphore_mem>>) src(%dma_wait3A_102 : memref<40x128xi32, #tpu.memory_space<hbm>>) dst(%arg8 : memref<40x128xi32, #tpu.memory_space<vmem>>)
      tpu.yield
    }) : () -> ()
    %mul3A_1 = arith.constant 632 : i32
    %mul3A_2 = arith.muli %arg1, %mul3A_1 : i32
    "tpu.region"() ({
      %run_scoped3A = tpu.sem_alloc : memref<!tpu.dma_semaphore, #tpu.memory_space<semaphore_mem>>
      tpu.enqueue_dma source(%arg5 : memref<128x128xf32, #tpu.memory_space<hbm>>) target(%arg9 : memref<128x128xf32, #tpu.memory_space<vmem>>) target_semaphore(%run_scoped3A : memref<!tpu.dma_semaphore, #tpu.memory_space<semaphore_mem>>)
      tpu.wait_dma2 semaphore(%run_scoped3A : memref<!tpu.dma_semaphore, #tpu.memory_space<semaphore_mem>>) src(%arg5 : memref<128x128xf32, #tpu.memory_space<hbm>>) dst(%arg9 : memref<128x128xf32, #tpu.memory_space<vmem>>)
      tpu.yield
    }) : () -> ()
    %add3A_3 = arith.constant 0 : i32
    %add3A_4 = arith.addi %mul3A_2, %add3A_3 : i32
    "tpu.region"() ({
      %run_scoped3A = tpu.sem_alloc : memref<!tpu.dma_semaphore, #tpu.memory_space<semaphore_mem>>
      %dma_start3A_88 = arith.constant 0 : i32
      %dma_start3A_89 = tpu.memref_slice %arg11[%add3A_4, %dma_start3A_88] : memref<10112x128xf32, #tpu.memory_space<vmem_shared>> -> memref<128x128xf32, #tpu.memory_space<vmem_shared>>
      %dma_start3A_90 = arith.constant 0 : i32
      %dma_start3A_91 = tpu.memref_slice %arg11[%add3A_4, %dma_start3A_90] : memref<10112x128xf32, #tpu.memory_space<vmem_shared>> -> memref<128x128xf32, #tpu.memory_space<vmem_shared>>
      tpu.enqueue_dma source(%arg9 : memref<128x128xf32, #tpu.memory_space<vmem>>) target(%dma_start3A_91 : memref<128x128xf32, #tpu.memory_space<vmem_shared>>) target_semaphore(%run_scoped3A : memref<!tpu.dma_semaphore, #tpu.memory_space<semaphore_mem>>)
      %dma_wait3A = arith.constant 0 : i32
      %dma_wait3A_92 = tpu.memref_slice %arg11[%add3A_4, %dma_wait3A] : memref<10112x128xf32, #tpu.memory_space<vmem_shared>> -> memref<128x128xf32, #tpu.memory_space<vmem_shared>>
      %dma_wait3A_93 = arith.constant 0 : i32
      %dma_wait3A_94 = tpu.memref_slice %arg11[%add3A_4, %dma_wait3A_93] : memref<10112x128xf32, #tpu.memory_space<vmem_shared>> -> memref<128x128xf32, #tpu.memory_space<vmem_shared>>
      tpu.wait_dma2 semaphore(%run_scoped3A : memref<!tpu.dma_semaphore, #tpu.memory_space<semaphore_mem>>) src(%arg9 : memref<128x128xf32, #tpu.memory_space<vmem>>) dst(%dma_wait3A_94 : memref<128x128xf32, #tpu.memory_space<vmem_shared>>)
      tpu.yield
    }) : () -> ()
    %add3A_5 = arith.constant 128 : i32
    %add3A_6 = arith.addi %mul3A_2, %add3A_5 : i32
    "tpu.region"() ({
      %run_scoped3A = tpu.sem_alloc : memref<!tpu.dma_semaphore, #tpu.memory_space<semaphore_mem>>
      %dma_start3A_88 = arith.constant 0 : i32
      %dma_start3A_89 = tpu.memref_slice %arg11[%add3A_6, %dma_start3A_88] : memref<10112x128xf32, #tpu.memory_space<vmem_shared>> -> memref<128x128xf32, #tpu.memory_space<vmem_shared>>
      %dma_start3A_90 = arith.constant 0 : i32
      %dma_start3A_91 = tpu.memref_slice %arg11[%add3A_6, %dma_start3A_90] : memref<10112x128xf32, #tpu.memory_space<vmem_shared>> -> memref<128x128xf32, #tpu.memory_space<vmem_shared>>
      tpu.enqueue_dma source(%arg9 : memref<128x128xf32, #tpu.memory_space<vmem>>) target(%dma_start3A_91 : memref<128x128xf32, #tpu.memory_space<vmem_shared>>) target_semaphore(%run_scoped3A : memref<!tpu.dma_semaphore, #tpu.memory_space<semaphore_mem>>)
      %dma_wait3A = arith.constant 0 : i32
      %dma_wait3A_92 = tpu.memref_slice %arg11[%add3A_6, %dma_wait3A] : memref<10112x128xf32, #tpu.memory_space<vmem_shared>> -> memref<128x128xf32, #tpu.memory_space<vmem_shared>>
      %dma_wait3A_93 = arith.constant 0 : i32
      %dma_wait3A_94 = tpu.memref_slice %arg11[%add3A_6, %dma_wait3A_93] : memref<10112x128xf32, #tpu.memory_space<vmem_shared>> -> memref<128x128xf32, #tpu.memory_space<vmem_shared>>
      tpu.wait_dma2 semaphore(%run_scoped3A : memref<!tpu.dma_semaphore, #tpu.memory_space<semaphore_mem>>) src(%arg9 : memref<128x128xf32, #tpu.memory_space<vmem>>) dst(%dma_wait3A_94 : memref<128x128xf32, #tpu.memory_space<vmem_shared>>)
      tpu.yield
    }) : () -> ()
    %add3A_7 = arith.constant 256 : i32
    %add3A_8 = arith.addi %mul3A_2, %add3A_7 : i32
    "tpu.region"() ({
      %run_scoped3A = tpu.sem_alloc : memref<!tpu.dma_semaphore, #tpu.memory_space<semaphore_mem>>
      %dma_start3A_88 = arith.constant 0 : i32
      %dma_start3A_89 = tpu.memref_slice %arg11[%add3A_8, %dma_start3A_88] : memref<10112x128xf32, #tpu.memory_space<vmem_shared>> -> memref<128x128xf32, #tpu.memory_space<vmem_shared>>
      %dma_start3A_90 = arith.constant 0 : i32
      %dma_start3A_91 = tpu.memref_slice %arg11[%add3A_8, %dma_start3A_90] : memref<10112x128xf32, #tpu.memory_space<vmem_shared>> -> memref<128x128xf32, #tpu.memory_space<vmem_shared>>
      tpu.enqueue_dma source(%arg9 : memref<128x128xf32, #tpu.memory_space<vmem>>) target(%dma_start3A_91 : memref<128x128xf32, #tpu.memory_space<vmem_shared>>) target_semaphore(%run_scoped3A : memref<!tpu.dma_semaphore, #tpu.memory_space<semaphore_mem>>)
      %dma_wait3A = arith.constant 0 : i32
      %dma_wait3A_92 = tpu.memref_slice %arg11[%add3A_8, %dma_wait3A] : memref<10112x128xf32, #tpu.memory_space<vmem_shared>> -> memref<128x128xf32, #tpu.memory_space<vmem_shared>>
      %dma_wait3A_93 = arith.constant 0 : i32
      %dma_wait3A_94 = tpu.memref_slice %arg11[%add3A_8, %dma_wait3A_93] : memref<10112x128xf32, #tpu.memory_space<vmem_shared>> -> memref<128x128xf32, #tpu.memory_space<vmem_shared>>
      tpu.wait_dma2 semaphore(%run_scoped3A : memref<!tpu.dma_semaphore, #tpu.memory_space<semaphore_mem>>) src(%arg9 : memref<128x128xf32, #tpu.memory_space<vmem>>) dst(%dma_wait3A_94 : memref<128x128xf32, #tpu.memory_space<vmem_shared>>)
      tpu.yield
    }) : () -> ()
    %add3A_9 = arith.constant 384 : i32
    %add3A_10 = arith.addi %mul3A_2, %add3A_9 : i32
    "tpu.region"() ({
      %run_scoped3A = tpu.sem_alloc : memref<!tpu.dma_semaphore, #tpu.memory_space<semaphore_mem>>
      %dma_start3A_88 = arith.constant 0 : i32
      %dma_start3A_89 = tpu.memref_slice %arg11[%add3A_10, %dma_start3A_88] : memref<10112x128xf32, #tpu.memory_space<vmem_shared>> -> memref<128x128xf32, #tpu.memory_space<vmem_shared>>
      %dma_start3A_90 = arith.constant 0 : i32
      %dma_start3A_91 = tpu.memref_slice %arg11[%add3A_10, %dma_start3A_90] : memref<10112x128xf32, #tpu.memory_space<vmem_shared>> -> memref<128x128xf32, #tpu.memory_space<vmem_shared>>
      tpu.enqueue_dma source(%arg9 : memref<128x128xf32, #tpu.memory_space<vmem>>) target(%dma_start3A_91 : memref<128x128xf32, #tpu.memory_space<vmem_shared>>) target_semaphore(%run_scoped3A : memref<!tpu.dma_semaphore, #tpu.memory_space<semaphore_mem>>)
      %dma_wait3A = arith.constant 0 : i32
      %dma_wait3A_92 = tpu.memref_slice %arg11[%add3A_10, %dma_wait3A] : memref<10112x128xf32, #tpu.memory_space<vmem_shared>> -> memref<128x128xf32, #tpu.memory_space<vmem_shared>>
      %dma_wait3A_93 = arith.constant 0 : i32
      %dma_wait3A_94 = tpu.memref_slice %arg11[%add3A_10, %dma_wait3A_93] : memref<10112x128xf32, #tpu.memory_space<vmem_shared>> -> memref<128x128xf32, #tpu.memory_space<vmem_shared>>
      tpu.wait_dma2 semaphore(%run_scoped3A : memref<!tpu.dma_semaphore, #tpu.memory_space<semaphore_mem>>) src(%arg9 : memref<128x128xf32, #tpu.memory_space<vmem>>) dst(%dma_wait3A_94 : memref<128x128xf32, #tpu.memory_space<vmem_shared>>)
      tpu.yield
    }) : () -> ()
    %add3A_11 = arith.constant 512 : i32
    %add3A_12 = arith.addi %mul3A_2, %add3A_11 : i32
    "tpu.region"() ({
      %run_scoped3A = tpu.sem_alloc : memref<!tpu.dma_semaphore, #tpu.memory_space<semaphore_mem>>
      %dma_start3A_88 = arith.constant 0 : i32
      %dma_start3A_89 = arith.constant 0 : i32
      %dma_start3A_90 = tpu.memref_slice %arg9[%dma_start3A_88, %dma_start3A_89] : memref<128x128xf32, #tpu.memory_space<vmem>> -> memref<120x128xf32, #tpu.memory_space<vmem>>
      %dma_start3A_91 = arith.constant 0 : i32
      %dma_start3A_92 = tpu.memref_slice %arg11[%add3A_12, %dma_start3A_91] : memref<10112x128xf32, #tpu.memory_space<vmem_shared>> -> memref<120x128xf32, #tpu.memory_space<vmem_shared>>
      %dma_start3A_93 = arith.constant 0 : i32
      %dma_start3A_94 = tpu.memref_slice %arg11[%add3A_12, %dma_start3A_93] : memref<10112x128xf32, #tpu.memory_space<vmem_shared>> -> memref<120x128xf32, #tpu.memory_space<vmem_shared>>
      %dma_start3A_95 = arith.constant 0 : i32
      %dma_start3A_96 = arith.constant 0 : i32
      %dma_start3A_97 = tpu.memref_slice %arg9[%dma_start3A_95, %dma_start3A_96] : memref<128x128xf32, #tpu.memory_space<vmem>> -> memref<120x128xf32, #tpu.memory_space<vmem>>
      tpu.enqueue_dma source(%dma_start3A_97 : memref<120x128xf32, #tpu.memory_space<vmem>>) target(%dma_start3A_94 : memref<120x128xf32, #tpu.memory_space<vmem_shared>>) target_semaphore(%run_scoped3A : memref<!tpu.dma_semaphore, #tpu.memory_space<semaphore_mem>>)
      %dma_wait3A = arith.constant 0 : i32
      %dma_wait3A_98 = arith.constant 0 : i32
      %dma_wait3A_99 = tpu.memref_slice %arg9[%dma_wait3A, %dma_wait3A_98] : memref<128x128xf32, #tpu.memory_space<vmem>> -> memref<120x128xf32, #tpu.memory_space<vmem>>
      %dma_wait3A_100 = arith.constant 0 : i32
      %dma_wait3A_101 = tpu.memref_slice %arg11[%add3A_12, %dma_wait3A_100] : memref<10112x128xf32, #tpu.memory_space<vmem_shared>> -> memref<120x128xf32, #tpu.memory_space<vmem_shared>>
      %dma_wait3A_102 = arith.constant 0 : i32
      %dma_wait3A_103 = tpu.memref_slice %arg11[%add3A_12, %dma_wait3A_102] : memref<10112x128xf32, #tpu.memory_space<vmem_shared>> -> memref<120x128xf32, #tpu.memory_space<vmem_shared>>
      %dma_wait3A_104 = arith.constant 0 : i32
      %dma_wait3A_105 = arith.constant 0 : i32
      %dma_wait3A_106 = tpu.memref_slice %arg9[%dma_wait3A_104, %dma_wait3A_105] : memref<128x128xf32, #tpu.memory_space<vmem>> -> memref<120x128xf32, #tpu.memory_space<vmem>>
      tpu.wait_dma2 semaphore(%run_scoped3A : memref<!tpu.dma_semaphore, #tpu.memory_space<semaphore_mem>>) src(%dma_wait3A_106 : memref<120x128xf32, #tpu.memory_space<vmem>>) dst(%dma_wait3A_103 : memref<120x128xf32, #tpu.memory_space<vmem_shared>>)
      tpu.yield
    }) : () -> ()
    %barrier3A = arith.constant 0 : index
    tpu.barrier barrier_id(%barrier3A)
    %mul3A_13 = arith.constant 2 : i32
    %mul3A_14 = arith.muli %add3A, %mul3A_13 : i32
    %add3A_15 = arith.constant 0 : i32
    %add3A_16 = arith.addi %mul3A_14, %add3A_15 : i32
    "tpu.region"() ({
      %run_scoped3A = tpu.sem_alloc : memref<!tpu.dma_semaphore, #tpu.memory_space<semaphore_mem>>
      %dma_start3A_88 = arith.constant 0 : i32
      %dma_start3A_89 = arith.constant 0 : i32
      %dma_start3A_90 = tpu.memref_slice %arg3[%add3A_16, %dma_start3A_88, %dma_start3A_89] : memref<64x40x128xi32, #tpu.memory_space<hbm>> -> memref<1x40x128xi32, #tpu.memory_space<hbm>>
      %dma_start3A_91 = tpu.memref_squeeze %dma_start3A_90 : memref<1x40x128xi32, #tpu.memory_space<hbm>> -> memref<40x128xi32, #tpu.memory_space<hbm>>
      %dma_start3A_92 = arith.constant 0 : i32
      %dma_start3A_93 = arith.constant 0 : i32
      %dma_start3A_94 = tpu.memref_slice %arg3[%add3A_16, %dma_start3A_92, %dma_start3A_93] : memref<64x40x128xi32, #tpu.memory_space<hbm>> -> memref<1x40x128xi32, #tpu.memory_space<hbm>>
      %dma_start3A_95 = tpu.memref_squeeze %dma_start3A_94 : memref<1x40x128xi32, #tpu.memory_space<hbm>> -> memref<40x128xi32, #tpu.memory_space<hbm>>
      tpu.enqueue_dma source(%dma_start3A_95 : memref<40x128xi32, #tpu.memory_space<hbm>>) target(%arg7 : memref<40x128xi32, #tpu.memory_space<vmem>>) target_semaphore(%run_scoped3A : memref<!tpu.dma_semaphore, #tpu.memory_space<semaphore_mem>>)
      %dma_wait3A = arith.constant 0 : i32
      %dma_wait3A_96 = arith.constant 0 : i32
      %dma_wait3A_97 = tpu.memref_slice %arg3[%add3A_16, %dma_wait3A, %dma_wait3A_96] : memref<64x40x128xi32, #tpu.memory_space<hbm>> -> memref<1x40x128xi32, #tpu.memory_space<hbm>>
      %dma_wait3A_98 = tpu.memref_squeeze %dma_wait3A_97 : memref<1x40x128xi32, #tpu.memory_space<hbm>> -> memref<40x128xi32, #tpu.memory_space<hbm>>
      %dma_wait3A_99 = arith.constant 0 : i32
      %dma_wait3A_100 = arith.constant 0 : i32
      %dma_wait3A_101 = tpu.memref_slice %arg3[%add3A_16, %dma_wait3A_99, %dma_wait3A_100] : memref<64x40x128xi32, #tpu.memory_space<hbm>> -> memref<1x40x128xi32, #tpu.memory_space<hbm>>
      %dma_wait3A_102 = tpu.memref_squeeze %dma_wait3A_101 : memref<1x40x128xi32, #tpu.memory_space<hbm>> -> memref<40x128xi32, #tpu.memory_space<hbm>>
      tpu.wait_dma2 semaphore(%run_scoped3A : memref<!tpu.dma_semaphore, #tpu.memory_space<semaphore_mem>>) src(%dma_wait3A_102 : memref<40x128xi32, #tpu.memory_space<hbm>>) dst(%arg7 : memref<40x128xi32, #tpu.memory_space<vmem>>)
      tpu.yield
    }) : () -> ()
    %mul3A_17 = arith.constant 2 : i32
    %mul3A_18 = arith.muli %add3A, %mul3A_17 : i32
    %add3A_19 = arith.constant 0 : i32
    %add3A_20 = arith.addi %mul3A_18, %add3A_19 : i32
    "tpu.region"() ({
      %run_scoped3A = tpu.sem_alloc : memref<!tpu.dma_semaphore, #tpu.memory_space<semaphore_mem>>
      %dma_start3A_88 = arith.constant 0 : i32
      %dma_start3A_89 = arith.constant 0 : i32
      %dma_start3A_90 = tpu.memref_slice %arg4[%add3A_20, %dma_start3A_88, %dma_start3A_89] : memref<64x40x128xi32, #tpu.memory_space<hbm>> -> memref<1x40x128xi32, #tpu.memory_space<hbm>>
      %dma_start3A_91 = tpu.memref_squeeze %dma_start3A_90 : memref<1x40x128xi32, #tpu.memory_space<hbm>> -> memref<40x128xi32, #tpu.memory_space<hbm>>
      %dma_start3A_92 = arith.constant 0 : i32
      %dma_start3A_93 = arith.constant 0 : i32
      %dma_start3A_94 = tpu.memref_slice %arg4[%add3A_20, %dma_start3A_92, %dma_start3A_93] : memref<64x40x128xi32, #tpu.memory_space<hbm>> -> memref<1x40x128xi32, #tpu.memory_space<hbm>>
      %dma_start3A_95 = tpu.memref_squeeze %dma_start3A_94 : memref<1x40x128xi32, #tpu.memory_space<hbm>> -> memref<40x128xi32, #tpu.memory_space<hbm>>
      tpu.enqueue_dma source(%dma_start3A_95 : memref<40x128xi32, #tpu.memory_space<hbm>>) target(%arg8 : memref<40x128xi32, #tpu.memory_space<vmem>>) target_semaphore(%run_scoped3A : memref<!tpu.dma_semaphore, #tpu.memory_space<semaphore_mem>>)
      %dma_wait3A = arith.constant 0 : i32
      %dma_wait3A_96 = arith.constant 0 : i32
      %dma_wait3A_97 = tpu.memref_slice %arg4[%add3A_20, %dma_wait3A, %dma_wait3A_96] : memref<64x40x128xi32, #tpu.memory_space<hbm>> -> memref<1x40x128xi32, #tpu.memory_space<hbm>>
      %dma_wait3A_98 = tpu.memref_squeeze %dma_wait3A_97 : memref<1x40x128xi32, #tpu.memory_space<hbm>> -> memref<40x128xi32, #tpu.memory_space<hbm>>
      %dma_wait3A_99 = arith.constant 0 : i32
      %dma_wait3A_100 = arith.constant 0 : i32
      %dma_wait3A_101 = tpu.memref_slice %arg4[%add3A_20, %dma_wait3A_99, %dma_wait3A_100] : memref<64x40x128xi32, #tpu.memory_space<hbm>> -> memref<1x40x128xi32, #tpu.memory_space<hbm>>
      %dma_wait3A_102 = tpu.memref_squeeze %dma_wait3A_101 : memref<1x40x128xi32, #tpu.memory_space<hbm>> -> memref<40x128xi32, #tpu.memory_space<hbm>>
      tpu.wait_dma2 semaphore(%run_scoped3A : memref<!tpu.dma_semaphore, #tpu.memory_space<semaphore_mem>>) src(%dma_wait3A_102 : memref<40x128xi32, #tpu.memory_space<hbm>>) dst(%arg8 : memref<40x128xi32, #tpu.memory_space<vmem>>)
      tpu.yield
    }) : () -> ()
    %dma_start3A = arith.constant 0 : i32
    %dma_start3A_21 = arith.constant 0 : i32
    %dma_start3A_22 = tpu.memref_slice %arg7[%dma_start3A, %dma_start3A_21] : memref<40x128xi32, #tpu.memory_space<vmem>> -> memref<1x128xi32, #tpu.memory_space<vmem>>
    %dma_start3A_23 = tpu.memref_squeeze %dma_start3A_22 : memref<1x128xi32, #tpu.memory_space<vmem>> -> memref<128xi32, #tpu.memory_space<vmem>>
    %dma_start3A_24 = arith.constant 0 : i32
    %dma_start3A_25 = arith.constant 0 : i32
    %dma_start3A_26 = tpu.memref_slice %arg2[%dma_start3A_24, %dma_start3A_25] : memref<10000x128xf32, #tpu.memory_space<hbm>> -> memref<10000x128xf32, #tpu.memory_space<hbm>>
    tpu.enqueue_indirect_dma source(%dma_start3A_26 : memref<10000x128xf32, #tpu.memory_space<hbm>>) target(%arg9 : memref<128x128xf32, #tpu.memory_space<vmem>>) offsets(%dma_start3A_23 : memref<128xi32, #tpu.memory_space<vmem>>) semaphore(%arg12 : memref<!tpu.dma_semaphore, #tpu.memory_space<semaphore_mem>>)
    %dma_start3A_27 = arith.constant 1 : i32
    %dma_start3A_28 = arith.constant 0 : i32
    %dma_start3A_29 = tpu.memref_slice %arg7[%dma_start3A_27, %dma_start3A_28] : memref<40x128xi32, #tpu.memory_space<vmem>> -> memref<1x128xi32, #tpu.memory_space<vmem>>
    %dma_start3A_30 = tpu.memref_squeeze %dma_start3A_29 : memref<1x128xi32, #tpu.memory_space<vmem>> -> memref<128xi32, #tpu.memory_space<vmem>>
    %dma_start3A_31 = arith.constant 0 : i32
    %dma_start3A_32 = arith.constant 0 : i32
    %dma_start3A_33 = tpu.memref_slice %arg2[%dma_start3A_31, %dma_start3A_32] : memref<10000x128xf32, #tpu.memory_space<hbm>> -> memref<10000x128xf32, #tpu.memory_space<hbm>>
    tpu.enqueue_indirect_dma source(%dma_start3A_33 : memref<10000x128xf32, #tpu.memory_space<hbm>>) target(%arg10 : memref<128x128xf32, #tpu.memory_space<vmem>>) offsets(%dma_start3A_30 : memref<128xi32, #tpu.memory_space<vmem>>) semaphore(%arg13 : memref<!tpu.dma_semaphore, #tpu.memory_space<semaphore_mem>>)
    %scan3A = arith.constant 0 : i32
    %scan3A_34 = arith.constant 0 : i32
    %scan3A_35 = arith.constant 20 : i32
    %scan3A_36 = arith.addi %scan3A_34, %scan3A_35 : i32
    %scan3A_37 = arith.constant 1 : i32
    scf.for %scan3A_88 = %scan3A_34 to %scan3A_36 step %scan3A_37  : i32 {
      %mul3A_89 = arith.constant 2 : i32
      %mul3A_90 = arith.muli %mul3A_89, %scan3A_88 : i32
      %add3A_91 = arith.constant 1 : i32
      %add3A_92 = arith.addi %mul3A_90, %add3A_91 : i32
      tpu.wait_dma2 semaphore(%arg12 : memref<!tpu.dma_semaphore, #tpu.memory_space<semaphore_mem>>) src(%arg5 : memref<128x128xf32, #tpu.memory_space<hbm>>) dst(%arg9 : memref<128x128xf32, #tpu.memory_space<vmem>>)
      %dma_start3A_93 = arith.constant 0 : i32
      %dma_start3A_94 = tpu.memref_slice %arg8[%mul3A_90, %dma_start3A_93] : memref<40x128xi32, #tpu.memory_space<vmem>> -> memref<1x128xi32, #tpu.memory_space<vmem>>
      %dma_start3A_95 = tpu.memref_squeeze %dma_start3A_94 : memref<1x128xi32, #tpu.memory_space<vmem>> -> memref<128xi32, #tpu.memory_space<vmem>>
      %dma_start3A_96 = arith.constant 0 : i32
      %dma_start3A_97 = arith.constant 0 : i32
      %dma_start3A_98 = tpu.memref_slice %arg11[%dma_start3A_96, %dma_start3A_97] : memref<10112x128xf32, #tpu.memory_space<vmem_shared>> -> memref<10112x128xf32, #tpu.memory_space<vmem_shared>>
      tpu.enqueue_indirect_dma source(%arg9 : memref<128x128xf32, #tpu.memory_space<vmem>>) target(%dma_start3A_98 : memref<10112x128xf32, #tpu.memory_space<vmem_shared>>) offsets(%dma_start3A_95 : memref<128xi32, #tpu.memory_space<vmem>>) semaphore(%arg14 : memref<!tpu.dma_semaphore, #tpu.memory_space<semaphore_mem>>) {add = true}
      tpu.wait_dma2 semaphore(%arg13 : memref<!tpu.dma_semaphore, #tpu.memory_space<semaphore_mem>>) src(%arg5 : memref<128x128xf32, #tpu.memory_space<hbm>>) dst(%arg10 : memref<128x128xf32, #tpu.memory_space<vmem>>)
      %dma_start3A_99 = arith.constant 0 : i32
      %dma_start3A_100 = tpu.memref_slice %arg8[%add3A_92, %dma_start3A_99] : memref<40x128xi32, #tpu.memory_space<vmem>> -> memref<1x128xi32, #tpu.memory_space<vmem>>
      %dma_start3A_101 = tpu.memref_squeeze %dma_start3A_100 : memref<1x128xi32, #tpu.memory_space<vmem>> -> memref<128xi32, #tpu.memory_space<vmem>>
      %dma_start3A_102 = arith.constant 0 : i32
      %dma_start3A_103 = arith.constant 0 : i32
      %dma_start3A_104 = tpu.memref_slice %arg11[%dma_start3A_102, %dma_start3A_103] : memref<10112x128xf32, #tpu.memory_space<vmem_shared>> -> memref<10112x128xf32, #tpu.memory_space<vmem_shared>>
      tpu.enqueue_indirect_dma source(%arg10 : memref<128x128xf32, #tpu.memory_space<vmem>>) target(%dma_start3A_104 : memref<10112x128xf32, #tpu.memory_space<vmem_shared>>) offsets(%dma_start3A_101 : memref<128xi32, #tpu.memory_space<vmem>>) semaphore(%arg15 : memref<!tpu.dma_semaphore, #tpu.memory_space<semaphore_mem>>) {add = true}
      tpu.wait_dma2 semaphore(%arg14 : memref<!tpu.dma_semaphore, #tpu.memory_space<semaphore_mem>>) src(%arg5 : memref<128x128xf32, #tpu.memory_space<hbm>>) dst(%arg9 : memref<128x128xf32, #tpu.memory_space<vmem>>)
      %add3A_105 = arith.constant 2 : i32
      %add3A_106 = arith.addi %mul3A_90, %add3A_105 : i32
      %min3A = arith.constant 38 : i32
      %min3A_107 = arith.minsi %add3A_106, %min3A : i32
      %dma_start3A_108 = arith.constant 0 : i32
      %dma_start3A_109 = tpu.memref_slice %arg7[%min3A_107, %dma_start3A_108] : memref<40x128xi32, #tpu.memory_space<vmem>> -> memref<1x128xi32, #tpu.memory_space<vmem>>
      %dma_start3A_110 = tpu.memref_squeeze %dma_start3A_109 : memref<1x128xi32, #tpu.memory_space<vmem>> -> memref<128xi32, #tpu.memory_space<vmem>>
      %dma_start3A_111 = arith.constant 0 : i32
      %dma_start3A_112 = arith.constant 0 : i32
      %dma_start3A_113 = tpu.memref_slice %arg2[%dma_start3A_111, %dma_start3A_112] : memref<10000x128xf32, #tpu.memory_space<hbm>> -> memref<10000x128xf32, #tpu.memory_space<hbm>>
      tpu.enqueue_indirect_dma source(%dma_start3A_113 : memref<10000x128xf32, #tpu.memory_space<hbm>>) target(%arg9 : memref<128x128xf32, #tpu.memory_space<vmem>>) offsets(%dma_start3A_110 : memref<128xi32, #tpu.memory_space<vmem>>) semaphore(%arg12 : memref<!tpu.dma_semaphore, #tpu.memory_space<semaphore_mem>>)
      tpu.wait_dma2 semaphore(%arg15 : memref<!tpu.dma_semaphore, #tpu.memory_space<semaphore_mem>>) src(%arg5 : memref<128x128xf32, #tpu.memory_space<hbm>>) dst(%arg10 : memref<128x128xf32, #tpu.memory_space<vmem>>)
      %add3A_114 = arith.constant 2 : i32
      %add3A_115 = arith.addi %add3A_92, %add3A_114 : i32
      %min3A_116 = arith.constant 39 : i32
      %min3A_117 = arith.minsi %add3A_115, %min3A_116 : i32
      %dma_start3A_118 = arith.constant 0 : i32
      %dma_start3A_119 = tpu.memref_slice %arg7[%min3A_117, %dma_start3A_118] : memref<40x128xi32, #tpu.memory_space<vmem>> -> memref<1x128xi32, #tpu.memory_space<vmem>>
      %dma_start3A_120 = tpu.memref_squeeze %dma_start3A_119 : memref<1x128xi32, #tpu.memory_space<vmem>> -> memref<128xi32, #tpu.memory_space<vmem>>
      %dma_start3A_121 = arith.constant 0 : i32
      %dma_start3A_122 = arith.constant 0 : i32
      %dma_start3A_123 = tpu.memref_slice %arg2[%dma_start3A_121, %dma_start3A_122] : memref<10000x128xf32, #tpu.memory_space<hbm>> -> memref<10000x128xf32, #tpu.memory_space<hbm>>
      tpu.enqueue_indirect_dma source(%dma_start3A_123 : memref<10000x128xf32, #tpu.memory_space<hbm>>) target(%arg10 : memref<128x128xf32, #tpu.memory_space<vmem>>) offsets(%dma_start3A_120 : memref<128xi32, #tpu.memory_space<vmem>>) semaphore(%arg13 : memref<!tpu.dma_semaphore, #tpu.memory_space<semaphore_mem>>)
    }
    %scan3A_38 = arith.constant 20 : i32
    tpu.wait_dma2 semaphore(%arg12 : memref<!tpu.dma_semaphore, #tpu.memory_space<semaphore_mem>>) src(%arg5 : memref<128x128xf32, #tpu.memory_space<hbm>>) dst(%arg9 : memref<128x128xf32, #tpu.memory_space<vmem>>)
    tpu.wait_dma2 semaphore(%arg13 : memref<!tpu.dma_semaphore, #tpu.memory_space<semaphore_mem>>) src(%arg5 : memref<128x128xf32, #tpu.memory_space<hbm>>) dst(%arg10 : memref<128x128xf32, #tpu.memory_space<vmem>>)
    %mul3A_39 = arith.constant 2 : i32
    %mul3A_40 = arith.muli %add3A, %mul3A_39 : i32
    %add3A_41 = arith.constant 1 : i32
    %add3A_42 = arith.addi %mul3A_40, %add3A_41 : i32
    "tpu.region"() ({
      %run_scoped3A = tpu.sem_alloc : memref<!tpu.dma_semaphore, #tpu.memory_space<semaphore_mem>>
      %dma_start3A_88 = arith.constant 0 : i32
      %dma_start3A_89 = arith.constant 0 : i32
      %dma_start3A_90 = tpu.memref_slice %arg3[%add3A_42, %dma_start3A_88, %dma_start3A_89] : memref<64x40x128xi32, #tpu.memory_space<hbm>> -> memref<1x40x128xi32, #tpu.memory_space<hbm>>
      %dma_start3A_91 = tpu.memref_squeeze %dma_start3A_90 : memref<1x40x128xi32, #tpu.memory_space<hbm>> -> memref<40x128xi32, #tpu.memory_space<hbm>>
      %dma_start3A_92 = arith.constant 0 : i32
      %dma_start3A_93 = arith.constant 0 : i32
      %dma_start3A_94 = tpu.memref_slice %arg3[%add3A_42, %dma_start3A_92, %dma_start3A_93] : memref<64x40x128xi32, #tpu.memory_space<hbm>> -> memref<1x40x128xi32, #tpu.memory_space<hbm>>
      %dma_start3A_95 = tpu.memref_squeeze %dma_start3A_94 : memref<1x40x128xi32, #tpu.memory_space<hbm>> -> memref<40x128xi32, #tpu.memory_space<hbm>>
      tpu.enqueue_dma source(%dma_start3A_95 : memref<40x128xi32, #tpu.memory_space<hbm>>) target(%arg7 : memref<40x128xi32, #tpu.memory_space<vmem>>) target_semaphore(%run_scoped3A : memref<!tpu.dma_semaphore, #tpu.memory_space<semaphore_mem>>)
      %dma_wait3A = arith.constant 0 : i32
      %dma_wait3A_96 = arith.constant 0 : i32
      %dma_wait3A_97 = tpu.memref_slice %arg3[%add3A_42, %dma_wait3A, %dma_wait3A_96] : memref<64x40x128xi32, #tpu.memory_space<hbm>> -> memref<1x40x128xi32, #tpu.memory_space<hbm>>
      %dma_wait3A_98 = tpu.memref_squeeze %dma_wait3A_97 : memref<1x40x128xi32, #tpu.memory_space<hbm>> -> memref<40x128xi32, #tpu.memory_space<hbm>>
      %dma_wait3A_99 = arith.constant 0 : i32
      %dma_wait3A_100 = arith.constant 0 : i32
      %dma_wait3A_101 = tpu.memref_slice %arg3[%add3A_42, %dma_wait3A_99, %dma_wait3A_100] : memref<64x40x128xi32, #tpu.memory_space<hbm>> -> memref<1x40x128xi32, #tpu.memory_space<hbm>>
      %dma_wait3A_102 = tpu.memref_squeeze %dma_wait3A_101 : memref<1x40x128xi32, #tpu.memory_space<hbm>> -> memref<40x128xi32, #tpu.memory_space<hbm>>
      tpu.wait_dma2 semaphore(%run_scoped3A : memref<!tpu.dma_semaphore, #tpu.memory_space<semaphore_mem>>) src(%dma_wait3A_102 : memref<40x128xi32, #tpu.memory_space<hbm>>) dst(%arg7 : memref<40x128xi32, #tpu.memory_space<vmem>>)
      tpu.yield
    }) : () -> ()
    %mul3A_43 = arith.constant 2 : i32
    %mul3A_44 = arith.muli %add3A, %mul3A_43 : i32
    %add3A_45 = arith.constant 1 : i32
    %add3A_46 = arith.addi %mul3A_44, %add3A_45 : i32
    "tpu.region"() ({
      %run_scoped3A = tpu.sem_alloc : memref<!tpu.dma_semaphore, #tpu.memory_space<semaphore_mem>>
      %dma_start3A_88 = arith.constant 0 : i32
      %dma_start3A_89 = arith.constant 0 : i32
      %dma_start3A_90 = tpu.memref_slice %arg4[%add3A_46, %dma_start3A_88, %dma_start3A_89] : memref<64x40x128xi32, #tpu.memory_space<hbm>> -> memref<1x40x128xi32, #tpu.memory_space<hbm>>
      %dma_start3A_91 = tpu.memref_squeeze %dma_start3A_90 : memref<1x40x128xi32, #tpu.memory_space<hbm>> -> memref<40x128xi32, #tpu.memory_space<hbm>>
      %dma_start3A_92 = arith.constant 0 : i32
      %dma_start3A_93 = arith.constant 0 : i32
      %dma_start3A_94 = tpu.memref_slice %arg4[%add3A_46, %dma_start3A_92, %dma_start3A_93] : memref<64x40x128xi32, #tpu.memory_space<hbm>> -> memref<1x40x128xi32, #tpu.memory_space<hbm>>
      %dma_start3A_95 = tpu.memref_squeeze %dma_start3A_94 : memref<1x40x128xi32, #tpu.memory_space<hbm>> -> memref<40x128xi32, #tpu.memory_space<hbm>>
      tpu.enqueue_dma source(%dma_start3A_95 : memref<40x128xi32, #tpu.memory_space<hbm>>) target(%arg8 : memref<40x128xi32, #tpu.memory_space<vmem>>) target_semaphore(%run_scoped3A : memref<!tpu.dma_semaphore, #tpu.memory_space<semaphore_mem>>)
      %dma_wait3A = arith.constant 0 : i32
      %dma_wait3A_96 = arith.constant 0 : i32
      %dma_wait3A_97 = tpu.memref_slice %arg4[%add3A_46, %dma_wait3A, %dma_wait3A_96] : memref<64x40x128xi32, #tpu.memory_space<hbm>> -> memref<1x40x128xi32, #tpu.memory_space<hbm>>
      %dma_wait3A_98 = tpu.memref_squeeze %dma_wait3A_97 : memref<1x40x128xi32, #tpu.memory_space<hbm>> -> memref<40x128xi32, #tpu.memory_space<hbm>>
      %dma_wait3A_99 = arith.constant 0 : i32
      %dma_wait3A_100 = arith.constant 0 : i32
      %dma_wait3A_101 = tpu.memref_slice %arg4[%add3A_46, %dma_wait3A_99, %dma_wait3A_100] : memref<64x40x128xi32, #tpu.memory_space<hbm>> -> memref<1x40x128xi32, #tpu.memory_space<hbm>>
      %dma_wait3A_102 = tpu.memref_squeeze %dma_wait3A_101 : memref<1x40x128xi32, #tpu.memory_space<hbm>> -> memref<40x128xi32, #tpu.memory_space<hbm>>
      tpu.wait_dma2 semaphore(%run_scoped3A : memref<!tpu.dma_semaphore, #tpu.memory_space<semaphore_mem>>) src(%dma_wait3A_102 : memref<40x128xi32, #tpu.memory_space<hbm>>) dst(%arg8 : memref<40x128xi32, #tpu.memory_space<vmem>>)
      tpu.yield
    }) : () -> ()
    %dma_start3A_47 = arith.constant 0 : i32
    %dma_start3A_48 = arith.constant 0 : i32
    %dma_start3A_49 = tpu.memref_slice %arg7[%dma_start3A_47, %dma_start3A_48] : memref<40x128xi32, #tpu.memory_space<vmem>> -> memref<1x128xi32, #tpu.memory_space<vmem>>
    %dma_start3A_50 = tpu.memref_squeeze %dma_start3A_49 : memref<1x128xi32, #tpu.memory_space<vmem>> -> memref<128xi32, #tpu.memory_space<vmem>>
    %dma_start3A_51 = arith.constant 0 : i32
    %dma_start3A_52 = arith.constant 0 : i32
    %dma_start3A_53 = tpu.memref_slice %arg2[%dma_start3A_51, %dma_start3A_52] : memref<10000x128xf32, #tpu.memory_space<hbm>> -> memref<10000x128xf32, #tpu.memory_space<hbm>>
    tpu.enqueue_indirect_dma source(%dma_start3A_53 : memref<10000x128xf32, #tpu.memory_space<hbm>>) target(%arg9 : memref<128x128xf32, #tpu.memory_space<vmem>>) offsets(%dma_start3A_50 : memref<128xi32, #tpu.memory_space<vmem>>) semaphore(%arg12 : memref<!tpu.dma_semaphore, #tpu.memory_space<semaphore_mem>>)
    %dma_start3A_54 = arith.constant 1 : i32
    %dma_start3A_55 = arith.constant 0 : i32
    %dma_start3A_56 = tpu.memref_slice %arg7[%dma_start3A_54, %dma_start3A_55] : memref<40x128xi32, #tpu.memory_space<vmem>> -> memref<1x128xi32, #tpu.memory_space<vmem>>
    %dma_start3A_57 = tpu.memref_squeeze %dma_start3A_56 : memref<1x128xi32, #tpu.memory_space<vmem>> -> memref<128xi32, #tpu.memory_space<vmem>>
    %dma_start3A_58 = arith.constant 0 : i32
    %dma_start3A_59 = arith.constant 0 : i32
    %dma_start3A_60 = tpu.memref_slice %arg2[%dma_start3A_58, %dma_start3A_59] : memref<10000x128xf32, #tpu.memory_space<hbm>> -> memref<10000x128xf32, #tpu.memory_space<hbm>>
    tpu.enqueue_indirect_dma source(%dma_start3A_60 : memref<10000x128xf32, #tpu.memory_space<hbm>>) target(%arg10 : memref<128x128xf32, #tpu.memory_space<vmem>>) offsets(%dma_start3A_57 : memref<128xi32, #tpu.memory_space<vmem>>) semaphore(%arg13 : memref<!tpu.dma_semaphore, #tpu.memory_space<semaphore_mem>>)
    %scan3A_61 = arith.constant 0 : i32
    %scan3A_62 = arith.constant 0 : i32
    %scan3A_63 = arith.constant 20 : i32
    %scan3A_64 = arith.addi %scan3A_62, %scan3A_63 : i32
    %scan3A_65 = arith.constant 1 : i32
    scf.for %scan3A_88 = %scan3A_62 to %scan3A_64 step %scan3A_65  : i32 {
      %mul3A_89 = arith.constant 2 : i32
      %mul3A_90 = arith.muli %mul3A_89, %scan3A_88 : i32
      %add3A_91 = arith.constant 1 : i32
      %add3A_92 = arith.addi %mul3A_90, %add3A_91 : i32
      tpu.wait_dma2 semaphore(%arg12 : memref<!tpu.dma_semaphore, #tpu.memory_space<semaphore_mem>>) src(%arg5 : memref<128x128xf32, #tpu.memory_space<hbm>>) dst(%arg9 : memref<128x128xf32, #tpu.memory_space<vmem>>)
      %dma_start3A_93 = arith.constant 0 : i32
      %dma_start3A_94 = tpu.memref_slice %arg8[%mul3A_90, %dma_start3A_93] : memref<40x128xi32, #tpu.memory_space<vmem>> -> memref<1x128xi32, #tpu.memory_space<vmem>>
      %dma_start3A_95 = tpu.memref_squeeze %dma_start3A_94 : memref<1x128xi32, #tpu.memory_space<vmem>> -> memref<128xi32, #tpu.memory_space<vmem>>
      %dma_start3A_96 = arith.constant 0 : i32
      %dma_start3A_97 = arith.constant 0 : i32
      %dma_start3A_98 = tpu.memref_slice %arg11[%dma_start3A_96, %dma_start3A_97] : memref<10112x128xf32, #tpu.memory_space<vmem_shared>> -> memref<10112x128xf32, #tpu.memory_space<vmem_shared>>
      tpu.enqueue_indirect_dma source(%arg9 : memref<128x128xf32, #tpu.memory_space<vmem>>) target(%dma_start3A_98 : memref<10112x128xf32, #tpu.memory_space<vmem_shared>>) offsets(%dma_start3A_95 : memref<128xi32, #tpu.memory_space<vmem>>) semaphore(%arg14 : memref<!tpu.dma_semaphore, #tpu.memory_space<semaphore_mem>>) {add = true}
      tpu.wait_dma2 semaphore(%arg13 : memref<!tpu.dma_semaphore, #tpu.memory_space<semaphore_mem>>) src(%arg5 : memref<128x128xf32, #tpu.memory_space<hbm>>) dst(%arg10 : memref<128x128xf32, #tpu.memory_space<vmem>>)
      %dma_start3A_99 = arith.constant 0 : i32
      %dma_start3A_100 = tpu.memref_slice %arg8[%add3A_92, %dma_start3A_99] : memref<40x128xi32, #tpu.memory_space<vmem>> -> memref<1x128xi32, #tpu.memory_space<vmem>>
      %dma_start3A_101 = tpu.memref_squeeze %dma_start3A_100 : memref<1x128xi32, #tpu.memory_space<vmem>> -> memref<128xi32, #tpu.memory_space<vmem>>
      %dma_start3A_102 = arith.constant 0 : i32
      %dma_start3A_103 = arith.constant 0 : i32
      %dma_start3A_104 = tpu.memref_slice %arg11[%dma_start3A_102, %dma_start3A_103] : memref<10112x128xf32, #tpu.memory_space<vmem_shared>> -> memref<10112x128xf32, #tpu.memory_space<vmem_shared>>
      tpu.enqueue_indirect_dma source(%arg10 : memref<128x128xf32, #tpu.memory_space<vmem>>) target(%dma_start3A_104 : memref<10112x128xf32, #tpu.memory_space<vmem_shared>>) offsets(%dma_start3A_101 : memref<128xi32, #tpu.memory_space<vmem>>) semaphore(%arg15 : memref<!tpu.dma_semaphore, #tpu.memory_space<semaphore_mem>>) {add = true}
      tpu.wait_dma2 semaphore(%arg14 : memref<!tpu.dma_semaphore, #tpu.memory_space<semaphore_mem>>) src(%arg5 : memref<128x128xf32, #tpu.memory_space<hbm>>) dst(%arg9 : memref<128x128xf32, #tpu.memory_space<vmem>>)
      %add3A_105 = arith.constant 2 : i32
      %add3A_106 = arith.addi %mul3A_90, %add3A_105 : i32
      %min3A = arith.constant 38 : i32
      %min3A_107 = arith.minsi %add3A_106, %min3A : i32
      %dma_start3A_108 = arith.constant 0 : i32
      %dma_start3A_109 = tpu.memref_slice %arg7[%min3A_107, %dma_start3A_108] : memref<40x128xi32, #tpu.memory_space<vmem>> -> memref<1x128xi32, #tpu.memory_space<vmem>>
      %dma_start3A_110 = tpu.memref_squeeze %dma_start3A_109 : memref<1x128xi32, #tpu.memory_space<vmem>> -> memref<128xi32, #tpu.memory_space<vmem>>
      %dma_start3A_111 = arith.constant 0 : i32
      %dma_start3A_112 = arith.constant 0 : i32
      %dma_start3A_113 = tpu.memref_slice %arg2[%dma_start3A_111, %dma_start3A_112] : memref<10000x128xf32, #tpu.memory_space<hbm>> -> memref<10000x128xf32, #tpu.memory_space<hbm>>
      tpu.enqueue_indirect_dma source(%dma_start3A_113 : memref<10000x128xf32, #tpu.memory_space<hbm>>) target(%arg9 : memref<128x128xf32, #tpu.memory_space<vmem>>) offsets(%dma_start3A_110 : memref<128xi32, #tpu.memory_space<vmem>>) semaphore(%arg12 : memref<!tpu.dma_semaphore, #tpu.memory_space<semaphore_mem>>)
      tpu.wait_dma2 semaphore(%arg15 : memref<!tpu.dma_semaphore, #tpu.memory_space<semaphore_mem>>) src(%arg5 : memref<128x128xf32, #tpu.memory_space<hbm>>) dst(%arg10 : memref<128x128xf32, #tpu.memory_space<vmem>>)
      %add3A_114 = arith.constant 2 : i32
      %add3A_115 = arith.addi %add3A_92, %add3A_114 : i32
      %min3A_116 = arith.constant 39 : i32
      %min3A_117 = arith.minsi %add3A_115, %min3A_116 : i32
      %dma_start3A_118 = arith.constant 0 : i32
      %dma_start3A_119 = tpu.memref_slice %arg7[%min3A_117, %dma_start3A_118] : memref<40x128xi32, #tpu.memory_space<vmem>> -> memref<1x128xi32, #tpu.memory_space<vmem>>
      %dma_start3A_120 = tpu.memref_squeeze %dma_start3A_119 : memref<1x128xi32, #tpu.memory_space<vmem>> -> memref<128xi32, #tpu.memory_space<vmem>>
      %dma_start3A_121 = arith.constant 0 : i32
      %dma_start3A_122 = arith.constant 0 : i32
      %dma_start3A_123 = tpu.memref_slice %arg2[%dma_start3A_121, %dma_start3A_122] : memref<10000x128xf32, #tpu.memory_space<hbm>> -> memref<10000x128xf32, #tpu.memory_space<hbm>>
      tpu.enqueue_indirect_dma source(%dma_start3A_123 : memref<10000x128xf32, #tpu.memory_space<hbm>>) target(%arg10 : memref<128x128xf32, #tpu.memory_space<vmem>>) offsets(%dma_start3A_120 : memref<128xi32, #tpu.memory_space<vmem>>) semaphore(%arg13 : memref<!tpu.dma_semaphore, #tpu.memory_space<semaphore_mem>>)
    }
    %scan3A_66 = arith.constant 20 : i32
    tpu.wait_dma2 semaphore(%arg12 : memref<!tpu.dma_semaphore, #tpu.memory_space<semaphore_mem>>) src(%arg5 : memref<128x128xf32, #tpu.memory_space<hbm>>) dst(%arg9 : memref<128x128xf32, #tpu.memory_space<vmem>>)
    tpu.wait_dma2 semaphore(%arg13 : memref<!tpu.dma_semaphore, #tpu.memory_space<semaphore_mem>>) src(%arg5 : memref<128x128xf32, #tpu.memory_space<hbm>>) dst(%arg10 : memref<128x128xf32, #tpu.memory_space<vmem>>)
    %barrier3A_67 = arith.constant 0 : index
    tpu.barrier barrier_id(%barrier3A_67)
    %add3A_68 = arith.constant 0 : i32
    %add3A_69 = arith.addi %mul3A_2, %add3A_68 : i32
    "tpu.region"() ({
      %run_scoped3A = tpu.sem_alloc : memref<!tpu.dma_semaphore, #tpu.memory_space<semaphore_mem>>
      %dma_start3A_88 = arith.constant 0 : i32
      %dma_start3A_89 = tpu.memref_slice %arg11[%add3A_69, %dma_start3A_88] : memref<10112x128xf32, #tpu.memory_space<vmem_shared>> -> memref<128x128xf32, #tpu.memory_space<vmem_shared>>
      %dma_start3A_90 = arith.constant 0 : i32
      %dma_start3A_91 = tpu.memref_slice %arg11[%add3A_69, %dma_start3A_90] : memref<10112x128xf32, #tpu.memory_space<vmem_shared>> -> memref<128x128xf32, #tpu.memory_space<vmem_shared>>
      tpu.enqueue_dma source(%dma_start3A_91 : memref<128x128xf32, #tpu.memory_space<vmem_shared>>) target(%arg9 : memref<128x128xf32, #tpu.memory_space<vmem>>) target_semaphore(%run_scoped3A : memref<!tpu.dma_semaphore, #tpu.memory_space<semaphore_mem>>)
      %dma_wait3A = arith.constant 0 : i32
      %dma_wait3A_92 = tpu.memref_slice %arg11[%add3A_69, %dma_wait3A] : memref<10112x128xf32, #tpu.memory_space<vmem_shared>> -> memref<128x128xf32, #tpu.memory_space<vmem_shared>>
      %dma_wait3A_93 = arith.constant 0 : i32
      %dma_wait3A_94 = tpu.memref_slice %arg11[%add3A_69, %dma_wait3A_93] : memref<10112x128xf32, #tpu.memory_space<vmem_shared>> -> memref<128x128xf32, #tpu.memory_space<vmem_shared>>
      tpu.wait_dma2 semaphore(%run_scoped3A : memref<!tpu.dma_semaphore, #tpu.memory_space<semaphore_mem>>) src(%dma_wait3A_94 : memref<128x128xf32, #tpu.memory_space<vmem_shared>>) dst(%arg9 : memref<128x128xf32, #tpu.memory_space<vmem>>)
      tpu.yield
    }) : () -> ()
    %add3A_70 = arith.constant 0 : i32
    %add3A_71 = arith.addi %mul3A_2, %add3A_70 : i32
    "tpu.region"() ({
      %run_scoped3A = tpu.sem_alloc : memref<!tpu.dma_semaphore, #tpu.memory_space<semaphore_mem>>
      %dma_start3A_88 = arith.constant 0 : i32
      %dma_start3A_89 = tpu.memref_slice %arg6[%arg0, %add3A_71, %dma_start3A_88] : memref<2x10112x128xf32, #tpu.memory_space<hbm>> -> memref<1x128x128xf32, #tpu.memory_space<hbm>>
      %dma_start3A_90 = tpu.memref_squeeze %dma_start3A_89 : memref<1x128x128xf32, #tpu.memory_space<hbm>> -> memref<128x128xf32, #tpu.memory_space<hbm>>
      %dma_start3A_91 = arith.constant 0 : i32
      %dma_start3A_92 = tpu.memref_slice %arg6[%arg0, %add3A_71, %dma_start3A_91] : memref<2x10112x128xf32, #tpu.memory_space<hbm>> -> memref<1x128x128xf32, #tpu.memory_space<hbm>>
      %dma_start3A_93 = tpu.memref_squeeze %dma_start3A_92 : memref<1x128x128xf32, #tpu.memory_space<hbm>> -> memref<128x128xf32, #tpu.memory_space<hbm>>
      tpu.enqueue_dma source(%arg9 : memref<128x128xf32, #tpu.memory_space<vmem>>) target(%dma_start3A_93 : memref<128x128xf32, #tpu.memory_space<hbm>>) target_semaphore(%run_scoped3A : memref<!tpu.dma_semaphore, #tpu.memory_space<semaphore_mem>>)
      %dma_wait3A = arith.constant 0 : i32
      %dma_wait3A_94 = tpu.memref_slice %arg6[%arg0, %add3A_71, %dma_wait3A] : memref<2x10112x128xf32, #tpu.memory_space<hbm>> -> memref<1x128x128xf32, #tpu.memory_space<hbm>>
      %dma_wait3A_95 = tpu.memref_squeeze %dma_wait3A_94 : memref<1x128x128xf32, #tpu.memory_space<hbm>> -> memref<128x128xf32, #tpu.memory_space<hbm>>
      %dma_wait3A_96 = arith.constant 0 : i32
      %dma_wait3A_97 = tpu.memref_slice %arg6[%arg0, %add3A_71, %dma_wait3A_96] : memref<2x10112x128xf32, #tpu.memory_space<hbm>> -> memref<1x128x128xf32, #tpu.memory_space<hbm>>
      %dma_wait3A_98 = tpu.memref_squeeze %dma_wait3A_97 : memref<1x128x128xf32, #tpu.memory_space<hbm>> -> memref<128x128xf32, #tpu.memory_space<hbm>>
      tpu.wait_dma2 semaphore(%run_scoped3A : memref<!tpu.dma_semaphore, #tpu.memory_space<semaphore_mem>>) src(%arg9 : memref<128x128xf32, #tpu.memory_space<vmem>>) dst(%dma_wait3A_98 : memref<128x128xf32, #tpu.memory_space<hbm>>)
      tpu.yield
    }) : () -> ()
    %add3A_72 = arith.constant 128 : i32
    %add3A_73 = arith.addi %mul3A_2, %add3A_72 : i32
    "tpu.region"() ({
      %run_scoped3A = tpu.sem_alloc : memref<!tpu.dma_semaphore, #tpu.memory_space<semaphore_mem>>
      %dma_start3A_88 = arith.constant 0 : i32
      %dma_start3A_89 = tpu.memref_slice %arg11[%add3A_73, %dma_start3A_88] : memref<10112x128xf32, #tpu.memory_space<vmem_shared>> -> memref<128x128xf32, #tpu.memory_space<vmem_shared>>
      %dma_start3A_90 = arith.constant 0 : i32
      %dma_start3A_91 = tpu.memref_slice %arg11[%add3A_73, %dma_start3A_90] : memref<10112x128xf32, #tpu.memory_space<vmem_shared>> -> memref<128x128xf32, #tpu.memory_space<vmem_shared>>
      tpu.enqueue_dma source(%dma_start3A_91 : memref<128x128xf32, #tpu.memory_space<vmem_shared>>) target(%arg9 : memref<128x128xf32, #tpu.memory_space<vmem>>) target_semaphore(%run_scoped3A : memref<!tpu.dma_semaphore, #tpu.memory_space<semaphore_mem>>)
      %dma_wait3A = arith.constant 0 : i32
      %dma_wait3A_92 = tpu.memref_slice %arg11[%add3A_73, %dma_wait3A] : memref<10112x128xf32, #tpu.memory_space<vmem_shared>> -> memref<128x128xf32, #tpu.memory_space<vmem_shared>>
      %dma_wait3A_93 = arith.constant 0 : i32
      %dma_wait3A_94 = tpu.memref_slice %arg11[%add3A_73, %dma_wait3A_93] : memref<10112x128xf32, #tpu.memory_space<vmem_shared>> -> memref<128x128xf32, #tpu.memory_space<vmem_shared>>
      tpu.wait_dma2 semaphore(%run_scoped3A : memref<!tpu.dma_semaphore, #tpu.memory_space<semaphore_mem>>) src(%dma_wait3A_94 : memref<128x128xf32, #tpu.memory_space<vmem_shared>>) dst(%arg9 : memref<128x128xf32, #tpu.memory_space<vmem>>)
      tpu.yield
    }) : () -> ()
    %add3A_74 = arith.constant 128 : i32
    %add3A_75 = arith.addi %mul3A_2, %add3A_74 : i32
    "tpu.region"() ({
      %run_scoped3A = tpu.sem_alloc : memref<!tpu.dma_semaphore, #tpu.memory_space<semaphore_mem>>
      %dma_start3A_88 = arith.constant 0 : i32
      %dma_start3A_89 = tpu.memref_slice %arg6[%arg0, %add3A_75, %dma_start3A_88] : memref<2x10112x128xf32, #tpu.memory_space<hbm>> -> memref<1x128x128xf32, #tpu.memory_space<hbm>>
      %dma_start3A_90 = tpu.memref_squeeze %dma_start3A_89 : memref<1x128x128xf32, #tpu.memory_space<hbm>> -> memref<128x128xf32, #tpu.memory_space<hbm>>
      %dma_start3A_91 = arith.constant 0 : i32
      %dma_start3A_92 = tpu.memref_slice %arg6[%arg0, %add3A_75, %dma_start3A_91] : memref<2x10112x128xf32, #tpu.memory_space<hbm>> -> memref<1x128x128xf32, #tpu.memory_space<hbm>>
      %dma_start3A_93 = tpu.memref_squeeze %dma_start3A_92 : memref<1x128x128xf32, #tpu.memory_space<hbm>> -> memref<128x128xf32, #tpu.memory_space<hbm>>
      tpu.enqueue_dma source(%arg9 : memref<128x128xf32, #tpu.memory_space<vmem>>) target(%dma_start3A_93 : memref<128x128xf32, #tpu.memory_space<hbm>>) target_semaphore(%run_scoped3A : memref<!tpu.dma_semaphore, #tpu.memory_space<semaphore_mem>>)
      %dma_wait3A = arith.constant 0 : i32
      %dma_wait3A_94 = tpu.memref_slice %arg6[%arg0, %add3A_75, %dma_wait3A] : memref<2x10112x128xf32, #tpu.memory_space<hbm>> -> memref<1x128x128xf32, #tpu.memory_space<hbm>>
      %dma_wait3A_95 = tpu.memref_squeeze %dma_wait3A_94 : memref<1x128x128xf32, #tpu.memory_space<hbm>> -> memref<128x128xf32, #tpu.memory_space<hbm>>
      %dma_wait3A_96 = arith.constant 0 : i32
      %dma_wait3A_97 = tpu.memref_slice %arg6[%arg0, %add3A_75, %dma_wait3A_96] : memref<2x10112x128xf32, #tpu.memory_space<hbm>> -> memref<1x128x128xf32, #tpu.memory_space<hbm>>
      %dma_wait3A_98 = tpu.memref_squeeze %dma_wait3A_97 : memref<1x128x128xf32, #tpu.memory_space<hbm>> -> memref<128x128xf32, #tpu.memory_space<hbm>>
      tpu.wait_dma2 semaphore(%run_scoped3A : memref<!tpu.dma_semaphore, #tpu.memory_space<semaphore_mem>>) src(%arg9 : memref<128x128xf32, #tpu.memory_space<vmem>>) dst(%dma_wait3A_98 : memref<128x128xf32, #tpu.memory_space<hbm>>)
      tpu.yield
    }) : () -> ()
    %add3A_76 = arith.constant 256 : i32
    %add3A_77 = arith.addi %mul3A_2, %add3A_76 : i32
    "tpu.region"() ({
      %run_scoped3A = tpu.sem_alloc : memref<!tpu.dma_semaphore, #tpu.memory_space<semaphore_mem>>
      %dma_start3A_88 = arith.constant 0 : i32
      %dma_start3A_89 = tpu.memref_slice %arg11[%add3A_77, %dma_start3A_88] : memref<10112x128xf32, #tpu.memory_space<vmem_shared>> -> memref<128x128xf32, #tpu.memory_space<vmem_shared>>
      %dma_start3A_90 = arith.constant 0 : i32
      %dma_start3A_91 = tpu.memref_slice %arg11[%add3A_77, %dma_start3A_90] : memref<10112x128xf32, #tpu.memory_space<vmem_shared>> -> memref<128x128xf32, #tpu.memory_space<vmem_shared>>
      tpu.enqueue_dma source(%dma_start3A_91 : memref<128x128xf32, #tpu.memory_space<vmem_shared>>) target(%arg9 : memref<128x128xf32, #tpu.memory_space<vmem>>) target_semaphore(%run_scoped3A : memref<!tpu.dma_semaphore, #tpu.memory_space<semaphore_mem>>)
      %dma_wait3A = arith.constant 0 : i32
      %dma_wait3A_92 = tpu.memref_slice %arg11[%add3A_77, %dma_wait3A] : memref<10112x128xf32, #tpu.memory_space<vmem_shared>> -> memref<128x128xf32, #tpu.memory_space<vmem_shared>>
      %dma_wait3A_93 = arith.constant 0 : i32
      %dma_wait3A_94 = tpu.memref_slice %arg11[%add3A_77, %dma_wait3A_93] : memref<10112x128xf32, #tpu.memory_space<vmem_shared>> -> memref<128x128xf32, #tpu.memory_space<vmem_shared>>
      tpu.wait_dma2 semaphore(%run_scoped3A : memref<!tpu.dma_semaphore, #tpu.memory_space<semaphore_mem>>) src(%dma_wait3A_94 : memref<128x128xf32, #tpu.memory_space<vmem_shared>>) dst(%arg9 : memref<128x128xf32, #tpu.memory_space<vmem>>)
      tpu.yield
    }) : () -> ()
    %add3A_78 = arith.constant 256 : i32
    %add3A_79 = arith.addi %mul3A_2, %add3A_78 : i32
    "tpu.region"() ({
      %run_scoped3A = tpu.sem_alloc : memref<!tpu.dma_semaphore, #tpu.memory_space<semaphore_mem>>
      %dma_start3A_88 = arith.constant 0 : i32
      %dma_start3A_89 = tpu.memref_slice %arg6[%arg0, %add3A_79, %dma_start3A_88] : memref<2x10112x128xf32, #tpu.memory_space<hbm>> -> memref<1x128x128xf32, #tpu.memory_space<hbm>>
      %dma_start3A_90 = tpu.memref_squeeze %dma_start3A_89 : memref<1x128x128xf32, #tpu.memory_space<hbm>> -> memref<128x128xf32, #tpu.memory_space<hbm>>
      %dma_start3A_91 = arith.constant 0 : i32
      %dma_start3A_92 = tpu.memref_slice %arg6[%arg0, %add3A_79, %dma_start3A_91] : memref<2x10112x128xf32, #tpu.memory_space<hbm>> -> memref<1x128x128xf32, #tpu.memory_space<hbm>>
      %dma_start3A_93 = tpu.memref_squeeze %dma_start3A_92 : memref<1x128x128xf32, #tpu.memory_space<hbm>> -> memref<128x128xf32, #tpu.memory_space<hbm>>
      tpu.enqueue_dma source(%arg9 : memref<128x128xf32, #tpu.memory_space<vmem>>) target(%dma_start3A_93 : memref<128x128xf32, #tpu.memory_space<hbm>>) target_semaphore(%run_scoped3A : memref<!tpu.dma_semaphore, #tpu.memory_space<semaphore_mem>>)
      %dma_wait3A = arith.constant 0 : i32
      %dma_wait3A_94 = tpu.memref_slice %arg6[%arg0, %add3A_79, %dma_wait3A] : memref<2x10112x128xf32, #tpu.memory_space<hbm>> -> memref<1x128x128xf32, #tpu.memory_space<hbm>>
      %dma_wait3A_95 = tpu.memref_squeeze %dma_wait3A_94 : memref<1x128x128xf32, #tpu.memory_space<hbm>> -> memref<128x128xf32, #tpu.memory_space<hbm>>
      %dma_wait3A_96 = arith.constant 0 : i32
      %dma_wait3A_97 = tpu.memref_slice %arg6[%arg0, %add3A_79, %dma_wait3A_96] : memref<2x10112x128xf32, #tpu.memory_space<hbm>> -> memref<1x128x128xf32, #tpu.memory_space<hbm>>
      %dma_wait3A_98 = tpu.memref_squeeze %dma_wait3A_97 : memref<1x128x128xf32, #tpu.memory_space<hbm>> -> memref<128x128xf32, #tpu.memory_space<hbm>>
      tpu.wait_dma2 semaphore(%run_scoped3A : memref<!tpu.dma_semaphore, #tpu.memory_space<semaphore_mem>>) src(%arg9 : memref<128x128xf32, #tpu.memory_space<vmem>>) dst(%dma_wait3A_98 : memref<128x128xf32, #tpu.memory_space<hbm>>)
      tpu.yield
    }) : () -> ()
    %add3A_80 = arith.constant 384 : i32
    %add3A_81 = arith.addi %mul3A_2, %add3A_80 : i32
    "tpu.region"() ({
      %run_scoped3A = tpu.sem_alloc : memref<!tpu.dma_semaphore, #tpu.memory_space<semaphore_mem>>
      %dma_start3A_88 = arith.constant 0 : i32
      %dma_start3A_89 = tpu.memref_slice %arg11[%add3A_81, %dma_start3A_88] : memref<10112x128xf32, #tpu.memory_space<vmem_shared>> -> memref<128x128xf32, #tpu.memory_space<vmem_shared>>
      %dma_start3A_90 = arith.constant 0 : i32
      %dma_start3A_91 = tpu.memref_slice %arg11[%add3A_81, %dma_start3A_90] : memref<10112x128xf32, #tpu.memory_space<vmem_shared>> -> memref<128x128xf32, #tpu.memory_space<vmem_shared>>
      tpu.enqueue_dma source(%dma_start3A_91 : memref<128x128xf32, #tpu.memory_space<vmem_shared>>) target(%arg9 : memref<128x128xf32, #tpu.memory_space<vmem>>) target_semaphore(%run_scoped3A : memref<!tpu.dma_semaphore, #tpu.memory_space<semaphore_mem>>)
      %dma_wait3A = arith.constant 0 : i32
      %dma_wait3A_92 = tpu.memref_slice %arg11[%add3A_81, %dma_wait3A] : memref<10112x128xf32, #tpu.memory_space<vmem_shared>> -> memref<128x128xf32, #tpu.memory_space<vmem_shared>>
      %dma_wait3A_93 = arith.constant 0 : i32
      %dma_wait3A_94 = tpu.memref_slice %arg11[%add3A_81, %dma_wait3A_93] : memref<10112x128xf32, #tpu.memory_space<vmem_shared>> -> memref<128x128xf32, #tpu.memory_space<vmem_shared>>
      tpu.wait_dma2 semaphore(%run_scoped3A : memref<!tpu.dma_semaphore, #tpu.memory_space<semaphore_mem>>) src(%dma_wait3A_94 : memref<128x128xf32, #tpu.memory_space<vmem_shared>>) dst(%arg9 : memref<128x128xf32, #tpu.memory_space<vmem>>)
      tpu.yield
    }) : () -> ()
    %add3A_82 = arith.constant 384 : i32
    %add3A_83 = arith.addi %mul3A_2, %add3A_82 : i32
    "tpu.region"() ({
      %run_scoped3A = tpu.sem_alloc : memref<!tpu.dma_semaphore, #tpu.memory_space<semaphore_mem>>
      %dma_start3A_88 = arith.constant 0 : i32
      %dma_start3A_89 = tpu.memref_slice %arg6[%arg0, %add3A_83, %dma_start3A_88] : memref<2x10112x128xf32, #tpu.memory_space<hbm>> -> memref<1x128x128xf32, #tpu.memory_space<hbm>>
      %dma_start3A_90 = tpu.memref_squeeze %dma_start3A_89 : memref<1x128x128xf32, #tpu.memory_space<hbm>> -> memref<128x128xf32, #tpu.memory_space<hbm>>
      %dma_start3A_91 = arith.constant 0 : i32
      %dma_start3A_92 = tpu.memref_slice %arg6[%arg0, %add3A_83, %dma_start3A_91] : memref<2x10112x128xf32, #tpu.memory_space<hbm>> -> memref<1x128x128xf32, #tpu.memory_space<hbm>>
      %dma_start3A_93 = tpu.memref_squeeze %dma_start3A_92 : memref<1x128x128xf32, #tpu.memory_space<hbm>> -> memref<128x128xf32, #tpu.memory_space<hbm>>
      tpu.enqueue_dma source(%arg9 : memref<128x128xf32, #tpu.memory_space<vmem>>) target(%dma_start3A_93 : memref<128x128xf32, #tpu.memory_space<hbm>>) target_semaphore(%run_scoped3A : memref<!tpu.dma_semaphore, #tpu.memory_space<semaphore_mem>>)
      %dma_wait3A = arith.constant 0 : i32
      %dma_wait3A_94 = tpu.memref_slice %arg6[%arg0, %add3A_83, %dma_wait3A] : memref<2x10112x128xf32, #tpu.memory_space<hbm>> -> memref<1x128x128xf32, #tpu.memory_space<hbm>>
      %dma_wait3A_95 = tpu.memref_squeeze %dma_wait3A_94 : memref<1x128x128xf32, #tpu.memory_space<hbm>> -> memref<128x128xf32, #tpu.memory_space<hbm>>
      %dma_wait3A_96 = arith.constant 0 : i32
      %dma_wait3A_97 = tpu.memref_slice %arg6[%arg0, %add3A_83, %dma_wait3A_96] : memref<2x10112x128xf32, #tpu.memory_space<hbm>> -> memref<1x128x128xf32, #tpu.memory_space<hbm>>
      %dma_wait3A_98 = tpu.memref_squeeze %dma_wait3A_97 : memref<1x128x128xf32, #tpu.memory_space<hbm>> -> memref<128x128xf32, #tpu.memory_space<hbm>>
      tpu.wait_dma2 semaphore(%run_scoped3A : memref<!tpu.dma_semaphore, #tpu.memory_space<semaphore_mem>>) src(%arg9 : memref<128x128xf32, #tpu.memory_space<vmem>>) dst(%dma_wait3A_98 : memref<128x128xf32, #tpu.memory_space<hbm>>)
      tpu.yield
    }) : () -> ()
    %add3A_84 = arith.constant 512 : i32
    %add3A_85 = arith.addi %mul3A_2, %add3A_84 : i32
    "tpu.region"() ({
      %run_scoped3A = tpu.sem_alloc : memref<!tpu.dma_semaphore, #tpu.memory_space<semaphore_mem>>
      %dma_start3A_88 = arith.constant 0 : i32
      %dma_start3A_89 = arith.constant 0 : i32
      %dma_start3A_90 = tpu.memref_slice %arg9[%dma_start3A_88, %dma_start3A_89] : memref<128x128xf32, #tpu.memory_space<vmem>> -> memref<120x128xf32, #tpu.memory_space<vmem>>
      %dma_start3A_91 = arith.constant 0 : i32
      %dma_start3A_92 = tpu.memref_slice %arg11[%add3A_85, %dma_start3A_91] : memref<10112x128xf32, #tpu.memory_space<vmem_shared>> -> memref<120x128xf32, #tpu.memory_space<vmem_shared>>
      %dma_start3A_93 = arith.constant 0 : i32
      %dma_start3A_94 = arith.constant 0 : i32
      %dma_start3A_95 = tpu.memref_slice %arg9[%dma_start3A_93, %dma_start3A_94] : memref<128x128xf32, #tpu.memory_space<vmem>> -> memref<120x128xf32, #tpu.memory_space<vmem>>
      %dma_start3A_96 = arith.constant 0 : i32
      %dma_start3A_97 = tpu.memref_slice %arg11[%add3A_85, %dma_start3A_96] : memref<10112x128xf32, #tpu.memory_space<vmem_shared>> -> memref<120x128xf32, #tpu.memory_space<vmem_shared>>
      tpu.enqueue_dma source(%dma_start3A_97 : memref<120x128xf32, #tpu.memory_space<vmem_shared>>) target(%dma_start3A_95 : memref<120x128xf32, #tpu.memory_space<vmem>>) target_semaphore(%run_scoped3A : memref<!tpu.dma_semaphore, #tpu.memory_space<semaphore_mem>>)
      %dma_wait3A = arith.constant 0 : i32
      %dma_wait3A_98 = arith.constant 0 : i32
      %dma_wait3A_99 = tpu.memref_slice %arg9[%dma_wait3A, %dma_wait3A_98] : memref<128x128xf32, #tpu.memory_space<vmem>> -> memref<120x128xf32, #tpu.memory_space<vmem>>
      %dma_wait3A_100 = arith.constant 0 : i32
      %dma_wait3A_101 = tpu.memref_slice %arg11[%add3A_85, %dma_wait3A_100] : memref<10112x128xf32, #tpu.memory_space<vmem_shared>> -> memref<120x128xf32, #tpu.memory_space<vmem_shared>>
      %dma_wait3A_102 = arith.constant 0 : i32
      %dma_wait3A_103 = arith.constant 0 : i32
      %dma_wait3A_104 = tpu.memref_slice %arg9[%dma_wait3A_102, %dma_wait3A_103] : memref<128x128xf32, #tpu.memory_space<vmem>> -> memref<120x128xf32, #tpu.memory_space<vmem>>
      %dma_wait3A_105 = arith.constant 0 : i32
      %dma_wait3A_106 = tpu.memref_slice %arg11[%add3A_85, %dma_wait3A_105] : memref<10112x128xf32, #tpu.memory_space<vmem_shared>> -> memref<120x128xf32, #tpu.memory_space<vmem_shared>>
      tpu.wait_dma2 semaphore(%run_scoped3A : memref<!tpu.dma_semaphore, #tpu.memory_space<semaphore_mem>>) src(%dma_wait3A_106 : memref<120x128xf32, #tpu.memory_space<vmem_shared>>) dst(%dma_wait3A_104 : memref<120x128xf32, #tpu.memory_space<vmem>>)
      tpu.yield
    }) : () -> ()
    %add3A_86 = arith.constant 512 : i32
    %add3A_87 = arith.addi %mul3A_2, %add3A_86 : i32
    "tpu.region"() ({
      %run_scoped3A = tpu.sem_alloc : memref<!tpu.dma_semaphore, #tpu.memory_space<semaphore_mem>>
      %dma_start3A_88 = arith.constant 0 : i32
      %dma_start3A_89 = arith.constant 0 : i32
      %dma_start3A_90 = tpu.memref_slice %arg9[%dma_start3A_88, %dma_start3A_89] : memref<128x128xf32, #tpu.memory_space<vmem>> -> memref<120x128xf32, #tpu.memory_space<vmem>>
      %dma_start3A_91 = arith.constant 0 : i32
      %dma_start3A_92 = tpu.memref_slice %arg6[%arg0, %add3A_87, %dma_start3A_91] : memref<2x10112x128xf32, #tpu.memory_space<hbm>> -> memref<1x120x128xf32, #tpu.memory_space<hbm>>
      %dma_start3A_93 = tpu.memref_squeeze %dma_start3A_92 : memref<1x120x128xf32, #tpu.memory_space<hbm>> -> memref<120x128xf32, #tpu.memory_space<hbm>>
      %dma_start3A_94 = arith.constant 0 : i32
      %dma_start3A_95 = tpu.memref_slice %arg6[%arg0, %add3A_87, %dma_start3A_94] : memref<2x10112x128xf32, #tpu.memory_space<hbm>> -> memref<1x120x128xf32, #tpu.memory_space<hbm>>
      %dma_start3A_96 = tpu.memref_squeeze %dma_start3A_95 : memref<1x120x128xf32, #tpu.memory_space<hbm>> -> memref<120x128xf32, #tpu.memory_space<hbm>>
      %dma_start3A_97 = arith.constant 0 : i32
      %dma_start3A_98 = arith.constant 0 : i32
      %dma_start3A_99 = tpu.memref_slice %arg9[%dma_start3A_97, %dma_start3A_98] : memref<128x128xf32, #tpu.memory_space<vmem>> -> memref<120x128xf32, #tpu.memory_space<vmem>>
      tpu.enqueue_dma source(%dma_start3A_99 : memref<120x128xf32, #tpu.memory_space<vmem>>) target(%dma_start3A_96 : memref<120x128xf32, #tpu.memory_space<hbm>>) target_semaphore(%run_scoped3A : memref<!tpu.dma_semaphore, #tpu.memory_space<semaphore_mem>>)
      %dma_wait3A = arith.constant 0 : i32
      %dma_wait3A_100 = arith.constant 0 : i32
      %dma_wait3A_101 = tpu.memref_slice %arg9[%dma_wait3A, %dma_wait3A_100] : memref<128x128xf32, #tpu.memory_space<vmem>> -> memref<120x128xf32, #tpu.memory_space<vmem>>
      %dma_wait3A_102 = arith.constant 0 : i32
      %dma_wait3A_103 = tpu.memref_slice %arg6[%arg0, %add3A_87, %dma_wait3A_102] : memref<2x10112x128xf32, #tpu.memory_space<hbm>> -> memref<1x120x128xf32, #tpu.memory_space<hbm>>
      %dma_wait3A_104 = tpu.memref_squeeze %dma_wait3A_103 : memref<1x120x128xf32, #tpu.memory_space<hbm>> -> memref<120x128xf32, #tpu.memory_space<hbm>>
      %dma_wait3A_105 = arith.constant 0 : i32
      %dma_wait3A_106 = tpu.memref_slice %arg6[%arg0, %add3A_87, %dma_wait3A_105] : memref<2x10112x128xf32, #tpu.memory_space<hbm>> -> memref<1x120x128xf32, #tpu.memory_space<hbm>>
      %dma_wait3A_107 = tpu.memref_squeeze %dma_wait3A_106 : memref<1x120x128xf32, #tpu.memory_space<hbm>> -> memref<120x128xf32, #tpu.memory_space<hbm>>
      %dma_wait3A_108 = arith.constant 0 : i32
      %dma_wait3A_109 = arith.constant 0 : i32
      %dma_wait3A_110 = tpu.memref_slice %arg9[%dma_wait3A_108, %dma_wait3A_109] : memref<128x128xf32, #tpu.memory_space<vmem>> -> memref<120x128xf32, #tpu.memory_space<vmem>>
      tpu.wait_dma2 semaphore(%run_scoped3A : memref<!tpu.dma_semaphore, #tpu.memory_space<semaphore_mem>>) src(%dma_wait3A_110 : memref<120x128xf32, #tpu.memory_space<vmem>>) dst(%dma_wait3A_107 : memref<120x128xf32, #tpu.memory_space<hbm>>)
      tpu.yield
    }) : () -> ()
    return
  }
}

module attributes {stable_mosaic.version = 14 : i64} {
  func.func @_tc_a(%arg0: i32, %arg1: memref<1000x128xf32, #tpu.memory_space<vmem>>, %arg2: memref<128x128xf32, #tpu.memory_space<vmem>>, %arg3: memref<2x1000x1xf32, #tpu.memory_space<vmem>>, %arg4: memref<1000x128xf32, #tpu.memory_space<vmem>>) attributes {dimension_semantics = [#tpu.dimension_semantics<arbitrary>], iteration_bounds = array<i64: 10>, scalar_prefetch = 0 : i64, scratch_operands = 0 : i64, tpu.core_type = #tpu.core_type<tc>, window_params = [{transform_indices = @transform_0, window_bounds = array<i64: 1000, 128>}, {pipeline_mode = #tpu.pipeline_mode<synchronous>, transform_indices = @transform_1, window_bounds = array<i64: 128, 128>}, {transform_indices = @transform_2, window_bounds = array<i64: 2, 1000, 1>}, {transform_indices = @transform_3, window_bounds = array<i64: 1000, 128>}]} {
    %get3A = arith.constant 0 : index
    %get3A_0 = arith.constant 0 : index
    %get3A_1 = arith.constant 0 : index
    %get3A_2 = vector.load %arg3[%get3A, %get3A_0, %get3A_1] : memref<2x1000x1xf32, #tpu.memory_space<vmem>>, vector<1x1000x1xf32>
    %get3A_3 = vector.shape_cast %get3A_2 : vector<1x1000x1xf32> to vector<1000x1xf32>
    %get3A_4 = arith.constant 1 : index
    %get3A_5 = arith.constant 0 : index
    %get3A_6 = arith.constant 0 : index
    %get3A_7 = vector.load %arg3[%get3A_4, %get3A_5, %get3A_6] : memref<2x1000x1xf32, #tpu.memory_space<vmem>>, vector<1x1000x1xf32>
    %get3A_8 = vector.shape_cast %get3A_7 : vector<1x1000x1xf32> to vector<1000x1xf32>
    %add3A = arith.addf %get3A_3, %get3A_8 : vector<1000x1xf32>
    %add3A_9 = arith.constant 1.000000e+00 : f32
    %add3A_10 = vector.broadcast %add3A_9 : f32 to vector<1000x1xf32>
    %add3A_11 = arith.addf %add3A, %add3A_10 : vector<1000x1xf32>
    %max3A = arith.constant 1.000000e+00 : f32
    %max3A_12 = vector.broadcast %max3A : f32 to vector<1000x1xf32>
    %max3A_13 = arith.maximumf %add3A_11, %max3A_12 : vector<1000x1xf32>
    %rsqrt3A = math.rsqrt %max3A_13 : vector<1000x1xf32>
    %get3A_14 = arith.constant 0 : index
    %get3A_15 = arith.constant 0 : index
    %get3A_16 = vector.load %arg1[%get3A_14, %get3A_15] : memref<1000x128xf32, #tpu.memory_space<vmem>>, vector<1000x128xf32>
    %get3A_17 = arith.constant 0 : index
    %get3A_18 = arith.constant 0 : index
    %get3A_19 = vector.load %arg2[%get3A_17, %get3A_18] : memref<128x128xf32, #tpu.memory_space<vmem>>, vector<128x128xf32>
    %dot_general3A = arith.constant dense<0.000000e+00> : vector<1000x128xf32>
    %dot_general3A_20 = tpu.matmul %get3A_16, %get3A_19, %dot_general3A {dimension_numbers = #tpu.dot_dimension_numbers<[1], [0], [0], [1], [0, 0, 1, 1], [], []>, precision = #tpu.contract_precision<fp32>, transpose_lhs_hint = false} : vector<1000x128xf32>, vector<128x128xf32>, vector<1000x128xf32> -> vector<1000x128xf32>
    %mul3A = vector.broadcast %rsqrt3A : vector<1000x1xf32> to vector<1000x128xf32>
    %mul3A_21 = arith.mulf %dot_general3A_20, %mul3A : vector<1000x128xf32>
    %swap3A = arith.constant 0 : index
    %swap3A_22 = arith.constant 0 : index
    %swap3A_23 = vector.load %arg4[%swap3A, %swap3A_22] : memref<1000x128xf32, #tpu.memory_space<vmem>>, vector<1000x128xf32>
    tpu.vector_store %arg4[%swap3A, %swap3A_22], %mul3A_21 {strides = array<i32>} : memref<1000x128xf32, #tpu.memory_space<vmem>>, vector<1000x128xf32>,
    return
  }
  func.func @transform_0(%arg0: i32) -> (i32, i32) {
    %c0_i32 = arith.constant 0 : i32
    %c0_i32_0 = arith.constant 0 : i32
    return %arg0, %c0_i32 : i32, i32
  }
  func.func @transform_1(%arg0: i32) -> (i32, i32) {
    %c0_i32 = arith.constant 0 : i32
    %c0_i32_0 = arith.constant 0 : i32
    %c0_i32_1 = arith.constant 0 : i32
    return %c0_i32, %c0_i32_0 : i32, i32
  }
  func.func @transform_2(%arg0: i32) -> (i32, i32, i32) {
    %c0_i32 = arith.constant 0 : i32
    %c0_i32_0 = arith.constant 0 : i32
    %c0_i32_1 = arith.constant 0 : i32
    return %c0_i32, %arg0, %c0_i32_0 : i32, i32, i32
  }
  func.func @transform_3(%arg0: i32) -> (i32, i32) {
    %c0_i32 = arith.constant 0 : i32
    %c0_i32_0 = arith.constant 0 : i32
    return %arg0, %c0_i32 : i32, i32
  }
}

module attributes {stable_mosaic.version = 14 : i64} {
  func.func @_tc_c(%arg0: i32, %arg1: memref<2x1000x128xf32, #tpu.memory_space<vmem>>, %arg2: memref<1000x128xf32, #tpu.memory_space<vmem>>, %arg3: memref<2x1000x1xf32, #tpu.memory_space<vmem>>, %arg4: memref<128xf32, #tpu.memory_space<vmem>>, %arg5: memref<128x128xf32, #tpu.memory_space<vmem>>, %arg6: memref<1000x128xf32, #tpu.memory_space<vmem>>) attributes {dimension_semantics = [#tpu.dimension_semantics<arbitrary>], iteration_bounds = array<i64: 10>, scalar_prefetch = 0 : i64, scratch_operands = 0 : i64, tpu.core_type = #tpu.core_type<tc>, window_params = [{transform_indices = @transform_0, window_bounds = array<i64: 2, 1000, 128>}, {transform_indices = @transform_1, window_bounds = array<i64: 1000, 128>}, {transform_indices = @transform_2, window_bounds = array<i64: 2, 1000, 1>}, {pipeline_mode = #tpu.pipeline_mode<synchronous>, transform_indices = @transform_3, window_bounds = array<i64: 128>}, {pipeline_mode = #tpu.pipeline_mode<synchronous>, transform_indices = @transform_4, window_bounds = array<i64: 128, 128>}, {transform_indices = @transform_5, window_bounds = array<i64: 1000, 128>}]} {
    %get3A = arith.constant 0 : index
    %get3A_0 = arith.constant 0 : index
    %get3A_1 = arith.constant 0 : index
    %get3A_2 = vector.load %arg3[%get3A, %get3A_0, %get3A_1] : memref<2x1000x1xf32, #tpu.memory_space<vmem>>, vector<1x1000x1xf32>
    %get3A_3 = vector.shape_cast %get3A_2 : vector<1x1000x1xf32> to vector<1000x1xf32>
    %get3A_4 = arith.constant 1 : index
    %get3A_5 = arith.constant 0 : index
    %get3A_6 = arith.constant 0 : index
    %get3A_7 = vector.load %arg3[%get3A_4, %get3A_5, %get3A_6] : memref<2x1000x1xf32, #tpu.memory_space<vmem>>, vector<1x1000x1xf32>
    %get3A_8 = vector.shape_cast %get3A_7 : vector<1x1000x1xf32> to vector<1000x1xf32>
    %add3A = arith.addf %get3A_3, %get3A_8 : vector<1000x1xf32>
    %add3A_9 = arith.constant 1.000000e+00 : f32
    %add3A_10 = vector.broadcast %add3A_9 : f32 to vector<1000x1xf32>
    %add3A_11 = arith.addf %add3A, %add3A_10 : vector<1000x1xf32>
    %max3A = arith.constant 1.000000e+00 : f32
    %max3A_12 = vector.broadcast %max3A : f32 to vector<1000x1xf32>
    %max3A_13 = arith.maximumf %add3A_11, %max3A_12 : vector<1000x1xf32>
    %rsqrt3A = math.rsqrt %max3A_13 : vector<1000x1xf32>
    %get3A_14 = arith.constant 0 : index
    %get3A_15 = arith.constant 0 : index
    %get3A_16 = arith.constant 0 : index
    %get3A_17 = vector.load %arg1[%get3A_14, %get3A_15, %get3A_16] : memref<2x1000x128xf32, #tpu.memory_space<vmem>>, vector<1x1000x128xf32>
    %get3A_18 = vector.shape_cast %get3A_17 : vector<1x1000x128xf32> to vector<1000x128xf32>
    %get3A_19 = arith.constant 1 : index
    %get3A_20 = arith.constant 0 : index
    %get3A_21 = arith.constant 0 : index
    %get3A_22 = vector.load %arg1[%get3A_19, %get3A_20, %get3A_21] : memref<2x1000x128xf32, #tpu.memory_space<vmem>>, vector<1x1000x128xf32>
    %get3A_23 = vector.shape_cast %get3A_22 : vector<1x1000x128xf32> to vector<1000x128xf32>
    %add3A_24 = arith.addf %get3A_18, %get3A_23 : vector<1000x128xf32>
    %get3A_25 = arith.constant 0 : index
    %get3A_26 = arith.constant 0 : index
    %get3A_27 = vector.load %arg2[%get3A_25, %get3A_26] : memref<1000x128xf32, #tpu.memory_space<vmem>>, vector<1000x128xf32>
    %add3A_28 = arith.addf %add3A_24, %get3A_27 : vector<1000x128xf32>
    %mul3A = vector.broadcast %rsqrt3A : vector<1000x1xf32> to vector<1000x128xf32>
    %mul3A_29 = arith.mulf %mul3A, %add3A_28 : vector<1000x128xf32>
    %get3A_30 = arith.constant 0 : index
    %get3A_31 = vector.load %arg4[%get3A_30] : memref<128xf32, #tpu.memory_space<vmem>>, vector<128xf32>
    %broadcast_in_dim3A = vector.shape_cast %get3A_31 : vector<128xf32> to vector<1x128xf32>
    %add3A_32 = vector.broadcast %broadcast_in_dim3A : vector<1x128xf32> to vector<1000x128xf32>
    %add3A_33 = arith.addf %mul3A_29, %add3A_32 : vector<1000x128xf32>
    %max3A_34 = arith.constant 0.000000e+00 : f32
    %max3A_35 = vector.broadcast %max3A_34 : f32 to vector<1000x128xf32>
    %max3A_36 = arith.maximumf %add3A_33, %max3A_35 : vector<1000x128xf32>
    %get3A_37 = arith.constant 0 : index
    %get3A_38 = arith.constant 0 : index
    %get3A_39 = vector.load %arg5[%get3A_37, %get3A_38] : memref<128x128xf32, #tpu.memory_space<vmem>>, vector<128x128xf32>
    %dot_general3A = arith.constant dense<0.000000e+00> : vector<1000x128xf32>
    %dot_general3A_40 = tpu.matmul %max3A_36, %get3A_39, %dot_general3A {dimension_numbers = #tpu.dot_dimension_numbers<[1], [0], [0], [1], [0, 0, 1, 1], [], []>, precision = #tpu.contract_precision<fp32>, transpose_lhs_hint = false} : vector<1000x128xf32>, vector<128x128xf32>, vector<1000x128xf32> -> vector<1000x128xf32>
    %mul3A_41 = vector.broadcast %rsqrt3A : vector<1000x1xf32> to vector<1000x128xf32>
    %mul3A_42 = arith.mulf %dot_general3A_40, %mul3A_41 : vector<1000x128xf32>
    %swap3A = arith.constant 0 : index
    %swap3A_43 = arith.constant 0 : index
    %swap3A_44 = vector.load %arg6[%swap3A, %swap3A_43] : memref<1000x128xf32, #tpu.memory_space<vmem>>, vector<1000x128xf32>
    tpu.vector_store %arg6[%swap3A, %swap3A_43], %mul3A_42 {strides = array<i32>} : memref<1000x128xf32, #tpu.memory_space<vmem>>, vector<1000x128xf32>,
    return
  }
  func.func @transform_0(%arg0: i32) -> (i32, i32, i32) {
    %c0_i32 = arith.constant 0 : i32
    %c0_i32_0 = arith.constant 0 : i32
    %c0_i32_1 = arith.constant 0 : i32
    return %c0_i32, %arg0, %c0_i32_0 : i32, i32, i32
  }
  func.func @transform_1(%arg0: i32) -> (i32, i32) {
    %c0_i32 = arith.constant 0 : i32
    %c0_i32_0 = arith.constant 0 : i32
    return %arg0, %c0_i32 : i32, i32
  }
  func.func @transform_2(%arg0: i32) -> (i32, i32, i32) {
    %c0_i32 = arith.constant 0 : i32
    %c0_i32_0 = arith.constant 0 : i32
    %c0_i32_1 = arith.constant 0 : i32
    return %c0_i32, %arg0, %c0_i32_0 : i32, i32, i32
  }
  func.func @transform_3(%arg0: i32) -> i32 {
    %c0_i32 = arith.constant 0 : i32
    %c0_i32_0 = arith.constant 0 : i32
    return %c0_i32 : i32
  }
  func.func @transform_4(%arg0: i32) -> (i32, i32) {
    %c0_i32 = arith.constant 0 : i32
    %c0_i32_0 = arith.constant 0 : i32
    %c0_i32_1 = arith.constant 0 : i32
    return %c0_i32, %c0_i32_0 : i32, i32
  }
  func.func @transform_5(%arg0: i32) -> (i32, i32) {
    %c0_i32 = arith.constant 0 : i32
    %c0_i32_0 = arith.constant 0 : i32
    return %arg0, %c0_i32 : i32, i32
  }
}

module attributes {stable_mosaic.version = 14 : i64} {
  func.func @_tc_d(%arg0: i32, %arg1: memref<2x1000x128xf32, #tpu.memory_space<vmem>>, %arg2: memref<1000x128xf32, #tpu.memory_space<vmem>>, %arg3: memref<2x1000x1xf32, #tpu.memory_space<vmem>>, %arg4: memref<128xf32, #tpu.memory_space<vmem>>, %arg5: memref<128x128xf32, #tpu.memory_space<vmem>>, %arg6: memref<128x128xf32, #tpu.memory_space<vmem>>, %arg7: memref<128xf32, #tpu.memory_space<vmem>>, %arg8: memref<1000x128xf32, #tpu.memory_space<vmem>>, %arg9: memref<1000x128xf32, #tpu.memory_space<vmem>>) attributes {dimension_semantics = [#tpu.dimension_semantics<arbitrary>], iteration_bounds = array<i64: 11>, scalar_prefetch = 0 : i64, scratch_operands = 0 : i64, tpu.core_type = #tpu.core_type<tc>, window_params = [{transform_indices = @transform_0, window_bounds = array<i64: 2, 1000, 128>}, {transform_indices = @transform_1, window_bounds = array<i64: 1000, 128>}, {transform_indices = @transform_2, window_bounds = array<i64: 2, 1000, 1>}, {pipeline_mode = #tpu.pipeline_mode<synchronous>, transform_indices = @transform_3, window_bounds = array<i64: 128>}, {pipeline_mode = #tpu.pipeline_mode<synchronous>, transform_indices = @transform_4, window_bounds = array<i64: 128, 128>}, {pipeline_mode = #tpu.pipeline_mode<synchronous>, transform_indices = @transform_5, window_bounds = array<i64: 128, 128>}, {pipeline_mode = #tpu.pipeline_mode<synchronous>, transform_indices = @transform_6, window_bounds = array<i64: 128>}, {transform_indices = @transform_7, window_bounds = array<i64: 1000, 128>}, {transform_indices = @transform_8, window_bounds = array<i64: 1000, 128>}]} {
    %get3A = arith.constant 0 : index
    %get3A_0 = arith.constant 0 : index
    %get3A_1 = arith.constant 0 : index
    %get3A_2 = vector.load %arg3[%get3A, %get3A_0, %get3A_1] : memref<2x1000x1xf32, #tpu.memory_space<vmem>>, vector<1x1000x1xf32>
    %get3A_3 = vector.shape_cast %get3A_2 : vector<1x1000x1xf32> to vector<1000x1xf32>
    %get3A_4 = arith.constant 1 : index
    %get3A_5 = arith.constant 0 : index
    %get3A_6 = arith.constant 0 : index
    %get3A_7 = vector.load %arg3[%get3A_4, %get3A_5, %get3A_6] : memref<2x1000x1xf32, #tpu.memory_space<vmem>>, vector<1x1000x1xf32>
    %get3A_8 = vector.shape_cast %get3A_7 : vector<1x1000x1xf32> to vector<1000x1xf32>
    %add3A = arith.addf %get3A_3, %get3A_8 : vector<1000x1xf32>
    %add3A_9 = arith.constant 1.000000e+00 : f32
    %add3A_10 = vector.broadcast %add3A_9 : f32 to vector<1000x1xf32>
    %add3A_11 = arith.addf %add3A, %add3A_10 : vector<1000x1xf32>
    %max3A = arith.constant 1.000000e+00 : f32
    %max3A_12 = vector.broadcast %max3A : f32 to vector<1000x1xf32>
    %max3A_13 = arith.maximumf %add3A_11, %max3A_12 : vector<1000x1xf32>
    %rsqrt3A = math.rsqrt %max3A_13 : vector<1000x1xf32>
    %get3A_14 = arith.constant 0 : index
    %get3A_15 = arith.constant 0 : index
    %get3A_16 = arith.constant 0 : index
    %get3A_17 = vector.load %arg1[%get3A_14, %get3A_15, %get3A_16] : memref<2x1000x128xf32, #tpu.memory_space<vmem>>, vector<1x1000x128xf32>
    %get3A_18 = vector.shape_cast %get3A_17 : vector<1x1000x128xf32> to vector<1000x128xf32>
    %get3A_19 = arith.constant 1 : index
    %get3A_20 = arith.constant 0 : index
    %get3A_21 = arith.constant 0 : index
    %get3A_22 = vector.load %arg1[%get3A_19, %get3A_20, %get3A_21] : memref<2x1000x128xf32, #tpu.memory_space<vmem>>, vector<1x1000x128xf32>
    %get3A_23 = vector.shape_cast %get3A_22 : vector<1x1000x128xf32> to vector<1000x128xf32>
    %add3A_24 = arith.addf %get3A_18, %get3A_23 : vector<1000x128xf32>
    %get3A_25 = arith.constant 0 : index
    %get3A_26 = arith.constant 0 : index
    %get3A_27 = vector.load %arg2[%get3A_25, %get3A_26] : memref<1000x128xf32, #tpu.memory_space<vmem>>, vector<1000x128xf32>
    %add3A_28 = arith.addf %add3A_24, %get3A_27 : vector<1000x128xf32>
    %mul3A = vector.broadcast %rsqrt3A : vector<1000x1xf32> to vector<1000x128xf32>
    %mul3A_29 = arith.mulf %mul3A, %add3A_28 : vector<1000x128xf32>
    %get3A_30 = arith.constant 0 : index
    %get3A_31 = vector.load %arg4[%get3A_30] : memref<128xf32, #tpu.memory_space<vmem>>, vector<128xf32>
    %broadcast_in_dim3A = vector.shape_cast %get3A_31 : vector<128xf32> to vector<1x128xf32>
    %add3A_32 = vector.broadcast %broadcast_in_dim3A : vector<1x128xf32> to vector<1000x128xf32>
    %add3A_33 = arith.addf %mul3A_29, %add3A_32 : vector<1000x128xf32>
    %get3A_34 = arith.constant 0 : index
    %get3A_35 = arith.constant 0 : index
    %get3A_36 = vector.load %arg5[%get3A_34, %get3A_35] : memref<128x128xf32, #tpu.memory_space<vmem>>, vector<128x128xf32>
    %dot_general3A = arith.constant dense<0.000000e+00> : vector<1000x128xf32>
    %dot_general3A_37 = tpu.matmul %add3A_33, %get3A_36, %dot_general3A {dimension_numbers = #tpu.dot_dimension_numbers<[1], [0], [0], [1], [0, 0, 1, 1], [], []>, precision = #tpu.contract_precision<fp32>, transpose_lhs_hint = false} : vector<1000x128xf32>, vector<128x128xf32>, vector<1000x128xf32> -> vector<1000x128xf32>
    %get3A_38 = arith.constant 0 : index
    %get3A_39 = vector.load %arg7[%get3A_38] : memref<128xf32, #tpu.memory_space<vmem>>, vector<128xf32>
    %broadcast_in_dim3A_40 = vector.shape_cast %get3A_39 : vector<128xf32> to vector<1x128xf32>
    %add3A_41 = vector.broadcast %broadcast_in_dim3A_40 : vector<1x128xf32> to vector<1000x128xf32>
    %add3A_42 = arith.addf %dot_general3A_37, %add3A_41 : vector<1000x128xf32>
    %swap3A = arith.constant 0 : index
    %swap3A_43 = arith.constant 0 : index
    %swap3A_44 = vector.load %arg8[%swap3A, %swap3A_43] : memref<1000x128xf32, #tpu.memory_space<vmem>>, vector<1000x128xf32>
    tpu.vector_store %arg8[%swap3A, %swap3A_43], %add3A_42 {strides = array<i32>} : memref<1000x128xf32, #tpu.memory_space<vmem>>, vector<1000x128xf32>,
    %get3A_45 = arith.constant 0 : index
    %get3A_46 = arith.constant 0 : index
    %get3A_47 = vector.load %arg6[%get3A_45, %get3A_46] : memref<128x128xf32, #tpu.memory_space<vmem>>, vector<128x128xf32>
    %dot_general3A_48 = arith.constant dense<0.000000e+00> : vector<1000x128xf32>
    %dot_general3A_49 = tpu.matmul %add3A_33, %get3A_47, %dot_general3A_48 {dimension_numbers = #tpu.dot_dimension_numbers<[1], [0], [0], [1], [0, 0, 1, 1], [], []>, precision = #tpu.contract_precision<fp32>, transpose_lhs_hint = false} : vector<1000x128xf32>, vector<128x128xf32>, vector<1000x128xf32> -> vector<1000x128xf32>
    %swap3A_50 = arith.constant 0 : index
    %swap3A_51 = arith.constant 0 : index
    %swap3A_52 = vector.load %arg9[%swap3A_50, %swap3A_51] : memref<1000x128xf32, #tpu.memory_space<vmem>>, vector<1000x128xf32>
    tpu.vector_store %arg9[%swap3A_50, %swap3A_51], %dot_general3A_49 {strides = array<i32>} : memref<1000x128xf32, #tpu.memory_space<vmem>>, vector<1000x128xf32>,
    return
  }
  func.func @transform_0(%arg0: i32) -> (i32, i32, i32) {
    %c0_i32 = arith.constant 0 : i32
    %c0_i32_0 = arith.constant 0 : i32
    %c0_i32_1 = arith.constant 0 : i32
    return %c0_i32, %arg0, %c0_i32_0 : i32, i32, i32
  }
  func.func @transform_1(%arg0: i32) -> (i32, i32) {
    %c0_i32 = arith.constant 0 : i32
    %c0_i32_0 = arith.constant 0 : i32
    return %arg0, %c0_i32 : i32, i32
  }
  func.func @transform_2(%arg0: i32) -> (i32, i32, i32) {
    %c0_i32 = arith.constant 0 : i32
    %c0_i32_0 = arith.constant 0 : i32
    %c0_i32_1 = arith.constant 0 : i32
    return %c0_i32, %arg0, %c0_i32_0 : i32, i32, i32
  }
  func.func @transform_3(%arg0: i32) -> i32 {
    %c0_i32 = arith.constant 0 : i32
    %c0_i32_0 = arith.constant 0 : i32
    return %c0_i32 : i32
  }
  func.func @transform_4(%arg0: i32) -> (i32, i32) {
    %c0_i32 = arith.constant 0 : i32
    %c0_i32_0 = arith.constant 0 : i32
    %c0_i32_1 = arith.constant 0 : i32
    return %c0_i32, %c0_i32_0 : i32, i32
  }
  func.func @transform_5(%arg0: i32) -> (i32, i32) {
    %c0_i32 = arith.constant 0 : i32
    %c0_i32_0 = arith.constant 0 : i32
    %c0_i32_1 = arith.constant 0 : i32
    return %c0_i32, %c0_i32_0 : i32, i32
  }
  func.func @transform_6(%arg0: i32) -> i32 {
    %c0_i32 = arith.constant 0 : i32
    %c0_i32_0 = arith.constant 0 : i32
    return %c0_i32 : i32
  }
  func.func @transform_7(%arg0: i32) -> (i32, i32) {
    %c0_i32 = arith.constant 0 : i32
    %c0_i32_0 = arith.constant 0 : i32
    return %arg0, %c0_i32 : i32, i32
  }
  func.func @transform_8(%arg0: i32) -> (i32, i32) {
    %c0_i32 = arith.constant 0 : i32
    %c0_i32_0 = arith.constant 0 : i32
    return %arg0, %c0_i32 : i32, i32
  }
}

</mosaic_0001>

<sc_bundles>
// kernel: kernel.12.cloned.1.call-start
scs
__scs_entry_jumppad:
0x0: {  	(pc) =	sbr.rel $0x88, $3  }
0x1: {  	(tag) =	ssettag $0x0;
	lr =	simm.s32 $0x1  }
0x2: {  	[smem:$0x3F98] =	sst lr;
	_ =	strace $0xD0000000  }
0x3: {  	_ = 	snop  }
0x4: {  	_ = 	snop  }
0x5: {  	_ = 	snop  }
0x6: {  	_ = 	snop  }
0x7: {  	_ = 	snop  }
__scs_overlays_trampoline_lowered:
0x8: {  	[smem:$0x3FA7] =	sst s0  }
0x9: {  	[smem:$0x3FA8] =	sst s1  }
0xa: {  	[smem:$0x3FA9] =	sst s2  }
0xb: {  	[smem:$0x3FAA] =	sst s3  }
0xc: {  	[smem:$0x3FAB] =	sst s4  }
0xd: {  	[smem:$0x3FAC] =	sst s5  }
0xe: {  	[smem:$0x3FAD] =	sst s6  }
0xf: {  	[smem:$0x3FAE] =	sst s7  }
0x10: {  	[smem:$0x3FAF] =	sst s8  }
0x11: {  	[smem:$0x3FB0] =	sst s9;
	s0 =	simm.s32 @!p0 $0x0  }
0x12: {  	s1 =	sld [smem:$0x3F96];
	s0 =	simm.s32 @p0 $0x1  }
0x13: {  	[smem:$0x3FB1] =	sst s0;
	s0 =	simm.s32 @!p1 $0x0  }
0x14: {  	s2 =	sld [smem:$0x3F95];
	s0 =	simm.s32 @p1 $0x1  }
0x15: {  	[smem:$0x3FB2] =	sst s0;
	s0 =	simm.s32 @!p2 $0x0  }
0x16: {  	s3 =	sld [smem:$0x3FDB];
	s0 =	simm.s32 @p2 $0x1  }
0x17: {  	s4 =	simm.s32 $0x1BF5;
	[smem:$0x3FB4] =	sst s0  }
0x18: {  	s0 =	sld [smem:$0x3F97];
	_ =	swait.ge [sflag:s4], $0x0  }
0x19: {  	s7 =	sld [smem:$0x3F98]  }
0x1a: {  	s8 =	sadd.s32 $0xFFFFE003, lr  }
0x1b: {  	s9 =	sadd.s32 $0xFFFFFEF7, lr;
	s5 =	simm.s32 $0xFFFFFFFF;
	p2 =	slt.u32 s8, $0xFFFFF086  }
0x1c: {  	p1 =	slt.u32 s9, $0xF7A;
	s5 =	simm.s32 @!p2 $0x0  }
0x1d: {  	s5 =	simm.s32 @p1 $0x1;
	p0 =	seq.s32 s7, s2  }
0x1e: {  	s7 =	smul.u32 @!p0 $0xF7A, s2;
	p2 =	seq.s32 @!p0 s5, $0x0  }
0x1f: {  	s9 =	smul.u32 $0xF7A, s1;
	s8 =	simm.s32 @!p0 $0x1BF5;
	p2 =	por !p2, p0  }
0x20: {  	[sflag:s8] =	ssyncset.s32 @!p0 $0xFFFFF086;
	s6 =	sadd.s32 @!p0 s3, s7;
	s7 =	simm.s32 @!p0 $0x108  }
0x21: {  	s3 =	sadd.s32 s3, s9;
	s6 =	sadd.s32 @!p0 $0x88, s6;
	s7 =	simm.s32 @p2 $0x1082  }
0x22: {  	[simem:s7], [sflag:s8] =	dma.local @!p0 [hbm:s6], $0xF7A  }
0x23: {  	s9 =	sor.u32 $0xD0000000, s2;
	s6 =	simm.s32 $0x108;
	_ =	swait.ge @!p0 [sflag:s8], $0x0  }
0x24: {  	s3 =	sadd.s32 $0x88, s3;
	s6 =	simm.s32 @!p1 $0x1082;
	[sflag:s4] =	ssyncset.s32 $0xFFFFF086  }
0x25: {  	[simem:s6], [sflag:s4] =	dma.local [hbm:s3], $0xF7A  }
0x26: {  	[smem:$0x3F98] =	sst s1;
	(tag) =	ssettag s2;
	_ =	strace s9  }
0x27: {  	s1 =	sld [smem:$0x3FA8]  }
0x28: {  	s2 =	sld [smem:$0x3FA9]  }
0x29: {  	s4 =	sld [smem:$0x3FAB]  }
0x2a: {  	p0 =	seq.s32 s5, $0x0;
	s5 =	sld [smem:$0x3FAC]  }
0x2b: {  	s6 =	sld [smem:$0x3FAD]  }
0x2c: {  	s7 =	sld [smem:$0x3FAE]  }
0x2d: {  	s3 =	simm.s32 $0x108;
	s8 =	sld [smem:$0x3FAF]  }
0x2e: {  	s3 =	simm.s32 @!p0 $0x1082;
	s9 =	sld [smem:$0x3FB0]  }
0x2f: {  	lr =	sadd.s32 s0, s3;
	s0 =	sld [smem:$0x3FA7]  }
0x30: {  	s3 =	sld [smem:$0x3FAA]  }
0x31: {  	[smem:$0x3FB3] =	sst s10  }
0x32: {  	s10 =	sld [smem:$0x3FB1];
	_ =	sdelay $0x3  }
0x33: {  	p0 =	seq.s32 s10, $0x1;
	s10 =	sld [smem:$0x3FB3];
	_ =	sdelay $0x3  }
0x34: {  	[smem:$0x3FB3] =	sst s10  }
0x35: {  	s10 =	sld [smem:$0x3FB2];
	_ =	sdelay $0x3  }
0x36: {  	p1 =	seq.s32 s10, $0x1;
	s10 =	sld [smem:$0x3FB3];
	_ =	sdelay $0x3  }
0x37: {  	[smem:$0x3FB3] =	sst s10  }
0x38: {  	s10 =	sld [smem:$0x3FB4]  }
0x39: {  	_ = 	snop;
	(pc) =	sbr.ind lr, $3  }
0x3a: {  	_ = 	snop  }
0x3b: {  	_ = 	snop  }
0x3c: {  	p2 =	seq.s32 s10, $0x1;
	s10 =	sld [smem:$0x3FB3]  }
0x3d: {  	_ =	shalt  }
0x3e: {  	_ =	shalt  }
0x3f: {  	_ =	shalt  }
0x40: {  	_ =	shalt  }
0x41: {  	_ =	shalt  }
0x42: {  	_ =	shalt  }
0x43: {  	_ =	shalt  }
0x44: {  	_ =	shalt  }
0x45: {  	_ =	shalt  }
0x46: {  	_ =	shalt  }
0x47: {  	_ =	shalt  }
0x48: {  	_ =	shalt  }
0x49: {  	_ =	shalt  }
0x4a: {  	_ =	shalt  }
0x4b: {  	_ =	shalt  }
0x4c: {  	_ =	shalt  }
0x4d: {  	_ =	shalt  }
0x4e: {  	_ =	shalt  }
0x4f: {  	_ =	shalt  }
0x50: {  	_ =	shalt  }
0x51: {  	_ =	shalt  }
0x52: {  	_ =	shalt  }
0x53: {  	_ =	shalt  }
0x54: {  	_ =	shalt  }
0x55: {  	_ =	shalt  }
0x56: {  	_ =	shalt  }
0x57: {  	_ =	shalt  }
0x58: {  	_ =	shalt  }
0x59: {  	_ =	shalt  }
0x5a: {  	_ =	shalt  }
0x5b: {  	_ =	shalt  }
0x5c: {  	_ =	shalt  }
0x5d: {  	_ =	shalt  }
0x5e: {  	_ =	shalt  }
0x5f: {  	_ =	shalt  }
0x60: {  	_ =	shalt  }
0x61: {  	_ =	shalt  }
0x62: {  	_ =	shalt  }
0x63: {  	_ =	shalt  }
0x64: {  	_ =	shalt  }
0x65: {  	_ =	shalt  }
0x66: {  	_ =	shalt  }
0x67: {  	_ =	shalt  }
0x68: {  	_ =	shalt  }
0x69: {  	_ =	shalt  }
0x6a: {  	_ =	shalt  }
0x6b: {  	_ =	shalt  }
0x6c: {  	_ =	shalt  }
0x6d: {  	_ =	shalt  }
0x6e: {  	_ =	shalt  }
0x6f: {  	_ =	shalt  }
0x70: {  	_ =	shalt  }
0x71: {  	_ =	shalt  }
0x72: {  	_ =	shalt  }
0x73: {  	_ =	shalt  }
0x74: {  	_ =	shalt  }
0x75: {  	_ =	shalt  }
0x76: {  	_ =	shalt  }
0x77: {  	_ =	shalt  }
0x78: {  	_ =	shalt  }
0x79: {  	_ =	shalt  }
0x7a: {  	_ =	shalt  }
0x7b: {  	_ =	shalt  }
0x7c: {  	_ =	shalt  }
0x7d: {  	_ =	shalt  }
0x7e: {  	_ =	shalt  }
0x7f: {  	_ =	shalt  }
0x80: {  	_ =	shalt  }
0x81: {  	_ =	shalt  }
0x82: {  	_ =	shalt  }
0x83: {  	_ =	shalt  }
0x84: {  	_ =	shalt  }
0x85: {  	_ =	shalt  }
0x86: {  	_ =	shalt  }
0x87: {  	_ =	shalt  }
.Lfunc_end0:
.L_simem_size_0:
called_computation.1_lowered:
.L_overlay_start_0:
0x88: {  	s2 =	sld [smem:$0x3FD9]  }
0x89: {  	s3 =	sld [smem:$0x3FFE];
	_ =	sdelay $0x1  }
0x8a: {  	s1 =	srdreg.scid  }
0x8b: {  	s0 =	sand.u32 $0x1, s1  }
0x8c: {  	s16 =	sshll.u32 s0, $0xA;
	s2 =	sadd.s32 s3, s2  }
0x8d: {  	s2 =	sadd.s32 s2, s16  }
0x8e: {  	[smem:$0x3FBF] =	sst s2  }
0x8f: {  	_ = 	snop  }
0x90: {  	(tm) =	ssettm $0x1  }
0x91: {  	s17 =	sld [smem:$0x3FFB];
	_ =	sdelay $0x3  }
0x92: {  	_ =	strace s17  }
0x93: {  	s2 =	sld [smem:$0x3FFC];
	_ =	sdelay $0x3  }
0x94: {  	_ =	strace s2  }
0x95: {  	s2 =	sld [smem:$0x3FFD];
	_ =	sdelay $0x3  }
0x96: {  	_ =	strace s2  }
0x97: {  	_ =	strace $0x8FFFFFFF  }
0x98: {  	s18 =	sld [smem:$0x3FDB];
	_ =	sdelay $0x1  }
0x99: {  	s19 =	simm.s32 $_scs_section_size  }
0x9a: {  	s4 =	simm.s32 $_size__tile_overlayer_lowered;
	s5 =	simm.s32 $_tile_overlayer_lowered  }
0x9b: {  	s22 =	simm.s32 $0x1BFF;
	s21 =	sshll.u32 s5, $0x1;
	s2 =	sadd.s32 s19, s18  }
0x9c: {  	s6 =	simm.s32 $0x0;
	s20 =	sshll.u32 s4, $0x1;
	s4 =	sadd.s32 s21, s2  }
0x9d: {  	[timem:s6], [sflag:s22] =	dma.local [hbm:s4], s20  }
0x9e: {  	_ =	swait.ge [sflag:s22], s20  }
0x9f: {  	s3 =	ssub.s32 $0x0, s20;
	[sflag:s22] =	ssyncset.done $0x0  }
0xa0: {  	[sflag:s22] =	ssyncadd.s32 s3;
	_ =	sdelay $0x1  }
0xa1: {  	s23 =	simm.s32 $0x1B8B  }
0xa2: {  	_ =	swait.ge [sflag:s23], $0x1  }
0xa3: {  	[sflag:s23] =	ssyncset.done $0x0  }
0xa4: {  	s25 =	simm.s32 $0x1B8E;
	s24 =	sld [smem:$0x3FFE];
	[sflag:s23] =	ssyncadd.s32 $0xFFFFFFFF  }
0xa5: {  	s26 =	simm.s32 $execute0_lowered;
	[smem:$0x3FD2] =	sst s25  }
0xa6: {  	s4 =	sshll.u32 s26, $0x1;
	_ =	strace $0x80000049;
	[dreg:$0x1] =	wrdreg $0xFFFFFFFF  }
0xa7: {  	s28 =	simm.s32 $_size_execute0_lowered;
	s2 =	sadd.s32 s2, s4;
	[dreg:$0x0] =	wrdreg $0x0  }
0xa8: {  	s4 =	sshll.u32 s28, $0x1;
	[dreg:$0x2] =	wrdreg s2  }
0xa9: {  	[dreg:$0x3] =	wrdreg s4  }
0xaa: {  	[dreg:$0x4] =	wrdreg $0xC0  }
0xab: {  	_ =	task [dreg:s6], $0x5FFFF  }
0xac: {  	[dreg:$0x1] =	wrdreg $0xFFFFFFFF  }
0xad: {  	[dreg:$0x0] =	wrdreg $0x60  }
0xae: {  	[dreg:$0x2] =	wrdreg s24  }
0xaf: {  	[dreg:$0x3] =	wrdreg $0xA8000  }
0xb0: {  	[dreg:$0x4] =	wrdreg $0x9  }
0xb1: {  	_ =	task.clear_ibuf [dreg:s6], $0x5FFFF;
	_ =	strace $0x90000049  }
0xb2: {  	s29 =	simm.s32 $0x9;
	_ =	strace $0x8000004B  }
0xb3: {  	_ =	swait.ge [sflag:s29], $0x1  }
0xb4: {  	[sflag:s29] =	ssyncadd.s32 $0xFFFFFFFF  }
0xb5: {  	_ =	strace $0x9000004B  }
0xb6: {  	_ =	sfence  }
0xb7: {  	s30 =	sld [smem:$0x0];
	_ =	sdelay $0x2  }
0xb8: {  	s31 =	sshll.u32 s1, $0xD;
	s1 =	sshrl.u32 s1, $0x2  }
0xb9: {  	s3 =	sand.u32 $0x4000, s31;
	s1 =	sadd.s32 s1, s30  }
0xba: {  	s0 =	sor.u32 s3, s0;
	s1 =	sshll.u32 s1, $0x11  }
0xbb: {  	s0 =	sor.u32 s1, s0  }
0xbc: {  	s0 =	sadd.s32 $0x8F2B, s0  }
0xbd: {  	[sflag:s0] =	ssyncadd.remote.s32 $0x1  }
0xbe: {  	_ =	sfence.sel $0xFFFF  }
0xbf: {  	[dreg:$0x0] =	wrdreg $0xFFFFFFFF;
	(pc) =	sbr.abs _section_cstart, $3  }
0xc0: {  	[dreg:$0x1] =	wrdreg $0xFFFFFFFF  }
0xc1: {  	_ =	task.clear_ibuf [dreg:s6], $0x2FFFF;
	_ =	strace $0x9FFFFFFF  }
0xc2: {  	(tm) =	ssettm $0x7FFFFFFF  }
0xc3: {  	_ =	shalt  }
tec
execute0_lowered:
.L_overlay_start_1:
0x0: {  	(tag) =	ssettag $0x1  }
0x1: {  	s0 =	rddreg [dreg:$0x0]  }
0x2: {  	s2 =	rddreg [dreg:$0x1];
	s3 =	simm.s32 $0x0  }
0x3: {  	s1 =	srdreg.scid;
	s12 =	stileid.u32;
	s28 =	simm.s32 $0x6800  }
0x4: {  	s29 =	simm.s32 $0x1;
	s30 =	simm.s32 $0x2;
	s31 =	simm.s32 $0x3  }
0x5: {  	[smem:$0x7FF] =	sst s3;
	s1 =	sand.u32 $0x1, s1;
	s5 =	sshll.u32 s12, $0x1  }
0x6: {  	s4 =	sadd.s32 $0x65000, s0;
	s6 =	sadd.s32 $0xCE00, s0;
	s10 =	smul.u32 $0x4F000, s12  }
0x7: {  	s7 =	sadd.s32 $0x2A00, s0;
	s9 =	sadd.s32 $0x8C200, s0;
	s15 =	smul.u32 $0x13C00, s12  }
0x8: {  	s5 =	sor.u32 s1, s5;
	s19 =	ssub.s32 $0x2, s1;
	s1 =	smul.u32 $0x13C000, s1  }
0x9: {  	s0 =	sadd.s32 $0x8CA00, s0;
	_ =	strace $0x8000004A;
	s8 =	smul.u32 $0x280, s5  }
0xa: {  	[dreg:$0x3] =	wrdreg s9;
	s11 =	sshrl.u32 s19, $0x1;
	s14 =	smul.u32 $0x500, s5  }
0xb: {  	s21 =	sshrl.u32 s10, $0x2;
	s16 =	sadd.s32 $0x4000, s15;
	s5 =	smul.u32 $0x2800, s5  }
0xc: {  	s22 =	ssub.s32 s19, s11;
	s9 =	sadd.s32 s16, s2;
	s19 =	sadd.s32 $0x8000, s15  }
0xd: {  	s17 =	sadd.s32 s15, s1;
	s18 =	sadd.s32 s1, s16;
	s20 =	sadd.s32 s6, s8  }
0xe: {  	s8 =	sadd.s32 s7, s8;
	s10 =	sadd.s32 s19, s2;
	s13 =	sadd.s32 s6, s14  }
0xf: {  	s5 =	sshrl.u32 s5, $0x3;
	s14 =	sadd.s32 s7, s14;
	s23 =	sshrl.u32 s17, $0x3  }
0x10: {  	s24 =	sshrl.u32 s18, $0x3;
	s25 =	sadd.s32 s1, s19;
	[dreg:$0x4] =	wrdreg s20  }
0x11: {  	s22 =	smax.u32 s22, $0x1;
	[dreg:$0x5] =	wrdreg s8;
	s8 =	sadd.s32 s21, s2  }
0x12: {  	s20 =	sadd.s32 $0xC000, s15;
	s21 =	sadd.s32 $0x10000, s15;
	[dreg:$0x6] =	wrdreg s13  }
0x13: {  	s5 =	sadd.s32 $0x280, s5;
	s17 =	sadd.s32 s0, s23;
	s18 =	sadd.s32 s0, s24  }
0x14: {  	s23 =	simm.s32 $0x5;
	s24 =	simm.s32 $0x1400;
	s11 =	sadd.s32 s20, s2  }
0x15: {  	s12 =	sadd.s32 s21, s2;
	s15 =	sadd.s32 s6, s5;
	s16 =	sadd.s32 s7, s5  }
0x16: {  	s26 =	sadd.s32 s1, s20;
	s5 =	sshrl.u32 s25, $0x3;
	s1 =	sadd.s32 s1, s21  }
0x17: {  	s25 =	simm.s32 $0x2800;
	s6 =	sshrl.u32 s26, $0x3;
	s19 =	sadd.s32 s0, s5  }
0x18: {  	s1 =	sshrl.u32 s1, $0x3;
	s26 =	simm.s32 $0x80;
	s20 =	sadd.s32 s0, s6  }
0x19: {  	s21 =	sadd.s32 s0, s1;
	s0 =	simm.s32 $0x4;
	s1 =	simm.s32 $0x0  }
.LBB2_1:
0x1a: {  	s5 =	rddreg [dreg:$0x4]  }
0x1b: {  	[tilespmem:s3], [sflag:$0x5] =	stream.linear.gather [hbm4b:s5+s3], $0x1400, $0x38;
	[tilespmem:$0x1E400] =	vst v63  }
0x1c: {  	_ =	swait.ge [sflag:s23], $0x1400  }
0x1d: {  	[sflag:s23] =	ssyncset.done $0x0  }
0x1e: {  	s6 =	rddreg [dreg:$0x5];
	[sflag:s23] =	ssyncadd.s32 $0xFFFFEC00  }
0x1f: {  	[tilespmem:s24], [sflag:$0x5] =	stream.linear.gather [hbm4b:s6+s3], $0x1400, $0x38;
	[tilespmem:$0x1E400] =	vst v63  }
0x20: {  	_ =	swait.ge [sflag:s23], $0x1400  }
0x21: {  	[sflag:s23] =	ssyncset.done $0x0  }
0x22: {  	s7 =	rddreg [dreg:$0x3];
	[sflag:s23] =	ssyncadd.s32 $0xFFFFEC00  }
0x23: {  	[tilespmem:s25], [sflag:$0x5] =	stream.linear.gather [hbm4b:s7+s3], $0x4000, $0x38;
	[tilespmem:$0x1E400] =	vst v63  }
0x24: {  	_ =	swait.ge [sflag:s23], $0x4000  }
0x25: {  	[sflag:s23] =	ssyncset.done $0x0  }
0x26: {  	[sflag:s23] =	ssyncadd.s32 $0xFFFFC000  }
0x27: {  	[spmem:s8] =	stream.linear.scatter [tilespmem:s25], [sflag:$0x5], $0x4000, $0x38;
	[tilespmem:$0x1E400] =	vst v63  }
0x28: {  	_ =	swait.ge [sflag:s23], $0x4000  }
0x29: {  	[sflag:s23] =	ssyncset.done $0x0  }
0x2a: {  	[sflag:s23] =	ssyncadd.s32 $0xFFFFC000  }
0x2b: {  	[spmem:s9] =	stream.linear.scatter [tilespmem:s25], [sflag:$0x5], $0x4000, $0x38;
	[tilespmem:$0x1E400] =	vst v63  }
0x2c: {  	_ =	swait.ge [sflag:s23], $0x4000  }
0x2d: {  	[sflag:s23] =	ssyncset.done $0x0  }
0x2e: {  	[sflag:s23] =	ssyncadd.s32 $0xFFFFC000  }
0x2f: {  	[spmem:s10] =	stream.linear.scatter [tilespmem:s25], [sflag:$0x5], $0x4000, $0x38;
	[tilespmem:$0x1E400] =	vst v63  }
0x30: {  	_ =	swait.ge [sflag:s23], $0x4000  }
0x31: {  	[sflag:s23] =	ssyncset.done $0x0  }
0x32: {  	[sflag:s23] =	ssyncadd.s32 $0xFFFFC000  }
0x33: {  	[spmem:s11] =	stream.linear.scatter [tilespmem:s25], [sflag:$0x5], $0x4000, $0x38;
	[tilespmem:$0x1E400] =	vst v63  }
0x34: {  	_ =	swait.ge [sflag:s23], $0x4000  }
0x35: {  	[sflag:s23] =	ssyncset.done $0x0  }
0x36: {  	[sflag:s23] =	ssyncadd.s32 $0xFFFFC000  }
0x37: {  	[spmem:s12] =	stream.linear.scatter [tilespmem:s25], [sflag:$0x5], $0x3C00, $0x38;
	[tilespmem:$0x1E400] =	vst v63  }
0x38: {  	_ =	swait.ge [sflag:s23], $0x3C00  }
0x39: {  	[sflag:s23] =	ssyncset.done $0x0  }
0x3a: {  	[sflag:s23] =	ssyncadd.s32 $0xFFFFC400  }
0x3b: {  	[bflag:$0x0] =	sbarrier.arrive $0xFFFF  }
0x3c: {  	s13 =	rddreg [dreg:$0x6]  }
0x3d: {  	[tilespmem:s3], [sflag:$0x5] =	stream.linear.gather [hbm4b:s13+s3], $0x1400, $0x38;
	[tilespmem:$0x1E400] =	vst v63  }
0x3e: {  	_ =	swait.ge [sflag:s23], $0x1400  }
0x3f: {  	[sflag:s23] =	ssyncset.done $0x0  }
0x40: {  	[sflag:s23] =	ssyncadd.s32 $0xFFFFEC00  }
0x41: {  	[tilespmem:s24], [sflag:$0x5] =	stream.linear.gather [hbm4b:s14+s3], $0x1400, $0x38;
	[tilespmem:$0x1E400] =	vst v63  }
0x42: {  	_ =	swait.ge [sflag:s23], $0x1400  }
0x43: {  	[sflag:s23] =	ssyncset.done $0x0  }
0x44: {  	[sflag:s23] =	ssyncadd.s32 $0xFFFFEC00  }
0x45: {  	[tilespmem:s25], [sflag:$0x1] =	stream.indirect.gather [hbm4b:s4+s26], $0x80, s3, s26, $0xb8;
	[tilespmem:$0x1E400] =	vst v63  }
0x46: {  	_ = 	snop  }
0x47: {  	[tilespmem:s28], [sflag:$0x2] =	stream.indirect.gather [hbm4b:s4+s26], $0x80, s26, s26, $0xb8;
	[tilespmem:$0x1E400] =	vst v63  }
0x48: {  	_ =	swait.ge [sflag:s29], $0x4000  }
0x49: {  	[sflag:s29] =	ssyncset.done $0x0  }
0x4a: {  	s6 =	simm.s32 $0x1400;
	[sflag:s29] =	ssyncadd.s32 $0xFFFFC000  }
0x4b: {  	[spmem:s2] =	stream.indirect.scatter.add.f32 [tilespmem:s25], [sflag:$0x3], $0x80, s6, s26, $0xb8;
	[tilespmem:$0x1E400] =	vst v63  }
0x4c: {  	_ =	swait.ge [sflag:s30], $0x4000  }
0x4d: {  	[sflag:s30] =	ssyncset.done $0x0  }
0x4e: {  	s7 =	simm.s32 $0x1480;
	[sflag:s30] =	ssyncadd.s32 $0xFFFFC000  }
0x4f: {  	[spmem:s2] =	stream.indirect.scatter.add.f32 [tilespmem:s28], [sflag:$0x4], $0x80, s7, s26, $0xb8;
	[tilespmem:$0x1E400] =	vst v63  }
0x50: {  	s13 =	smin.u32 s3, $0x24;
	_ =	swait.ge [sflag:s31], $0x4000  }
0x51: {  	s6 =	sshll.u32 s13, $0x7;
	[sflag:s31] =	ssyncset.done $0x0  }
0x52: {  	s5 =	sadd.s32 $0x100, s6;
	[sflag:s31] =	ssyncadd.s32 $0xFFFFC000  }
0x53: {  	[tilespmem:s25], [sflag:$0x1] =	stream.indirect.gather [hbm4b:s4+s26], $0x80, s5, s26, $0xb8;
	[tilespmem:$0x1E400] =	vst v63  }
0x54: {  	_ =	swait.ge [sflag:s0], $0x4000  }
0x55: {  	s7 =	sadd.s32 $0x180, s6;
	[sflag:s0] =	ssyncset.done $0x0  }
0x56: {  	s6 =	simm.s32 $0x1580;
	s5 =	simm.s32 $0x2;
	[sflag:s0] =	ssyncadd.s32 $0xFFFFC000  }
.LBB2_2:
0x57: {  	[tilespmem:s28], [sflag:$0x2] =	stream.indirect.gather [hbm4b:s4+s26], $0x80, s7, s26, $0xb8;
	[tilespmem:$0x1E400] =	vst v63  }
0x58: {  	s7 =	smov.u32 s5  }
0x59: {  	p0 =	sne.s32 s5, $0x26;
	s5 =	sadd.s32 $0x2, s5;
	_ =	swait.ge [sflag:s29], $0x4000  }
0x5a: {  	[sflag:s29] =	ssyncset.done $0x0  }
0x5b: {  	s13 =	sadd.s32 $0xFFFFFF80, s6;
	[sflag:s29] =	ssyncadd.s32 $0xFFFFC000  }
0x5c: {  	[spmem:s2] =	stream.indirect.scatter.add.f32 [tilespmem:s25], [sflag:$0x3], $0x80, s13, s26, $0xb8;
	[tilespmem:$0x1E400] =	vst v63  }
0x5d: {  	_ =	swait.ge [sflag:s30], $0x4000  }
0x5e: {  	[sflag:s30] =	ssyncset.done $0x0  }
0x5f: {  	[sflag:s30] =	ssyncadd.s32 $0xFFFFC000  }
0x60: {  	[spmem:s2] =	stream.indirect.scatter.add.f32 [tilespmem:s28], [sflag:$0x4], $0x80, s6, s26, $0xb8;
	[tilespmem:$0x1E400] =	vst v63  }
0x61: {  	s7 =	smin.u32 s7, $0x24;
	_ =	swait.ge [sflag:s31], $0x4000  }
0x62: {  	s7 =	sshll.u32 s7, $0x7;
	[sflag:s31] =	ssyncset.done $0x0  }
.Ltmp0:
0x63: {  	s13 =	sadd.s32 $0x100, s7;
	[sflag:s31] =	ssyncadd.s32 $0xFFFFC000;
	(pc) =	sbr.rel @p0 .LBB2_2-.Ltmp0, $4  }
0x64: {  	[tilespmem:s25], [sflag:$0x1] =	stream.indirect.gather [hbm4b:s4+s26], $0x80, s13, s26, $0xb8;
	[tilespmem:$0x1E400] =	vst v63  }
0x65: {  	_ =	swait.ge [sflag:s0], $0x4000  }
0x66: {  	[sflag:s0] =	ssyncset.done $0x0  }
0x67: {  	s7 =	sadd.s32 $0x180, s7;
	s6 =	sadd.s32 $0x100, s6;
	[sflag:s0] =	ssyncadd.s32 $0xFFFFC000  }
0x68: {  	[tilespmem:s28], [sflag:$0x2] =	stream.indirect.gather [hbm4b:s4+s26], $0x80, s7, s26, $0xb8;
	[tilespmem:$0x1E400] =	vst v63  }
0x69: {  	_ =	swait.ge [sflag:s29], $0x4000  }
0x6a: {  	[sflag:s29] =	ssyncset.done $0x0  }
0x6b: {  	[sflag:s29] =	ssyncadd.s32 $0xFFFFC000  }
0x6c: {  	_ =	swait.ge [sflag:s30], $0x4000  }
0x6d: {  	[sflag:s30] =	ssyncset.done $0x0  }
0x6e: {  	s5 =	simm.s32 $0x0;
	[sflag:s30] =	ssyncadd.s32 $0xFFFFC000  }
0x6f: {  	[tilespmem:s5], [sflag:$0x5] =	stream.linear.gather [hbm4b:s15+s5], $0x1400, $0x38;
	[tilespmem:$0x1E400] =	vst v63  }
0x70: {  	_ =	swait.ge [sflag:s23], $0x1400  }
0x71: {  	[sflag:s23] =	ssyncset.done $0x0  }
0x72: {  	[sflag:s23] =	ssyncadd.s32 $0xFFFFEC00  }
0x73: {  	[tilespmem:s24], [sflag:$0x5] =	stream.linear.gather [hbm4b:s16+s5], $0x1400, $0x38;
	[tilespmem:$0x1E400] =	vst v63  }
0x74: {  	_ =	swait.ge [sflag:s23], $0x1400  }
0x75: {  	[sflag:s23] =	ssyncset.done $0x0  }
0x76: {  	[sflag:s23] =	ssyncadd.s32 $0xFFFFEC00  }
0x77: {  	[tilespmem:s25], [sflag:$0x1] =	stream.indirect.gather [hbm4b:s4+s26], $0x80, s5, s26, $0xb8;
	[tilespmem:$0x1E400] =	vst v63  }
0x78: {  	_ = 	snop  }
0x79: {  	[tilespmem:s28], [sflag:$0x2] =	stream.indirect.gather [hbm4b:s4+s26], $0x80, s26, s26, $0xb8;
	[tilespmem:$0x1E400] =	vst v63  }
0x7a: {  	_ =	swait.ge [sflag:s29], $0x4000  }
0x7b: {  	[sflag:s29] =	ssyncset.done $0x0  }
0x7c: {  	s6 =	simm.s32 $0x1400;
	[sflag:s29] =	ssyncadd.s32 $0xFFFFC000  }
0x7d: {  	[spmem:s2] =	stream.indirect.scatter.add.f32 [tilespmem:s25], [sflag:$0x3], $0x80, s6, s26, $0xb8;
	[tilespmem:$0x1E400] =	vst v63  }
0x7e: {  	_ =	swait.ge [sflag:s30], $0x4000  }
0x7f: {  	[sflag:s30] =	ssyncset.done $0x0  }
0x80: {  	s7 =	simm.s32 $0x1480;
	[sflag:s30] =	ssyncadd.s32 $0xFFFFC000  }
0x81: {  	[spmem:s2] =	stream.indirect.scatter.add.f32 [tilespmem:s28], [sflag:$0x4], $0x80, s7, s26, $0xb8;
	[tilespmem:$0x1E400] =	vst v63  }
0x82: {  	s5 =	smin.u32 s5, $0x24;
	_ =	swait.ge [sflag:s31], $0x4000  }
0x83: {  	s13 =	sshll.u32 s5, $0x7;
	[sflag:s31] =	ssyncset.done $0x0  }
0x84: {  	s5 =	sadd.s32 $0x100, s13;
	[sflag:s31] =	ssyncadd.s32 $0xFFFFC000  }
0x85: {  	[tilespmem:s25], [sflag:$0x1] =	stream.indirect.gather [hbm4b:s4+s26], $0x80, s5, s26, $0xb8;
	[tilespmem:$0x1E400] =	vst v63  }
0x86: {  	_ =	swait.ge [sflag:s0], $0x4000  }
0x87: {  	s6 =	simm.s32 $0x1580;
	[sflag:s0] =	ssyncset.done $0x0  }
0x88: {  	s7 =	sadd.s32 $0x180, s13;
	s5 =	simm.s32 $0x2;
	[sflag:s0] =	ssyncadd.s32 $0xFFFFC000  }
.LBB2_4:
0x89: {  	[tilespmem:s28], [sflag:$0x2] =	stream.indirect.gather [hbm4b:s4+s26], $0x80, s7, s26, $0xb8;
	[tilespmem:$0x1E400] =	vst v63  }
0x8a: {  	s7 =	smov.u32 s5  }
0x8b: {  	p0 =	sne.s32 s5, $0x26;
	s5 =	sadd.s32 $0x2, s5;
	_ =	swait.ge [sflag:s29], $0x4000  }
0x8c: {  	[sflag:s29] =	ssyncset.done $0x0  }
0x8d: {  	s13 =	sadd.s32 $0xFFFFFF80, s6;
	[sflag:s29] =	ssyncadd.s32 $0xFFFFC000  }
0x8e: {  	[spmem:s2] =	stream.indirect.scatter.add.f32 [tilespmem:s25], [sflag:$0x3], $0x80, s13, s26, $0xb8;
	[tilespmem:$0x1E400] =	vst v63  }
0x8f: {  	_ =	swait.ge [sflag:s30], $0x4000  }
0x90: {  	[sflag:s30] =	ssyncset.done $0x0  }
0x91: {  	[sflag:s30] =	ssyncadd.s32 $0xFFFFC000  }
0x92: {  	[spmem:s2] =	stream.indirect.scatter.add.f32 [tilespmem:s28], [sflag:$0x4], $0x80, s6, s26, $0xb8;
	[tilespmem:$0x1E400] =	vst v63  }
0x93: {  	s7 =	smin.u32 s7, $0x24;
	_ =	swait.ge [sflag:s31], $0x4000  }
0x94: {  	s7 =	sshll.u32 s7, $0x7;
	[sflag:s31] =	ssyncset.done $0x0  }
.Ltmp1:
0x95: {  	s13 =	sadd.s32 $0x100, s7;
	[sflag:s31] =	ssyncadd.s32 $0xFFFFC000;
	(pc) =	sbr.rel @p0 .LBB2_4-.Ltmp1, $4  }
0x96: {  	[tilespmem:s25], [sflag:$0x1] =	stream.indirect.gather [hbm4b:s4+s26], $0x80, s13, s26, $0xb8;
	[tilespmem:$0x1E400] =	vst v63  }
0x97: {  	_ =	swait.ge [sflag:s0], $0x4000  }
0x98: {  	[sflag:s0] =	ssyncset.done $0x0  }
0x99: {  	s7 =	sadd.s32 $0x180, s7;
	s6 =	sadd.s32 $0x100, s6;
	[sflag:s0] =	ssyncadd.s32 $0xFFFFC000  }
0x9a: {  	[tilespmem:s28], [sflag:$0x2] =	stream.indirect.gather [hbm4b:s4+s26], $0x80, s7, s26, $0xb8;
	[tilespmem:$0x1E400] =	vst v63  }
0x9b: {  	_ =	swait.ge [sflag:s29], $0x4000  }
0x9c: {  	[sflag:s29] =	ssyncset.done $0x0  }
0x9d: {  	[sflag:s29] =	ssyncadd.s32 $0xFFFFC000  }
0x9e: {  	_ =	swait.ge [sflag:s30], $0x4000  }
0x9f: {  	[sflag:s30] =	ssyncset.done $0x0  }
0xa0: {  	[sflag:s30] =	ssyncadd.s32 $0xFFFFC000  }
0xa1: {  	[bflag:$0x0] =	sbarrier.arrive $0xFFFF  }
0xa2: {  	[tilespmem:s25], [sflag:$0x5] =	stream.linear.gather [spmem:s8], $0x4000, $0x38;
	[tilespmem:$0x1E400] =	vst v63  }
0xa3: {  	_ =	swait.ge [sflag:s23], $0x4000  }
0xa4: {  	[sflag:s23] =	ssyncset.done $0x0  }
0xa5: {  	[sflag:s23] =	ssyncadd.s32 $0xFFFFC000  }
0xa6: {  	[hbm4b:s17+s3] =	stream.linear.scatter [tilespmem:s25], [sflag:$0x5], $0x4000, $0x38;
	[tilespmem:$0x1E400] =	vst v63  }
0xa7: {  	_ =	swait.ge [sflag:s23], $0x4000  }
0xa8: {  	[sflag:s23] =	ssyncset.done $0x0  }
0xa9: {  	[sflag:s23] =	ssyncadd.s32 $0xFFFFC000  }
0xaa: {  	[tilespmem:s25], [sflag:$0x5] =	stream.linear.gather [spmem:s9], $0x4000, $0x38;
	[tilespmem:$0x1E400] =	vst v63  }
0xab: {  	_ =	swait.ge [sflag:s23], $0x4000  }
0xac: {  	[sflag:s23] =	ssyncset.done $0x0  }
0xad: {  	[sflag:s23] =	ssyncadd.s32 $0xFFFFC000  }
0xae: {  	[hbm4b:s18+s3] =	stream.linear.scatter [tilespmem:s25], [sflag:$0x5], $0x4000, $0x38;
	[tilespmem:$0x1E400] =	vst v63  }
0xaf: {  	_ =	swait.ge [sflag:s23], $0x4000  }
0xb0: {  	[sflag:s23] =	ssyncset.done $0x0  }
0xb1: {  	[sflag:s23] =	ssyncadd.s32 $0xFFFFC000  }
0xb2: {  	[tilespmem:s25], [sflag:$0x5] =	stream.linear.gather [spmem:s10], $0x4000, $0x38;
	[tilespmem:$0x1E400] =	vst v63  }
0xb3: {  	_ =	swait.ge [sflag:s23], $0x4000  }
0xb4: {  	[sflag:s23] =	ssyncset.done $0x0  }
0xb5: {  	[sflag:s23] =	ssyncadd.s32 $0xFFFFC000  }
0xb6: {  	[hbm4b:s19+s3] =	stream.linear.scatter [tilespmem:s25], [sflag:$0x5], $0x4000, $0x38;
	[tilespmem:$0x1E400] =	vst v63  }
0xb7: {  	_ =	swait.ge [sflag:s23], $0x4000  }
0xb8: {  	[sflag:s23] =	ssyncset.done $0x0  }
0xb9: {  	[sflag:s23] =	ssyncadd.s32 $0xFFFFC000  }
0xba: {  	[tilespmem:s25], [sflag:$0x5] =	stream.linear.gather [spmem:s11], $0x4000, $0x38;
	[tilespmem:$0x1E400] =	vst v63  }
0xbb: {  	_ =	swait.ge [sflag:s23], $0x4000  }
0xbc: {  	[sflag:s23] =	ssyncset.done $0x0  }
0xbd: {  	[sflag:s23] =	ssyncadd.s32 $0xFFFFC000  }
0xbe: {  	[hbm4b:s20+s3] =	stream.linear.scatter [tilespmem:s25], [sflag:$0x5], $0x4000, $0x38;
	[tilespmem:$0x1E400] =	vst v63  }
0xbf: {  	_ =	swait.ge [sflag:s23], $0x4000  }
0xc0: {  	[sflag:s23] =	ssyncset.done $0x0  }
0xc1: {  	[sflag:s23] =	ssyncadd.s32 $0xFFFFC000  }
0xc2: {  	[tilespmem:s25], [sflag:$0x5] =	stream.linear.gather [spmem:s12], $0x3C00, $0x38;
	[tilespmem:$0x1E400] =	vst v63  }
0xc3: {  	s1 =	sadd.s32 $0x1, s1;
	_ =	swait.ge [sflag:s23], $0x3C00  }
0xc4: {  	p0 =	sne.s32 s1, s22;
	[sflag:s23] =	ssyncset.done $0x0  }
.Ltmp2:
0xc5: {  	[sflag:s23] =	ssyncadd.s32 $0xFFFFC400;
	(pc) =	sbr.rel @p0 .LBB2_1-.Ltmp2, $4  }
0xc6: {  	[hbm4b:s21+s3] =	stream.linear.scatter [tilespmem:s25], [sflag:$0x5], $0x3C00, $0x38;
	[tilespmem:$0x1E400] =	vst v63  }
0xc7: {  	_ =	swait.ge [sflag:s23], $0x3C00  }
0xc8: {  	[sflag:s23] =	ssyncset.done $0x0  }
0xc9: {  	[sflag:s23] =	ssyncadd.s32 $0xFFFFC400  }
0xca: {  	_ =	sfence.sel $0x180000  }
0xcb: {  	[bflag:$0x0] =	sbarrier.arrive $0xFFFF  }
0xcc: {  	_ =	strace $0x9000004A  }
0xcd: {  	s0 =	stileid.u32;
	[bflag:$0x2] =	sbarrier.arrive $0xFFFF  }
0xce: {  	p0 =	sne.s32 s0, $0x0;
	s0 =	rddreg [dreg:$0x2]  }
0xcf: {  	s0 =	sadd.s32 @!p0 $0x100000, s0  }
0xd0: {  	[sflag:s0] =	ssyncadd.tile.s32 @!p0 $0x1;
	_ =	shalt  }
.Lfunc_end2:
_tile_overlayer_lowered:
.L_overlay_start_2:
0xd1: {  	(tag) =	ssettag $0x2  }
0xd2: {  	s0 =	rddreg [dreg:$0x0];
	s2 =	stileid.u32  }
0xd3: {  	s1 =	rddreg [dreg:$0x1];
	p0 =	sne.s32 s2, $0x0  }
0xd4: {  	s3 =	rddreg [dreg:$0x2];
	[bflag:$0x3] =	sbarrier.arrive $0xFFFF;
	s2 =	simm.s32 @!p0 $0x1C05  }
0xd5: {  	[timem:s3], [sflag:s2] =	dma.local @!p0 [hbm:s0], s1  }
0xd6: {  	s0 =	simm.s32 @!p0 $0x5  }
0xd7: {  	_ =	swait.ge @!p0 [sflag:s0], s1  }
0xd8: {  	s1 =	ssub.s32 @!p0 $0x0, s1;
	[sflag:s0] =	ssyncset.done @!p0 $0x0  }
0xd9: {  	[sflag:s0] =	ssyncadd.s32 @!p0 s1  }
0xda: {  	[bflag:$0x3] =	sbarrier.arrive $0xFFFF  }
0xdb: {  	_ =	shalt  }

// kernel: kernel.15.cloned.1.call-start
scs
__scs_entry_jumppad:
0x0: {  	(pc) =	sbr.rel $0x88, $3  }
0x1: {  	(tag) =	ssettag $0x0;
	lr =	simm.s32 $0x1  }
0x2: {  	[smem:$0x3F98] =	sst lr;
	_ =	strace $0xD0000000  }
0x3: {  	_ = 	snop  }
0x4: {  	_ = 	snop  }
0x5: {  	_ = 	snop  }
0x6: {  	_ = 	snop  }
0x7: {  	_ = 	snop  }
__scs_overlays_trampoline_lowered:
0x8: {  	[smem:$0x3FA7] =	sst s0  }
0x9: {  	[smem:$0x3FA8] =	sst s1  }
0xa: {  	[smem:$0x3FA9] =	sst s2  }
0xb: {  	[smem:$0x3FAA] =	sst s3  }
0xc: {  	[smem:$0x3FAB] =	sst s4  }
0xd: {  	[smem:$0x3FAC] =	sst s5  }
0xe: {  	[smem:$0x3FAD] =	sst s6  }
0xf: {  	[smem:$0x3FAE] =	sst s7  }
0x10: {  	[smem:$0x3FAF] =	sst s8  }
0x11: {  	[smem:$0x3FB0] =	sst s9;
	s0 =	simm.s32 @!p0 $0x0  }
0x12: {  	s1 =	sld [smem:$0x3F96];
	s0 =	simm.s32 @p0 $0x1  }
0x13: {  	[smem:$0x3FB1] =	sst s0;
	s0 =	simm.s32 @!p1 $0x0  }
0x14: {  	s2 =	sld [smem:$0x3F95];
	s0 =	simm.s32 @p1 $0x1  }
0x15: {  	[smem:$0x3FB2] =	sst s0;
	s0 =	simm.s32 @!p2 $0x0  }
0x16: {  	s3 =	sld [smem:$0x3FDB];
	s0 =	simm.s32 @p2 $0x1  }
0x17: {  	s4 =	simm.s32 $0x1BF5;
	[smem:$0x3FB4] =	sst s0  }
0x18: {  	s0 =	sld [smem:$0x3F97];
	_ =	swait.ge [sflag:s4], $0x0  }
0x19: {  	s7 =	sld [smem:$0x3F98]  }
0x1a: {  	s8 =	sadd.s32 $0xFFFFE003, lr  }
0x1b: {  	s9 =	sadd.s32 $0xFFFFFEF7, lr;
	s5 =	simm.s32 $0xFFFFFFFF;
	p2 =	slt.u32 s8, $0xFFFFF086  }
0x1c: {  	p1 =	slt.u32 s9, $0xF7A;
	s5 =	simm.s32 @!p2 $0x0  }
0x1d: {  	s5 =	simm.s32 @p1 $0x1;
	p0 =	seq.s32 s7, s2  }
0x1e: {  	s7 =	smul.u32 @!p0 $0xF7A, s2;
	p2 =	seq.s32 @!p0 s5, $0x0  }
0x1f: {  	s9 =	smul.u32 $0xF7A, s1;
	s8 =	simm.s32 @!p0 $0x1BF5;
	p2 =	por !p2, p0  }
0x20: {  	[sflag:s8] =	ssyncset.s32 @!p0 $0xFFFFF086;
	s6 =	sadd.s32 @!p0 s3, s7;
	s7 =	simm.s32 @!p0 $0x108  }
0x21: {  	s3 =	sadd.s32 s3, s9;
	s6 =	sadd.s32 @!p0 $0x88, s6;
	s7 =	simm.s32 @p2 $0x1082  }
0x22: {  	[simem:s7], [sflag:s8] =	dma.local @!p0 [hbm:s6], $0xF7A  }
0x23: {  	s9 =	sor.u32 $0xD0000000, s2;
	s6 =	simm.s32 $0x108;
	_ =	swait.ge @!p0 [sflag:s8], $0x0  }
0x24: {  	s3 =	sadd.s32 $0x88, s3;
	s6 =	simm.s32 @!p1 $0x1082;
	[sflag:s4] =	ssyncset.s32 $0xFFFFF086  }
0x25: {  	[simem:s6], [sflag:s4] =	dma.local [hbm:s3], $0xF7A  }
0x26: {  	[smem:$0x3F98] =	sst s1;
	(tag) =	ssettag s2;
	_ =	strace s9  }
0x27: {  	s1 =	sld [smem:$0x3FA8]  }
0x28: {  	s2 =	sld [smem:$0x3FA9]  }
0x29: {  	s4 =	sld [smem:$0x3FAB]  }
0x2a: {  	p0 =	seq.s32 s5, $0x0;
	s5 =	sld [smem:$0x3FAC]  }
0x2b: {  	s6 =	sld [smem:$0x3FAD]  }
0x2c: {  	s7 =	sld [smem:$0x3FAE]  }
0x2d: {  	s3 =	simm.s32 $0x108;
	s8 =	sld [smem:$0x3FAF]  }
0x2e: {  	s3 =	simm.s32 @!p0 $0x1082;
	s9 =	sld [smem:$0x3FB0]  }
0x2f: {  	lr =	sadd.s32 s0, s3;
	s0 =	sld [smem:$0x3FA7]  }
0x30: {  	s3 =	sld [smem:$0x3FAA]  }
0x31: {  	[smem:$0x3FB3] =	sst s10  }
0x32: {  	s10 =	sld [smem:$0x3FB1];
	_ =	sdelay $0x3  }
0x33: {  	p0 =	seq.s32 s10, $0x1;
	s10 =	sld [smem:$0x3FB3];
	_ =	sdelay $0x3  }
0x34: {  	[smem:$0x3FB3] =	sst s10  }
0x35: {  	s10 =	sld [smem:$0x3FB2];
	_ =	sdelay $0x3  }
0x36: {  	p1 =	seq.s32 s10, $0x1;
	s10 =	sld [smem:$0x3FB3];
	_ =	sdelay $0x3  }
0x37: {  	[smem:$0x3FB3] =	sst s10  }
0x38: {  	s10 =	sld [smem:$0x3FB4]  }
0x39: {  	_ = 	snop;
	(pc) =	sbr.ind lr, $3  }
0x3a: {  	_ = 	snop  }
0x3b: {  	_ = 	snop  }
0x3c: {  	p2 =	seq.s32 s10, $0x1;
	s10 =	sld [smem:$0x3FB3]  }
0x3d: {  	_ =	shalt  }
0x3e: {  	_ =	shalt  }
0x3f: {  	_ =	shalt  }
0x40: {  	_ =	shalt  }
0x41: {  	_ =	shalt  }
0x42: {  	_ =	shalt  }
0x43: {  	_ =	shalt  }
0x44: {  	_ =	shalt  }
0x45: {  	_ =	shalt  }
0x46: {  	_ =	shalt  }
0x47: {  	_ =	shalt  }
0x48: {  	_ =	shalt  }
0x49: {  	_ =	shalt  }
0x4a: {  	_ =	shalt  }
0x4b: {  	_ =	shalt  }
0x4c: {  	_ =	shalt  }
0x4d: {  	_ =	shalt  }
0x4e: {  	_ =	shalt  }
0x4f: {  	_ =	shalt  }
0x50: {  	_ =	shalt  }
0x51: {  	_ =	shalt  }
0x52: {  	_ =	shalt  }
0x53: {  	_ =	shalt  }
0x54: {  	_ =	shalt  }
0x55: {  	_ =	shalt  }
0x56: {  	_ =	shalt  }
0x57: {  	_ =	shalt  }
0x58: {  	_ =	shalt  }
0x59: {  	_ =	shalt  }
0x5a: {  	_ =	shalt  }
0x5b: {  	_ =	shalt  }
0x5c: {  	_ =	shalt  }
0x5d: {  	_ =	shalt  }
0x5e: {  	_ =	shalt  }
0x5f: {  	_ =	shalt  }
0x60: {  	_ =	shalt  }
0x61: {  	_ =	shalt  }
0x62: {  	_ =	shalt  }
0x63: {  	_ =	shalt  }
0x64: {  	_ =	shalt  }
0x65: {  	_ =	shalt  }
0x66: {  	_ =	shalt  }
0x67: {  	_ =	shalt  }
0x68: {  	_ =	shalt  }
0x69: {  	_ =	shalt  }
0x6a: {  	_ =	shalt  }
0x6b: {  	_ =	shalt  }
0x6c: {  	_ =	shalt  }
0x6d: {  	_ =	shalt  }
0x6e: {  	_ =	shalt  }
0x6f: {  	_ =	shalt  }
0x70: {  	_ =	shalt  }
0x71: {  	_ =	shalt  }
0x72: {  	_ =	shalt  }
0x73: {  	_ =	shalt  }
0x74: {  	_ =	shalt  }
0x75: {  	_ =	shalt  }
0x76: {  	_ =	shalt  }
0x77: {  	_ =	shalt  }
0x78: {  	_ =	shalt  }
0x79: {  	_ =	shalt  }
0x7a: {  	_ =	shalt  }
0x7b: {  	_ =	shalt  }
0x7c: {  	_ =	shalt  }
0x7d: {  	_ =	shalt  }
0x7e: {  	_ =	shalt  }
0x7f: {  	_ =	shalt  }
0x80: {  	_ =	shalt  }
0x81: {  	_ =	shalt  }
0x82: {  	_ =	shalt  }
0x83: {  	_ =	shalt  }
0x84: {  	_ =	shalt  }
0x85: {  	_ =	shalt  }
0x86: {  	_ =	shalt  }
0x87: {  	_ =	shalt  }
.Lfunc_end0:
.L_simem_size_0:
called_computation.2_lowered:
.L_overlay_start_0:
0x88: {  	s2 =	sld [smem:$0x3FD9]  }
0x89: {  	s3 =	sld [smem:$0x3FFE];
	_ =	sdelay $0x1  }
0x8a: {  	s1 =	srdreg.scid  }
0x8b: {  	s0 =	sand.u32 $0x1, s1  }
0x8c: {  	s16 =	sshll.u32 s0, $0xA;
	s2 =	sadd.s32 s3, s2  }
0x8d: {  	s2 =	sadd.s32 s2, s16  }
0x8e: {  	[smem:$0x3FBF] =	sst s2  }
0x8f: {  	_ = 	snop  }
0x90: {  	(tm) =	ssettm $0x1  }
0x91: {  	s17 =	sld [smem:$0x3FFB];
	_ =	sdelay $0x3  }
0x92: {  	_ =	strace s17  }
0x93: {  	s2 =	sld [smem:$0x3FFC];
	_ =	sdelay $0x3  }
0x94: {  	_ =	strace s2  }
0x95: {  	s2 =	sld [smem:$0x3FFD];
	_ =	sdelay $0x3  }
0x96: {  	_ =	strace s2  }
0x97: {  	_ =	strace $0x8FFFFFFF  }
0x98: {  	s18 =	sld [smem:$0x3FDB];
	_ =	sdelay $0x1  }
0x99: {  	s19 =	simm.s32 $_scs_section_size  }
0x9a: {  	s4 =	simm.s32 $_size__tile_overlayer_lowered;
	s5 =	simm.s32 $_tile_overlayer_lowered  }
0x9b: {  	s22 =	simm.s32 $0x1BFF;
	s21 =	sshll.u32 s5, $0x1;
	s2 =	sadd.s32 s19, s18  }
0x9c: {  	s6 =	simm.s32 $0x0;
	s20 =	sshll.u32 s4, $0x1;
	s4 =	sadd.s32 s21, s2  }
0x9d: {  	[timem:s6], [sflag:s22] =	dma.local [hbm:s4], s20  }
0x9e: {  	_ =	swait.ge [sflag:s22], s20  }
0x9f: {  	s3 =	ssub.s32 $0x0, s20;
	[sflag:s22] =	ssyncset.done $0x0  }
0xa0: {  	[sflag:s22] =	ssyncadd.s32 s3;
	_ =	sdelay $0x1  }
0xa1: {  	s23 =	simm.s32 $0x1B8B  }
0xa2: {  	_ =	swait.ge [sflag:s23], $0x1  }
0xa3: {  	[sflag:s23] =	ssyncset.done $0x0  }
0xa4: {  	s25 =	simm.s32 $0x1B8E;
	s24 =	sld [smem:$0x3FFE];
	[sflag:s23] =	ssyncadd.s32 $0xFFFFFFFF  }
0xa5: {  	s26 =	simm.s32 $execute0_lowered;
	[smem:$0x3FD2] =	sst s25  }
0xa6: {  	s4 =	sshll.u32 s26, $0x1;
	_ =	strace $0x8000004C;
	[dreg:$0x1] =	wrdreg $0xFFFFFFFF  }
0xa7: {  	s28 =	simm.s32 $_size_execute0_lowered;
	s2 =	sadd.s32 s2, s4;
	[dreg:$0x0] =	wrdreg $0x0  }
0xa8: {  	s4 =	sshll.u32 s28, $0x1;
	[dreg:$0x2] =	wrdreg s2  }
0xa9: {  	[dreg:$0x3] =	wrdreg s4  }
0xaa: {  	[dreg:$0x4] =	wrdreg $0xC0  }
0xab: {  	_ =	task [dreg:s6], $0x5FFFF  }
0xac: {  	[dreg:$0x1] =	wrdreg $0xFFFFFFFF  }
0xad: {  	[dreg:$0x0] =	wrdreg $0x60  }
0xae: {  	[dreg:$0x2] =	wrdreg s24  }
0xaf: {  	[dreg:$0x3] =	wrdreg $0xA8000  }
0xb0: {  	[dreg:$0x4] =	wrdreg $0x9  }
0xb1: {  	_ =	task.clear_ibuf [dreg:s6], $0x5FFFF;
	_ =	strace $0x9000004C  }
0xb2: {  	s29 =	simm.s32 $0x9;
	_ =	strace $0x8000004E  }
0xb3: {  	_ =	swait.ge [sflag:s29], $0x1  }
0xb4: {  	[sflag:s29] =	ssyncadd.s32 $0xFFFFFFFF  }
0xb5: {  	_ =	strace $0x9000004E  }
0xb6: {  	_ =	sfence  }
0xb7: {  	s30 =	sld [smem:$0x0];
	_ =	sdelay $0x2  }
0xb8: {  	s31 =	sshll.u32 s1, $0xD;
	s1 =	sshrl.u32 s1, $0x2  }
0xb9: {  	s3 =	sand.u32 $0x4000, s31;
	s1 =	sadd.s32 s1, s30  }
0xba: {  	s0 =	sor.u32 s3, s0;
	s1 =	sshll.u32 s1, $0x11  }
0xbb: {  	s0 =	sor.u32 s1, s0  }
0xbc: {  	s0 =	sadd.s32 $0x8F2B, s0  }
0xbd: {  	[sflag:s0] =	ssyncadd.remote.s32 $0x1  }
0xbe: {  	_ =	sfence.sel $0xFFFF  }
0xbf: {  	[dreg:$0x0] =	wrdreg $0xFFFFFFFF;
	(pc) =	sbr.abs _section_cstart, $3  }
0xc0: {  	[dreg:$0x1] =	wrdreg $0xFFFFFFFF  }
0xc1: {  	_ =	task.clear_ibuf [dreg:s6], $0x2FFFF;
	_ =	strace $0x9FFFFFFF  }
0xc2: {  	(tm) =	ssettm $0x7FFFFFFF  }
0xc3: {  	_ =	shalt  }
tec
execute0_lowered:
.L_overlay_start_1:
0x0: {  	(tag) =	ssettag $0x1  }
0x1: {  	s0 =	rddreg [dreg:$0x0]  }
0x2: {  	s2 =	rddreg [dreg:$0x1];
	s3 =	simm.s32 $0x0  }
0x3: {  	s1 =	srdreg.scid;
	s12 =	stileid.u32;
	s28 =	simm.s32 $0x6800  }
0x4: {  	s29 =	simm.s32 $0x1;
	s30 =	simm.s32 $0x2;
	s31 =	simm.s32 $0x3  }
0x5: {  	[smem:$0x7FF] =	sst s3;
	s1 =	sand.u32 $0x1, s1;
	s5 =	sshll.u32 s12, $0x1  }
0x6: {  	s4 =	sadd.s32 $0x65000, s0;
	s6 =	sadd.s32 $0xCE00, s0;
	s10 =	smul.u32 $0x4F000, s12  }
0x7: {  	s7 =	sadd.s32 $0x2A00, s0;
	s9 =	sadd.s32 $0x8C200, s0;
	s15 =	smul.u32 $0x13C00, s12  }
0x8: {  	s5 =	sor.u32 s1, s5;
	s19 =	ssub.s32 $0x2, s1;
	s1 =	smul.u32 $0x13C000, s1  }
0x9: {  	s0 =	sadd.s32 $0x8CA00, s0;
	_ =	strace $0x8000004D;
	s8 =	smul.u32 $0x280, s5  }
0xa: {  	[dreg:$0x3] =	wrdreg s9;
	s11 =	sshrl.u32 s19, $0x1;
	s14 =	smul.u32 $0x500, s5  }
0xb: {  	s21 =	sshrl.u32 s10, $0x2;
	s16 =	sadd.s32 $0x4000, s15;
	s5 =	smul.u32 $0x2800, s5  }
0xc: {  	s22 =	ssub.s32 s19, s11;
	s9 =	sadd.s32 s16, s2;
	s19 =	sadd.s32 $0x8000, s15  }
0xd: {  	s17 =	sadd.s32 s15, s1;
	s18 =	sadd.s32 s1, s16;
	s20 =	sadd.s32 s6, s8  }
0xe: {  	s8 =	sadd.s32 s7, s8;
	s10 =	sadd.s32 s19, s2;
	s13 =	sadd.s32 s6, s14  }
0xf: {  	s5 =	sshrl.u32 s5, $0x3;
	s14 =	sadd.s32 s7, s14;
	s23 =	sshrl.u32 s17, $0x3  }
0x10: {  	s24 =	sshrl.u32 s18, $0x3;
	s25 =	sadd.s32 s1, s19;
	[dreg:$0x4] =	wrdreg s20  }
0x11: {  	s22 =	smax.u32 s22, $0x1;
	[dreg:$0x5] =	wrdreg s8;
	s8 =	sadd.s32 s21, s2  }
0x12: {  	s20 =	sadd.s32 $0xC000, s15;
	s21 =	sadd.s32 $0x10000, s15;
	[dreg:$0x6] =	wrdreg s13  }
0x13: {  	s5 =	sadd.s32 $0x280, s5;
	s17 =	sadd.s32 s0, s23;
	s18 =	sadd.s32 s0, s24  }
0x14: {  	s23 =	simm.s32 $0x5;
	s24 =	simm.s32 $0x1400;
	s11 =	sadd.s32 s20, s2  }
0x15: {  	s12 =	sadd.s32 s21, s2;
	s15 =	sadd.s32 s6, s5;
	s16 =	sadd.s32 s7, s5  }
0x16: {  	s26 =	sadd.s32 s1, s20;
	s5 =	sshrl.u32 s25, $0x3;
	s1 =	sadd.s32 s1, s21  }
0x17: {  	s25 =	simm.s32 $0x2800;
	s6 =	sshrl.u32 s26, $0x3;
	s19 =	sadd.s32 s0, s5  }
0x18: {  	s1 =	sshrl.u32 s1, $0x3;
	s26 =	simm.s32 $0x80;
	s20 =	sadd.s32 s0, s6  }
0x19: {  	s21 =	sadd.s32 s0, s1;
	s0 =	simm.s32 $0x4;
	s1 =	simm.s32 $0x0  }
.LBB2_1:
0x1a: {  	s5 =	rddreg [dreg:$0x4]  }
0x1b: {  	[tilespmem:s3], [sflag:$0x5] =	stream.linear.gather [hbm4b:s5+s3], $0x1400, $0x38;
	[tilespmem:$0x1E400] =	vst v63  }
0x1c: {  	_ =	swait.ge [sflag:s23], $0x1400  }
0x1d: {  	[sflag:s23] =	ssyncset.done $0x0  }
0x1e: {  	s6 =	rddreg [dreg:$0x5];
	[sflag:s23] =	ssyncadd.s32 $0xFFFFEC00  }
0x1f: {  	[tilespmem:s24], [sflag:$0x5] =	stream.linear.gather [hbm4b:s6+s3], $0x1400, $0x38;
	[tilespmem:$0x1E400] =	vst v63  }
0x20: {  	_ =	swait.ge [sflag:s23], $0x1400  }
0x21: {  	[sflag:s23] =	ssyncset.done $0x0  }
0x22: {  	s7 =	rddreg [dreg:$0x3];
	[sflag:s23] =	ssyncadd.s32 $0xFFFFEC00  }
0x23: {  	[tilespmem:s25], [sflag:$0x5] =	stream.linear.gather [hbm4b:s7+s3], $0x4000, $0x38;
	[tilespmem:$0x1E400] =	vst v63  }
0x24: {  	_ =	swait.ge [sflag:s23], $0x4000  }
0x25: {  	[sflag:s23] =	ssyncset.done $0x0  }
0x26: {  	[sflag:s23] =	ssyncadd.s32 $0xFFFFC000  }
0x27: {  	[spmem:s8] =	stream.linear.scatter [tilespmem:s25], [sflag:$0x5], $0x4000, $0x38;
	[tilespmem:$0x1E400] =	vst v63  }
0x28: {  	_ =	swait.ge [sflag:s23], $0x4000  }
0x29: {  	[sflag:s23] =	ssyncset.done $0x0  }
0x2a: {  	[sflag:s23] =	ssyncadd.s32 $0xFFFFC000  }
0x2b: {  	[spmem:s9] =	stream.linear.scatter [tilespmem:s25], [sflag:$0x5], $0x4000, $0x38;
	[tilespmem:$0x1E400] =	vst v63  }
0x2c: {  	_ =	swait.ge [sflag:s23], $0x4000  }
0x2d: {  	[sflag:s23] =	ssyncset.done $0x0  }
0x2e: {  	[sflag:s23] =	ssyncadd.s32 $0xFFFFC000  }
0x2f: {  	[spmem:s10] =	stream.linear.scatter [tilespmem:s25], [sflag:$0x5], $0x4000, $0x38;
	[tilespmem:$0x1E400] =	vst v63  }
0x30: {  	_ =	swait.ge [sflag:s23], $0x4000  }
0x31: {  	[sflag:s23] =	ssyncset.done $0x0  }
0x32: {  	[sflag:s23] =	ssyncadd.s32 $0xFFFFC000  }
0x33: {  	[spmem:s11] =	stream.linear.scatter [tilespmem:s25], [sflag:$0x5], $0x4000, $0x38;
	[tilespmem:$0x1E400] =	vst v63  }
0x34: {  	_ =	swait.ge [sflag:s23], $0x4000  }
0x35: {  	[sflag:s23] =	ssyncset.done $0x0  }
0x36: {  	[sflag:s23] =	ssyncadd.s32 $0xFFFFC000  }
0x37: {  	[spmem:s12] =	stream.linear.scatter [tilespmem:s25], [sflag:$0x5], $0x3C00, $0x38;
	[tilespmem:$0x1E400] =	vst v63  }
0x38: {  	_ =	swait.ge [sflag:s23], $0x3C00  }
0x39: {  	[sflag:s23] =	ssyncset.done $0x0  }
0x3a: {  	[sflag:s23] =	ssyncadd.s32 $0xFFFFC400  }
0x3b: {  	[bflag:$0x0] =	sbarrier.arrive $0xFFFF  }
0x3c: {  	s13 =	rddreg [dreg:$0x6]  }
0x3d: {  	[tilespmem:s3], [sflag:$0x5] =	stream.linear.gather [hbm4b:s13+s3], $0x1400, $0x38;
	[tilespmem:$0x1E400] =	vst v63  }
0x3e: {  	_ =	swait.ge [sflag:s23], $0x1400  }
0x3f: {  	[sflag:s23] =	ssyncset.done $0x0  }
0x40: {  	[sflag:s23] =	ssyncadd.s32 $0xFFFFEC00  }
0x41: {  	[tilespmem:s24], [sflag:$0x5] =	stream.linear.gather [hbm4b:s14+s3], $0x1400, $0x38;
	[tilespmem:$0x1E400] =	vst v63  }
0x42: {  	_ =	swait.ge [sflag:s23], $0x1400  }
0x43: {  	[sflag:s23] =	ssyncset.done $0x0  }
0x44: {  	[sflag:s23] =	ssyncadd.s32 $0xFFFFEC00  }
0x45: {  	[tilespmem:s25], [sflag:$0x1] =	stream.indirect.gather [hbm4b:s4+s26], $0x80, s3, s26, $0xb8;
	[tilespmem:$0x1E400] =	vst v63  }
0x46: {  	_ = 	snop  }
0x47: {  	[tilespmem:s28], [sflag:$0x2] =	stream.indirect.gather [hbm4b:s4+s26], $0x80, s26, s26, $0xb8;
	[tilespmem:$0x1E400] =	vst v63  }
0x48: {  	_ =	swait.ge [sflag:s29], $0x4000  }
0x49: {  	[sflag:s29] =	ssyncset.done $0x0  }
0x4a: {  	s6 =	simm.s32 $0x1400;
	[sflag:s29] =	ssyncadd.s32 $0xFFFFC000  }
0x4b: {  	[spmem:s2] =	stream.indirect.scatter.add.f32 [tilespmem:s25], [sflag:$0x3], $0x80, s6, s26, $0xb8;
	[tilespmem:$0x1E400] =	vst v63  }
0x4c: {  	_ =	swait.ge [sflag:s30], $0x4000  }
0x4d: {  	[sflag:s30] =	ssyncset.done $0x0  }
0x4e: {  	s7 =	simm.s32 $0x1480;
	[sflag:s30] =	ssyncadd.s32 $0xFFFFC000  }
0x4f: {  	[spmem:s2] =	stream.indirect.scatter.add.f32 [tilespmem:s28], [sflag:$0x4], $0x80, s7, s26, $0xb8;
	[tilespmem:$0x1E400] =	vst v63  }
0x50: {  	s13 =	smin.u32 s3, $0x24;
	_ =	swait.ge [sflag:s31], $0x4000  }
0x51: {  	s6 =	sshll.u32 s13, $0x7;
	[sflag:s31] =	ssyncset.done $0x0  }
0x52: {  	s5 =	sadd.s32 $0x100, s6;
	[sflag:s31] =	ssyncadd.s32 $0xFFFFC000  }
0x53: {  	[tilespmem:s25], [sflag:$0x1] =	stream.indirect.gather [hbm4b:s4+s26], $0x80, s5, s26, $0xb8;
	[tilespmem:$0x1E400] =	vst v63  }
0x54: {  	_ =	swait.ge [sflag:s0], $0x4000  }
0x55: {  	s7 =	sadd.s32 $0x180, s6;
	[sflag:s0] =	ssyncset.done $0x0  }
0x56: {  	s6 =	simm.s32 $0x1580;
	s5 =	simm.s32 $0x2;
	[sflag:s0] =	ssyncadd.s32 $0xFFFFC000  }
.LBB2_2:
0x57: {  	[tilespmem:s28], [sflag:$0x2] =	stream.indirect.gather [hbm4b:s4+s26], $0x80, s7, s26, $0xb8;
	[tilespmem:$0x1E400] =	vst v63  }
0x58: {  	s7 =	smov.u32 s5  }
0x59: {  	p0 =	sne.s32 s5, $0x26;
	s5 =	sadd.s32 $0x2, s5;
	_ =	swait.ge [sflag:s29], $0x4000  }
0x5a: {  	[sflag:s29] =	ssyncset.done $0x0  }
0x5b: {  	s13 =	sadd.s32 $0xFFFFFF80, s6;
	[sflag:s29] =	ssyncadd.s32 $0xFFFFC000  }
0x5c: {  	[spmem:s2] =	stream.indirect.scatter.add.f32 [tilespmem:s25], [sflag:$0x3], $0x80, s13, s26, $0xb8;
	[tilespmem:$0x1E400] =	vst v63  }
0x5d: {  	_ =	swait.ge [sflag:s30], $0x4000  }
0x5e: {  	[sflag:s30] =	ssyncset.done $0x0  }
0x5f: {  	[sflag:s30] =	ssyncadd.s32 $0xFFFFC000  }
0x60: {  	[spmem:s2] =	stream.indirect.scatter.add.f32 [tilespmem:s28], [sflag:$0x4], $0x80, s6, s26, $0xb8;
	[tilespmem:$0x1E400] =	vst v63  }
0x61: {  	s7 =	smin.u32 s7, $0x24;
	_ =	swait.ge [sflag:s31], $0x4000  }
0x62: {  	s7 =	sshll.u32 s7, $0x7;
	[sflag:s31] =	ssyncset.done $0x0  }
.Ltmp0:
0x63: {  	s13 =	sadd.s32 $0x100, s7;
	[sflag:s31] =	ssyncadd.s32 $0xFFFFC000;
	(pc) =	sbr.rel @p0 .LBB2_2-.Ltmp0, $4  }
0x64: {  	[tilespmem:s25], [sflag:$0x1] =	stream.indirect.gather [hbm4b:s4+s26], $0x80, s13, s26, $0xb8;
	[tilespmem:$0x1E400] =	vst v63  }
0x65: {  	_ =	swait.ge [sflag:s0], $0x4000  }
0x66: {  	[sflag:s0] =	ssyncset.done $0x0  }
0x67: {  	s7 =	sadd.s32 $0x180, s7;
	s6 =	sadd.s32 $0x100, s6;
	[sflag:s0] =	ssyncadd.s32 $0xFFFFC000  }
0x68: {  	[tilespmem:s28], [sflag:$0x2] =	stream.indirect.gather [hbm4b:s4+s26], $0x80, s7, s26, $0xb8;
	[tilespmem:$0x1E400] =	vst v63  }
0x69: {  	_ =	swait.ge [sflag:s29], $0x4000  }
0x6a: {  	[sflag:s29] =	ssyncset.done $0x0  }
0x6b: {  	[sflag:s29] =	ssyncadd.s32 $0xFFFFC000  }
0x6c: {  	_ =	swait.ge [sflag:s30], $0x4000  }
0x6d: {  	[sflag:s30] =	ssyncset.done $0x0  }
0x6e: {  	s5 =	simm.s32 $0x0;
	[sflag:s30] =	ssyncadd.s32 $0xFFFFC000  }
0x6f: {  	[tilespmem:s5], [sflag:$0x5] =	stream.linear.gather [hbm4b:s15+s5], $0x1400, $0x38;
	[tilespmem:$0x1E400] =	vst v63  }
0x70: {  	_ =	swait.ge [sflag:s23], $0x1400  }
0x71: {  	[sflag:s23] =	ssyncset.done $0x0  }
0x72: {  	[sflag:s23] =	ssyncadd.s32 $0xFFFFEC00  }
0x73: {  	[tilespmem:s24], [sflag:$0x5] =	stream.linear.gather [hbm4b:s16+s5], $0x1400, $0x38;
	[tilespmem:$0x1E400] =	vst v63  }
0x74: {  	_ =	swait.ge [sflag:s23], $0x1400  }
0x75: {  	[sflag:s23] =	ssyncset.done $0x0  }
0x76: {  	[sflag:s23] =	ssyncadd.s32 $0xFFFFEC00  }
0x77: {  	[tilespmem:s25], [sflag:$0x1] =	stream.indirect.gather [hbm4b:s4+s26], $0x80, s5, s26, $0xb8;
	[tilespmem:$0x1E400] =	vst v63  }
0x78: {  	_ = 	snop  }
0x79: {  	[tilespmem:s28], [sflag:$0x2] =	stream.indirect.gather [hbm4b:s4+s26], $0x80, s26, s26, $0xb8;
	[tilespmem:$0x1E400] =	vst v63  }
0x7a: {  	_ =	swait.ge [sflag:s29], $0x4000  }
0x7b: {  	[sflag:s29] =	ssyncset.done $0x0  }
0x7c: {  	s6 =	simm.s32 $0x1400;
	[sflag:s29] =	ssyncadd.s32 $0xFFFFC000  }
0x7d: {  	[spmem:s2] =	stream.indirect.scatter.add.f32 [tilespmem:s25], [sflag:$0x3], $0x80, s6, s26, $0xb8;
	[tilespmem:$0x1E400] =	vst v63  }
0x7e: {  	_ =	swait.ge [sflag:s30], $0x4000  }
0x7f: {  	[sflag:s30] =	ssyncset.done $0x0  }
0x80: {  	s7 =	simm.s32 $0x1480;
	[sflag:s30] =	ssyncadd.s32 $0xFFFFC000  }
0x81: {  	[spmem:s2] =	stream.indirect.scatter.add.f32 [tilespmem:s28], [sflag:$0x4], $0x80, s7, s26, $0xb8;
	[tilespmem:$0x1E400] =	vst v63  }
0x82: {  	s5 =	smin.u32 s5, $0x24;
	_ =	swait.ge [sflag:s31], $0x4000  }
0x83: {  	s13 =	sshll.u32 s5, $0x7;
	[sflag:s31] =	ssyncset.done $0x0  }
0x84: {  	s5 =	sadd.s32 $0x100, s13;
	[sflag:s31] =	ssyncadd.s32 $0xFFFFC000  }
0x85: {  	[tilespmem:s25], [sflag:$0x1] =	stream.indirect.gather [hbm4b:s4+s26], $0x80, s5, s26, $0xb8;
	[tilespmem:$0x1E400] =	vst v63  }
0x86: {  	_ =	swait.ge [sflag:s0], $0x4000  }
0x87: {  	s6 =	simm.s32 $0x1580;
	[sflag:s0] =	ssyncset.done $0x0  }
0x88: {  	s7 =	sadd.s32 $0x180, s13;
	s5 =	simm.s32 $0x2;
	[sflag:s0] =	ssyncadd.s32 $0xFFFFC000  }
.LBB2_4:
0x89: {  	[tilespmem:s28], [sflag:$0x2] =	stream.indirect.gather [hbm4b:s4+s26], $0x80, s7, s26, $0xb8;
	[tilespmem:$0x1E400] =	vst v63  }
0x8a: {  	s7 =	smov.u32 s5  }
0x8b: {  	p0 =	sne.s32 s5, $0x26;
	s5 =	sadd.s32 $0x2, s5;
	_ =	swait.ge [sflag:s29], $0x4000  }
0x8c: {  	[sflag:s29] =	ssyncset.done $0x0  }
0x8d: {  	s13 =	sadd.s32 $0xFFFFFF80, s6;
	[sflag:s29] =	ssyncadd.s32 $0xFFFFC000  }
0x8e: {  	[spmem:s2] =	stream.indirect.scatter.add.f32 [tilespmem:s25], [sflag:$0x3], $0x80, s13, s26, $0xb8;
	[tilespmem:$0x1E400] =	vst v63  }
0x8f: {  	_ =	swait.ge [sflag:s30], $0x4000  }
0x90: {  	[sflag:s30] =	ssyncset.done $0x0  }
0x91: {  	[sflag:s30] =	ssyncadd.s32 $0xFFFFC000  }
0x92: {  	[spmem:s2] =	stream.indirect.scatter.add.f32 [tilespmem:s28], [sflag:$0x4], $0x80, s6, s26, $0xb8;
	[tilespmem:$0x1E400] =	vst v63  }
0x93: {  	s7 =	smin.u32 s7, $0x24;
	_ =	swait.ge [sflag:s31], $0x4000  }
0x94: {  	s7 =	sshll.u32 s7, $0x7;
	[sflag:s31] =	ssyncset.done $0x0  }
.Ltmp1:
0x95: {  	s13 =	sadd.s32 $0x100, s7;
	[sflag:s31] =	ssyncadd.s32 $0xFFFFC000;
	(pc) =	sbr.rel @p0 .LBB2_4-.Ltmp1, $4  }
0x96: {  	[tilespmem:s25], [sflag:$0x1] =	stream.indirect.gather [hbm4b:s4+s26], $0x80, s13, s26, $0xb8;
	[tilespmem:$0x1E400] =	vst v63  }
0x97: {  	_ =	swait.ge [sflag:s0], $0x4000  }
0x98: {  	[sflag:s0] =	ssyncset.done $0x0  }
0x99: {  	s7 =	sadd.s32 $0x180, s7;
	s6 =	sadd.s32 $0x100, s6;
	[sflag:s0] =	ssyncadd.s32 $0xFFFFC000  }
0x9a: {  	[tilespmem:s28], [sflag:$0x2] =	stream.indirect.gather [hbm4b:s4+s26], $0x80, s7, s26, $0xb8;
	[tilespmem:$0x1E400] =	vst v63  }
0x9b: {  	_ =	swait.ge [sflag:s29], $0x4000  }
0x9c: {  	[sflag:s29] =	ssyncset.done $0x0  }
0x9d: {  	[sflag:s29] =	ssyncadd.s32 $0xFFFFC000  }
0x9e: {  	_ =	swait.ge [sflag:s30], $0x4000  }
0x9f: {  	[sflag:s30] =	ssyncset.done $0x0  }
0xa0: {  	[sflag:s30] =	ssyncadd.s32 $0xFFFFC000  }
0xa1: {  	[bflag:$0x0] =	sbarrier.arrive $0xFFFF  }
0xa2: {  	[tilespmem:s25], [sflag:$0x5] =	stream.linear.gather [spmem:s8], $0x4000, $0x38;
	[tilespmem:$0x1E400] =	vst v63  }
0xa3: {  	_ =	swait.ge [sflag:s23], $0x4000  }
0xa4: {  	[sflag:s23] =	ssyncset.done $0x0  }
0xa5: {  	[sflag:s23] =	ssyncadd.s32 $0xFFFFC000  }
0xa6: {  	[hbm4b:s17+s3] =	stream.linear.scatter [tilespmem:s25], [sflag:$0x5], $0x4000, $0x38;
	[tilespmem:$0x1E400] =	vst v63  }
0xa7: {  	_ =	swait.ge [sflag:s23], $0x4000  }
0xa8: {  	[sflag:s23] =	ssyncset.done $0x0  }
0xa9: {  	[sflag:s23] =	ssyncadd.s32 $0xFFFFC000  }
0xaa: {  	[tilespmem:s25], [sflag:$0x5] =	stream.linear.gather [spmem:s9], $0x4000, $0x38;
	[tilespmem:$0x1E400] =	vst v63  }
0xab: {  	_ =	swait.ge [sflag:s23], $0x4000  }
0xac: {  	[sflag:s23] =	ssyncset.done $0x0  }
0xad: {  	[sflag:s23] =	ssyncadd.s32 $0xFFFFC000  }
0xae: {  	[hbm4b:s18+s3] =	stream.linear.scatter [tilespmem:s25], [sflag:$0x5], $0x4000, $0x38;
	[tilespmem:$0x1E400] =	vst v63  }
0xaf: {  	_ =	swait.ge [sflag:s23], $0x4000  }
0xb0: {  	[sflag:s23] =	ssyncset.done $0x0  }
0xb1: {  	[sflag:s23] =	ssyncadd.s32 $0xFFFFC000  }
0xb2: {  	[tilespmem:s25], [sflag:$0x5] =	stream.linear.gather [spmem:s10], $0x4000, $0x38;
	[tilespmem:$0x1E400] =	vst v63  }
0xb3: {  	_ =	swait.ge [sflag:s23], $0x4000  }
0xb4: {  	[sflag:s23] =	ssyncset.done $0x0  }
0xb5: {  	[sflag:s23] =	ssyncadd.s32 $0xFFFFC000  }
0xb6: {  	[hbm4b:s19+s3] =	stream.linear.scatter [tilespmem:s25], [sflag:$0x5], $0x4000, $0x38;
	[tilespmem:$0x1E400] =	vst v63  }
0xb7: {  	_ =	swait.ge [sflag:s23], $0x4000  }
0xb8: {  	[sflag:s23] =	ssyncset.done $0x0  }
0xb9: {  	[sflag:s23] =	ssyncadd.s32 $0xFFFFC000  }
0xba: {  	[tilespmem:s25], [sflag:$0x5] =	stream.linear.gather [spmem:s11], $0x4000, $0x38;
	[tilespmem:$0x1E400] =	vst v63  }
0xbb: {  	_ =	swait.ge [sflag:s23], $0x4000  }
0xbc: {  	[sflag:s23] =	ssyncset.done $0x0  }
0xbd: {  	[sflag:s23] =	ssyncadd.s32 $0xFFFFC000  }
0xbe: {  	[hbm4b:s20+s3] =	stream.linear.scatter [tilespmem:s25], [sflag:$0x5], $0x4000, $0x38;
	[tilespmem:$0x1E400] =	vst v63  }
0xbf: {  	_ =	swait.ge [sflag:s23], $0x4000  }
0xc0: {  	[sflag:s23] =	ssyncset.done $0x0  }
0xc1: {  	[sflag:s23] =	ssyncadd.s32 $0xFFFFC000  }
0xc2: {  	[tilespmem:s25], [sflag:$0x5] =	stream.linear.gather [spmem:s12], $0x3C00, $0x38;
	[tilespmem:$0x1E400] =	vst v63  }
0xc3: {  	s1 =	sadd.s32 $0x1, s1;
	_ =	swait.ge [sflag:s23], $0x3C00  }
0xc4: {  	p0 =	sne.s32 s1, s22;
	[sflag:s23] =	ssyncset.done $0x0  }
.Ltmp2:
0xc5: {  	[sflag:s23] =	ssyncadd.s32 $0xFFFFC400;
	(pc) =	sbr.rel @p0 .LBB2_1-.Ltmp2, $4  }
0xc6: {  	[hbm4b:s21+s3] =	stream.linear.scatter [tilespmem:s25], [sflag:$0x5], $0x3C00, $0x38;
	[tilespmem:$0x1E400] =	vst v63  }
0xc7: {  	_ =	swait.ge [sflag:s23], $0x3C00  }
0xc8: {  	[sflag:s23] =	ssyncset.done $0x0  }
0xc9: {  	[sflag:s23] =	ssyncadd.s32 $0xFFFFC400  }
0xca: {  	_ =	sfence.sel $0x180000  }
0xcb: {  	[bflag:$0x0] =	sbarrier.arrive $0xFFFF  }
0xcc: {  	_ =	strace $0x9000004D  }
0xcd: {  	s0 =	stileid.u32;
	[bflag:$0x2] =	sbarrier.arrive $0xFFFF  }
0xce: {  	p0 =	sne.s32 s0, $0x0;
	s0 =	rddreg [dreg:$0x2]  }
0xcf: {  	s0 =	sadd.s32 @!p0 $0x100000, s0  }
0xd0: {  	[sflag:s0] =	ssyncadd.tile.s32 @!p0 $0x1;
	_ =	shalt  }
.Lfunc_end2:
_tile_overlayer_lowered:
.L_overlay_start_2:
0xd1: {  	(tag) =	ssettag $0x2  }
0xd2: {  	s0 =	rddreg [dreg:$0x0];
	s2 =	stileid.u32  }
0xd3: {  	s1 =	rddreg [dreg:$0x1];
	p0 =	sne.s32 s2, $0x0  }
0xd4: {  	s3 =	rddreg [dreg:$0x2];
	[bflag:$0x3] =	sbarrier.arrive $0xFFFF;
	s2 =	simm.s32 @!p0 $0x1C05  }
0xd5: {  	[timem:s3], [sflag:s2] =	dma.local @!p0 [hbm:s0], s1  }
0xd6: {  	s0 =	simm.s32 @!p0 $0x5  }
0xd7: {  	_ =	swait.ge @!p0 [sflag:s0], s1  }
0xd8: {  	s1 =	ssub.s32 @!p0 $0x0, s1;
	[sflag:s0] =	ssyncset.done @!p0 $0x0  }
0xd9: {  	[sflag:s0] =	ssyncadd.s32 @!p0 s1  }
0xda: {  	[bflag:$0x3] =	sbarrier.arrive $0xFFFF  }
0xdb: {  	_ =	shalt  }

// kernel: kernel.18.cloned.1.call-start
scs
__scs_entry_jumppad:
0x0: {  	(pc) =	sbr.rel $0x88, $3  }
0x1: {  	(tag) =	ssettag $0x0;
	lr =	simm.s32 $0x1  }
0x2: {  	[smem:$0x3F98] =	sst lr;
	_ =	strace $0xD0000000  }
0x3: {  	_ = 	snop  }
0x4: {  	_ = 	snop  }
0x5: {  	_ = 	snop  }
0x6: {  	_ = 	snop  }
0x7: {  	_ = 	snop  }
__scs_overlays_trampoline_lowered:
0x8: {  	[smem:$0x3FA7] =	sst s0  }
0x9: {  	[smem:$0x3FA8] =	sst s1  }
0xa: {  	[smem:$0x3FA9] =	sst s2  }
0xb: {  	[smem:$0x3FAA] =	sst s3  }
0xc: {  	[smem:$0x3FAB] =	sst s4  }
0xd: {  	[smem:$0x3FAC] =	sst s5  }
0xe: {  	[smem:$0x3FAD] =	sst s6  }
0xf: {  	[smem:$0x3FAE] =	sst s7  }
0x10: {  	[smem:$0x3FAF] =	sst s8  }
0x11: {  	[smem:$0x3FB0] =	sst s9;
	s0 =	simm.s32 @!p0 $0x0  }
0x12: {  	s1 =	sld [smem:$0x3F96];
	s0 =	simm.s32 @p0 $0x1  }
0x13: {  	[smem:$0x3FB1] =	sst s0;
	s0 =	simm.s32 @!p1 $0x0  }
0x14: {  	s2 =	sld [smem:$0x3F95];
	s0 =	simm.s32 @p1 $0x1  }
0x15: {  	[smem:$0x3FB2] =	sst s0;
	s0 =	simm.s32 @!p2 $0x0  }
0x16: {  	s3 =	sld [smem:$0x3FDB];
	s0 =	simm.s32 @p2 $0x1  }
0x17: {  	s4 =	simm.s32 $0x1BF5;
	[smem:$0x3FB4] =	sst s0  }
0x18: {  	s0 =	sld [smem:$0x3F97];
	_ =	swait.ge [sflag:s4], $0x0  }
0x19: {  	s7 =	sld [smem:$0x3F98]  }
0x1a: {  	s8 =	sadd.s32 $0xFFFFE003, lr  }
0x1b: {  	s9 =	sadd.s32 $0xFFFFFEF7, lr;
	s5 =	simm.s32 $0xFFFFFFFF;
	p2 =	slt.u32 s8, $0xFFFFF086  }
0x1c: {  	p1 =	slt.u32 s9, $0xF7A;
	s5 =	simm.s32 @!p2 $0x0  }
0x1d: {  	s5 =	simm.s32 @p1 $0x1;
	p0 =	seq.s32 s7, s2  }
0x1e: {  	s7 =	smul.u32 @!p0 $0xF7A, s2;
	p2 =	seq.s32 @!p0 s5, $0x0  }
0x1f: {  	s9 =	smul.u32 $0xF7A, s1;
	s8 =	simm.s32 @!p0 $0x1BF5;
	p2 =	por !p2, p0  }
0x20: {  	[sflag:s8] =	ssyncset.s32 @!p0 $0xFFFFF086;
	s6 =	sadd.s32 @!p0 s3, s7;
	s7 =	simm.s32 @!p0 $0x108  }
0x21: {  	s3 =	sadd.s32 s3, s9;
	s6 =	sadd.s32 @!p0 $0x88, s6;
	s7 =	simm.s32 @p2 $0x1082  }
0x22: {  	[simem:s7], [sflag:s8] =	dma.local @!p0 [hbm:s6], $0xF7A  }
0x23: {  	s9 =	sor.u32 $0xD0000000, s2;
	s6 =	simm.s32 $0x108;
	_ =	swait.ge @!p0 [sflag:s8], $0x0  }
0x24: {  	s3 =	sadd.s32 $0x88, s3;
	s6 =	simm.s32 @!p1 $0x1082;
	[sflag:s4] =	ssyncset.s32 $0xFFFFF086  }
0x25: {  	[simem:s6], [sflag:s4] =	dma.local [hbm:s3], $0xF7A  }
0x26: {  	[smem:$0x3F98] =	sst s1;
	(tag) =	ssettag s2;
	_ =	strace s9  }
0x27: {  	s1 =	sld [smem:$0x3FA8]  }
0x28: {  	s2 =	sld [smem:$0x3FA9]  }
0x29: {  	s4 =	sld [smem:$0x3FAB]  }
0x2a: {  	p0 =	seq.s32 s5, $0x0;
	s5 =	sld [smem:$0x3FAC]  }
0x2b: {  	s6 =	sld [smem:$0x3FAD]  }
0x2c: {  	s7 =	sld [smem:$0x3FAE]  }
0x2d: {  	s3 =	simm.s32 $0x108;
	s8 =	sld [smem:$0x3FAF]  }
0x2e: {  	s3 =	simm.s32 @!p0 $0x1082;
	s9 =	sld [smem:$0x3FB0]  }
0x2f: {  	lr =	sadd.s32 s0, s3;
	s0 =	sld [smem:$0x3FA7]  }
0x30: {  	s3 =	sld [smem:$0x3FAA]  }
0x31: {  	[smem:$0x3FB3] =	sst s10  }
0x32: {  	s10 =	sld [smem:$0x3FB1];
	_ =	sdelay $0x3  }
0x33: {  	p0 =	seq.s32 s10, $0x1;
	s10 =	sld [smem:$0x3FB3];
	_ =	sdelay $0x3  }
0x34: {  	[smem:$0x3FB3] =	sst s10  }
0x35: {  	s10 =	sld [smem:$0x3FB2];
	_ =	sdelay $0x3  }
0x36: {  	p1 =	seq.s32 s10, $0x1;
	s10 =	sld [smem:$0x3FB3];
	_ =	sdelay $0x3  }
0x37: {  	[smem:$0x3FB3] =	sst s10  }
0x38: {  	s10 =	sld [smem:$0x3FB4]  }
0x39: {  	_ = 	snop;
	(pc) =	sbr.ind lr, $3  }
0x3a: {  	_ = 	snop  }
0x3b: {  	_ = 	snop  }
0x3c: {  	p2 =	seq.s32 s10, $0x1;
	s10 =	sld [smem:$0x3FB3]  }
0x3d: {  	_ =	shalt  }
0x3e: {  	_ =	shalt  }
0x3f: {  	_ =	shalt  }
0x40: {  	_ =	shalt  }
0x41: {  	_ =	shalt  }
0x42: {  	_ =	shalt  }
0x43: {  	_ =	shalt  }
0x44: {  	_ =	shalt  }
0x45: {  	_ =	shalt  }
0x46: {  	_ =	shalt  }
0x47: {  	_ =	shalt  }
0x48: {  	_ =	shalt  }
0x49: {  	_ =	shalt  }
0x4a: {  	_ =	shalt  }
0x4b: {  	_ =	shalt  }
0x4c: {  	_ =	shalt  }
0x4d: {  	_ =	shalt  }
0x4e: {  	_ =	shalt  }
0x4f: {  	_ =	shalt  }
0x50: {  	_ =	shalt  }
0x51: {  	_ =	shalt  }
0x52: {  	_ =	shalt  }
0x53: {  	_ =	shalt  }
0x54: {  	_ =	shalt  }
0x55: {  	_ =	shalt  }
0x56: {  	_ =	shalt  }
0x57: {  	_ =	shalt  }
0x58: {  	_ =	shalt  }
0x59: {  	_ =	shalt  }
0x5a: {  	_ =	shalt  }
0x5b: {  	_ =	shalt  }
0x5c: {  	_ =	shalt  }
0x5d: {  	_ =	shalt  }
0x5e: {  	_ =	shalt  }
0x5f: {  	_ =	shalt  }
0x60: {  	_ =	shalt  }
0x61: {  	_ =	shalt  }
0x62: {  	_ =	shalt  }
0x63: {  	_ =	shalt  }
0x64: {  	_ =	shalt  }
0x65: {  	_ =	shalt  }
0x66: {  	_ =	shalt  }
0x67: {  	_ =	shalt  }
0x68: {  	_ =	shalt  }
0x69: {  	_ =	shalt  }
0x6a: {  	_ =	shalt  }
0x6b: {  	_ =	shalt  }
0x6c: {  	_ =	shalt  }
0x6d: {  	_ =	shalt  }
0x6e: {  	_ =	shalt  }
0x6f: {  	_ =	shalt  }
0x70: {  	_ =	shalt  }
0x71: {  	_ =	shalt  }
0x72: {  	_ =	shalt  }
0x73: {  	_ =	shalt  }
0x74: {  	_ =	shalt  }
0x75: {  	_ =	shalt  }
0x76: {  	_ =	shalt  }
0x77: {  	_ =	shalt  }
0x78: {  	_ =	shalt  }
0x79: {  	_ =	shalt  }
0x7a: {  	_ =	shalt  }
0x7b: {  	_ =	shalt  }
0x7c: {  	_ =	shalt  }
0x7d: {  	_ =	shalt  }
0x7e: {  	_ =	shalt  }
0x7f: {  	_ =	shalt  }
0x80: {  	_ =	shalt  }
0x81: {  	_ =	shalt  }
0x82: {  	_ =	shalt  }
0x83: {  	_ =	shalt  }
0x84: {  	_ =	shalt  }
0x85: {  	_ =	shalt  }
0x86: {  	_ =	shalt  }
0x87: {  	_ =	shalt  }
.Lfunc_end0:
.L_simem_size_0:
called_computation.3_lowered:
.L_overlay_start_0:
0x88: {  	s2 =	sld [smem:$0x3FD9]  }
0x89: {  	s3 =	sld [smem:$0x3FFE];
	_ =	sdelay $0x1  }
0x8a: {  	s1 =	srdreg.scid  }
0x8b: {  	s0 =	sand.u32 $0x1, s1  }
0x8c: {  	s17 =	sshll.u32 s0, $0xA;
	s2 =	sadd.s32 s3, s2  }
0x8d: {  	s2 =	sadd.s32 s2, s17  }
0x8e: {  	[smem:$0x3FBF] =	sst s2  }
0x8f: {  	_ = 	snop  }
0x90: {  	s2 =	sld [smem:$0x3FD0];
	(tm) =	ssettm $0x1  }
0x91: {  	s18 =	sld [smem:$0x3FFB];
	_ =	sdelay $0x3  }
0x92: {  	_ =	strace s18  }
0x93: {  	s3 =	sld [smem:$0x3FFC];
	_ =	sdelay $0x3  }
0x94: {  	_ =	strace s3  }
0x95: {  	s3 =	sld [smem:$0x3FFD];
	_ =	sdelay $0x3  }
0x96: {  	_ =	strace s3  }
0x97: {  	_ =	strace $0x8FFFFFFF  }
0x98: {  	s19 =	sld [smem:$0x3FDB];
	_ =	sdelay $0x1  }
0x99: {  	s4 =	simm.s32 $_scs_section_size  }
0x9a: {  	s5 =	simm.s32 $_size__tile_overlayer_lowered;
	s6 =	simm.s32 $_tile_overlayer_lowered  }
0x9b: {  	s22 =	simm.s32 $0x1BFF;
	s21 =	sshll.u32 s6, $0x1;
	s3 =	sadd.s32 s4, s19  }
0x9c: {  	s7 =	simm.s32 $0x0;
	s20 =	sshll.u32 s5, $0x1;
	s5 =	sadd.s32 s21, s3  }
0x9d: {  	[timem:s7], [sflag:s22] =	dma.local [hbm:s5], s20  }
0x9e: {  	_ =	swait.ge [sflag:s22], s20  }
0x9f: {  	s4 =	ssub.s32 $0x0, s20;
	[sflag:s22] =	ssyncset.done $0x0  }
0xa0: {  	[sflag:s22] =	ssyncadd.s32 s4;
	_ =	sdelay $0x1  }
0xa1: {  	s23 =	simm.s32 $0x1B8B  }
0xa2: {  	_ =	swait.ge [sflag:s23], $0x1  }
0xa3: {  	[sflag:s23] =	ssyncset.done $0x0  }
0xa4: {  	s25 =	simm.s32 $0x1B8E;
	s24 =	sld [smem:$0x3FFE];
	[sflag:s23] =	ssyncadd.s32 $0xFFFFFFFF  }
0xa5: {  	s26 =	simm.s32 $execute0_lowered;
	[smem:$0x3FD2] =	sst s25  }
0xa6: {  	s5 =	sshll.u32 s26, $0x1;
	_ =	strace $0x8000004F;
	[dreg:$0x1] =	wrdreg $0xFFFFFFFF  }
0xa7: {  	s28 =	simm.s32 $_size_execute0_lowered;
	s3 =	sadd.s32 s3, s5;
	[dreg:$0x0] =	wrdreg $0x0  }
0xa8: {  	s5 =	sshll.u32 s28, $0x1;
	[dreg:$0x2] =	wrdreg s3  }
0xa9: {  	[dreg:$0x3] =	wrdreg s5  }
0xaa: {  	[dreg:$0x4] =	wrdreg $0xC0  }
0xab: {  	_ =	task [dreg:s7], $0x5FFFF  }
0xac: {  	[dreg:$0x1] =	wrdreg $0xFFFFFFFF  }
0xad: {  	[dreg:$0x0] =	wrdreg $0x60  }
0xae: {  	[dreg:$0x2] =	wrdreg s24  }
0xaf: {  	[dreg:$0x3] =	wrdreg s2  }
0xb0: {  	[dreg:$0x4] =	wrdreg $0x9  }
0xb1: {  	_ =	task.clear_ibuf [dreg:s7], $0x5FFFF;
	_ =	strace $0x9000004F  }
0xb2: {  	s29 =	simm.s32 $0x9;
	_ =	strace $0x80000051  }
0xb3: {  	_ =	swait.ge [sflag:s29], $0x1  }
0xb4: {  	[sflag:s29] =	ssyncadd.s32 $0xFFFFFFFF  }
0xb5: {  	_ =	strace $0x90000051  }
0xb6: {  	_ =	sfence  }
0xb7: {  	s30 =	sld [smem:$0x0];
	_ =	sdelay $0x2  }
0xb8: {  	s31 =	sshll.u32 s1, $0xD;
	s1 =	sshrl.u32 s1, $0x2  }
0xb9: {  	s3 =	sand.u32 $0x4000, s31;
	s1 =	sadd.s32 s1, s30  }
0xba: {  	s0 =	sor.u32 s3, s0;
	s1 =	sshll.u32 s1, $0x11  }
0xbb: {  	s0 =	sor.u32 s1, s0  }
0xbc: {  	s0 =	sadd.s32 $0x8F2B, s0  }
0xbd: {  	[sflag:s0] =	ssyncadd.remote.s32 $0x1  }
0xbe: {  	_ =	sfence.sel $0xFFFF  }
0xbf: {  	[dreg:$0x0] =	wrdreg $0xFFFFFFFF;
	(pc) =	sbr.abs _section_cstart, $3  }
0xc0: {  	[dreg:$0x1] =	wrdreg $0xFFFFFFFF  }
0xc1: {  	_ =	task.clear_ibuf [dreg:s7], $0x2FFFF;
	_ =	strace $0x9FFFFFFF  }
0xc2: {  	(tm) =	ssettm $0x7FFFFFFF  }
0xc3: {  	_ =	shalt  }
tec
execute0_lowered:
.L_overlay_start_1:
0x0: {  	(tag) =	ssettag $0x1  }
0x1: {  	s5 =	rddreg [dreg:$0x0]  }
0x2: {  	s6 =	rddreg [dreg:$0x1]  }
0x3: {  	s0 =	rddreg [dreg:$0x2];
	s2 =	simm.s32 $0x0;
	s4 =	srdreg.scid  }
0x4: {  	s1 =	stileid.u32;
	s13 =	simm.s32 $0x80;
	s14 =	simm.s32 $0x2000  }
0x5: {  	s15 =	simm.s32 $0x6000;
	s16 =	simm.s32 $0xA000;
	s17 =	simm.s32 $0x1080  }
0x6: {  	s18 =	simm.s32 $0xE000;
	s19 =	simm.s32 $0x1;
	s20 =	simm.s32 $0x12000  }
0x7: {  	s21 =	simm.s32 $0x2;
	s22 =	simm.s32 $0x0;
	[smem:$0x7FF] =	sst s2  }
0x8: {  	s3 =	sadd.s32 $0x2A00, s5;
	s7 =	sand.u32 $0x1, s4;
	s8 =	sshll.u32 s1, $0x1  }
0x9: {  	s4 =	sadd.s32 $0x2A200, s5;
	_ =	strace $0x80000050;
	s8 =	sor.u32 s7, s8  }
0xa: {  	s7 =	ssub.s32 $0x2, s7;
	s9 =	sshll.u32 s8, $0x9;
	s11 =	smul.u32 $0xD000, s8  }
0xb: {  	s10 =	sshrl.u32 s7, $0x1;
	s8 =	smul.u32 $0x68000, s8;
	s12 =	sadd.s32 s9, s5  }
0xc: {  	s5 =	sadd.s32 $0xDFA00, s5;
	s10 =	ssub.s32 s7, s10;
	s6 =	sadd.s32 s6, s9  }
0xd: {  	s7 =	sadd.s32 $0xDBA00, s12;
	s11 =	sadd.s32 s11, s5;
	s9 =	smax.u32 s10, $0x1  }
0xe: {  	s12 =	simm.s32 $0x1000;
	s10 =	sadd.s32 $0x800, s11;
	s11 =	simm.s32 $0x3  }
.LBB2_1:
0xf: {  	[tilespmem:s2], [sflag:$0x3] =	stream.linear.gather [hbm4b:s6+s2], $0xD00, $0x38;
	[tilespmem:$0x16000] =	vst v63  }
0x10: {  	_ =	swait.ge [sflag:s11], $0xD00  }
0x11: {  	[sflag:s11] =	ssyncset.done $0x0  }
0x12: {  	[sflag:s11] =	ssyncadd.s32 $0xFFFFF300  }
0x13: {  	[tilespmem:s12], [sflag:$0x3] =	stream.linear.gather [hbm4b:s7+s2], $0xD00, $0x38;
	[tilespmem:$0x16000] =	vst v63  }
0x14: {  	_ =	swait.ge [sflag:s11], $0xD00  }
0x15: {  	[sflag:s11] =	ssyncset.done $0x0  }
0x16: {  	[sflag:s11] =	ssyncadd.s32 $0xFFFFF300  }
0x17: {  	[tilespmem:s14], [sflag:$0x1] =	stream.indirect.gather [hbm4b:s3+s13], $0x80, s2, s13, $0xb8;
	[tilespmem:$0x16000] =	vst v63  }
0x18: {  	_ = 	snop  }
0x19: {  	[tilespmem:s15], [sflag:$0x1] =	stream.indirect.gather [hbm4b:s4+s13], $0x80, s12, s13, $0xb8;
	[tilespmem:$0x16000] =	vst v63  }
0x1a: {  	_ = 	snop  }
0x1b: {  	[tilespmem:s16], [sflag:$0x2] =	stream.indirect.gather [hbm4b:s3+s13], $0x80, s13, s13, $0xb8;
	[tilespmem:$0x16000] =	vst v63  }
0x1c: {  	s23 =	simm.s32 $0x0  }
0x1d: {  	[tilespmem:s18], [sflag:$0x2] =	stream.indirect.gather [hbm4b:s4+s13], $0x80, s17, s13, $0xb8;
	[tilespmem:$0x16000] =	vst v63  }
.LBB2_2:
0x1e: {  	_ =	swait.ge [sflag:s19], $0x4000  }
0x1f: {  	[sflag:s19] =	ssyncset.done $0x0  }
0x20: {  	[sflag:s19] =	ssyncadd.s32 $0xFFFFC000  }
0x21: {  	_ =	swait.ge [sflag:s19], $0x4000  }
0x22: {  	[sflag:s19] =	ssyncset.done $0x0  }
0x23: {  	s24 =	simm.s32 $0x0;
	[sflag:s19] =	ssyncadd.s32 $0xFFFFC000  }
0x24: {  	v0 =	vld [tilespmem:s24+$0x2000]  }
0x25: {  	s25 =	simm.s32 $0x200;
	v1 =	vld [tilespmem:s24+$0x6000]  }
.LBB2_3:
0x26: {  	_ = 	snop  }
0x27: {  	p0 =	sne.s32 s25, $0xFE00  }
.Ltmp0:
0x28: {  	_ = 	snop;
	(pc) =	sbr.rel @p0 .LBB2_3-.Ltmp0, $4  }
0x29: {  	_ = 	snop  }
0x2a: {  	s26 =	sshra.s32 s25, $0x2;
	v2 =	vadd.f32 v1, v0  }
0x2b: {  	v0 =	vld [tilespmem:s26+$0x2000]  }
0x2c: {  	s25 =	sadd.s32 $0x200, s25;
	v1 =	vld [tilespmem:s26+$0x6000];
	[tilespmem:s24+$0x12000] =	vst v2;
	s24 =	smov.u32 s26  }
0x2d: {  	_ =	sdelay $0x2  }
0x2e: {  	s25 =	sshll.u32 s23, $0xF  }
0x2f: {  	s25 =	sadd.s32 s8, s25;
	v0 =	vadd.f32 v1, v0  }
0x30: {  	s25 =	sshrl.u32 s25, $0x3  }
0x31: {  	s29 =	sshll.u32 s23, $0x1;
	s26 =	simm.s32 $0x0;
	s25 =	sadd.s32 s5, s25;
	[tilespmem:s24+$0x12000] =	vst v0  }
0x32: {  	[hbm4b:s25+s26] =	stream.linear.scatter [tilespmem:s20], [sflag:$0x3], $0x4000, $0x38;
	[tilespmem:$0x16000] =	vst v63  }
0x33: {  	s24 =	smin.u32 s29, $0x16;
	_ =	swait.ge [sflag:s11], $0x4000  }
0x34: {  	s24 =	sshll.u32 s24, $0x7;
	[sflag:s11] =	ssyncset.done $0x0  }
0x35: {  	s30 =	sadd.s32 $0x100, s24;
	[sflag:s11] =	ssyncadd.s32 $0xFFFFC000  }
0x36: {  	[tilespmem:s14], [sflag:$0x1] =	stream.indirect.gather [hbm4b:s3+s13], $0x80, s30, s13, $0xb8;
	[tilespmem:$0x16000] =	vst v63  }
0x37: {  	s31 =	sadd.s32 $0x1100, s24  }
0x38: {  	[tilespmem:s15], [sflag:$0x1] =	stream.indirect.gather [hbm4b:s4+s13], $0x80, s31, s13, $0xb8;
	[tilespmem:$0x16000] =	vst v63  }
0x39: {  	_ =	swait.ge [sflag:s21], $0x4000  }
0x3a: {  	[sflag:s21] =	ssyncset.done $0x0  }
0x3b: {  	[sflag:s21] =	ssyncadd.s32 $0xFFFFC000  }
0x3c: {  	_ =	swait.ge [sflag:s21], $0x4000  }
0x3d: {  	[sflag:s21] =	ssyncset.done $0x0  }
0x3e: {  	s25 =	simm.s32 $0x0;
	[sflag:s21] =	ssyncadd.s32 $0xFFFFC000  }
0x3f: {  	v0 =	vld [tilespmem:s25+$0xA000]  }
0x40: {  	s26 =	simm.s32 $0x200;
	v1 =	vld [tilespmem:s25+$0xE000]  }
.LBB2_5:
0x41: {  	_ = 	snop  }
0x42: {  	p0 =	sne.s32 s26, $0xFE00  }
.Ltmp1:
0x43: {  	_ = 	snop;
	(pc) =	sbr.rel @p0 .LBB2_5-.Ltmp1, $4  }
0x44: {  	_ = 	snop  }
0x45: {  	s28 =	sshra.s32 s26, $0x2;
	v2 =	vadd.f32 v1, v0  }
0x46: {  	v0 =	vld [tilespmem:s28+$0xA000]  }
0x47: {  	s26 =	sadd.s32 $0x200, s26;
	v1 =	vld [tilespmem:s28+$0xE000];
	[tilespmem:s25+$0x12000] =	vst v2;
	s25 =	smov.u32 s28  }
0x48: {  	_ =	sdelay $0x3  }
0x49: {  	v0 =	vadd.f32 v1, v0  }
0x4a: {  	s26 =	sshll.u32 s23, $0xC  }
0x4b: {  	s23 =	sadd.s32 $0x1, s23;
	s29 =	sadd.s32 s10, s26;
	[tilespmem:s25+$0x12000] =	vst v0  }
0x4c: {  	[hbm4b:s29+s2] =	stream.linear.scatter [tilespmem:s20], [sflag:$0x3], $0x4000, $0x38;
	[tilespmem:$0x16000] =	vst v63  }
0x4d: {  	p0 =	sne.s32 s23, $0xD;
	_ =	swait.ge [sflag:s11], $0x4000  }
.Ltmp2:
0x4e: {  	[sflag:s11] =	ssyncset.done $0x0;
	(pc) =	sbr.rel @p0 .LBB2_2-.Ltmp2, $4  }
0x4f: {  	s30 =	sadd.s32 $0x180, s24;
	[sflag:s11] =	ssyncadd.s32 $0xFFFFC000  }
0x50: {  	[tilespmem:s16], [sflag:$0x2] =	stream.indirect.gather [hbm4b:s3+s13], $0x80, s30, s13, $0xb8;
	[tilespmem:$0x16000] =	vst v63  }
0x51: {  	s31 =	sadd.s32 $0x1180, s24  }
0x52: {  	[tilespmem:s18], [sflag:$0x2] =	stream.indirect.gather [hbm4b:s4+s13], $0x80, s31, s13, $0xb8;
	[tilespmem:$0x16000] =	vst v63  }
0x53: {  	_ =	swait.ge [sflag:s19], $0x4000  }
0x54: {  	[sflag:s19] =	ssyncset.done $0x0  }
0x55: {  	[sflag:s19] =	ssyncadd.s32 $0xFFFFC000  }
0x56: {  	_ =	swait.ge [sflag:s19], $0x4000  }
0x57: {  	[sflag:s19] =	ssyncset.done $0x0  }
0x58: {  	s22 =	sadd.s32 $0x1, s22;
	[sflag:s19] =	ssyncadd.s32 $0xFFFFC000  }
0x59: {  	p0 =	sne.s32 s22, s9;
	_ =	swait.ge [sflag:s21], $0x4000  }
.Ltmp3:
0x5a: {  	[sflag:s21] =	ssyncset.done $0x0;
	(pc) =	sbr.rel @p0 .LBB2_1-.Ltmp3, $4  }
0x5b: {  	[sflag:s21] =	ssyncadd.s32 $0xFFFFC000  }
0x5c: {  	_ =	swait.ge [sflag:s21], $0x4000  }
0x5d: {  	[sflag:s21] =	ssyncset.done $0x0  }
0x5e: {  	[sflag:s21] =	ssyncadd.s32 $0xFFFFC000  }
0x5f: {  	_ =	sfence.sel $0x180000  }
0x60: {  	[bflag:$0x0] =	sbarrier.arrive $0xFFFF  }
0x61: {  	p0 =	sne.s32 s1, $0x0;
	_ =	strace $0x90000050  }
0x62: {  	s0 =	sadd.s32 @!p0 $0x100000, s0;
	[bflag:$0x2] =	sbarrier.arrive $0xFFFF  }
0x63: {  	[sflag:s0] =	ssyncadd.tile.s32 @!p0 $0x1;
	_ =	shalt  }
.Lfunc_end2:
_tile_overlayer_lowered:
.L_overlay_start_2:
0x64: {  	(tag) =	ssettag $0x2  }
0x65: {  	s0 =	rddreg [dreg:$0x0];
	s2 =	stileid.u32  }
0x66: {  	s1 =	rddreg [dreg:$0x1];
	p0 =	sne.s32 s2, $0x0  }
0x67: {  	s3 =	rddreg [dreg:$0x2];
	[bflag:$0x3] =	sbarrier.arrive $0xFFFF;
	s2 =	simm.s32 @!p0 $0x1C03  }
0x68: {  	[timem:s3], [sflag:s2] =	dma.local @!p0 [hbm:s0], s1  }
0x69: {  	s0 =	simm.s32 @!p0 $0x3  }
0x6a: {  	_ =	swait.ge @!p0 [sflag:s0], s1  }
0x6b: {  	s1 =	ssub.s32 @!p0 $0x0, s1;
	[sflag:s0] =	ssyncset.done @!p0 $0x0  }
0x6c: {  	[sflag:s0] =	ssyncadd.s32 @!p0 s1  }
0x6d: {  	[bflag:$0x3] =	sbarrier.arrive $0xFFFF  }
0x6e: {  	_ =	shalt  }

// kernel: kernel.9.cloned.1.call-start
scs
__scs_entry_jumppad:
0x0: {  	(pc) =	sbr.rel $0x88, $3  }
0x1: {  	(tag) =	ssettag $0x0;
	lr =	simm.s32 $0x1  }
0x2: {  	[smem:$0x3F98] =	sst lr;
	_ =	strace $0xD0000000  }
0x3: {  	_ = 	snop  }
0x4: {  	_ = 	snop  }
0x5: {  	_ = 	snop  }
0x6: {  	_ = 	snop  }
0x7: {  	_ = 	snop  }
__scs_overlays_trampoline_lowered:
0x8: {  	[smem:$0x3FA7] =	sst s0  }
0x9: {  	[smem:$0x3FA8] =	sst s1  }
0xa: {  	[smem:$0x3FA9] =	sst s2  }
0xb: {  	[smem:$0x3FAA] =	sst s3  }
0xc: {  	[smem:$0x3FAB] =	sst s4  }
0xd: {  	[smem:$0x3FAC] =	sst s5  }
0xe: {  	[smem:$0x3FAD] =	sst s6  }
0xf: {  	[smem:$0x3FAE] =	sst s7  }
0x10: {  	[smem:$0x3FAF] =	sst s8  }
0x11: {  	[smem:$0x3FB0] =	sst s9;
	s0 =	simm.s32 @!p0 $0x0  }
0x12: {  	s1 =	sld [smem:$0x3F96];
	s0 =	simm.s32 @p0 $0x1  }
0x13: {  	[smem:$0x3FB1] =	sst s0;
	s0 =	simm.s32 @!p1 $0x0  }
0x14: {  	s2 =	sld [smem:$0x3F95];
	s0 =	simm.s32 @p1 $0x1  }
0x15: {  	[smem:$0x3FB2] =	sst s0;
	s0 =	simm.s32 @!p2 $0x0  }
0x16: {  	s3 =	sld [smem:$0x3FDB];
	s0 =	simm.s32 @p2 $0x1  }
0x17: {  	s4 =	simm.s32 $0x1BF5;
	[smem:$0x3FB4] =	sst s0  }
0x18: {  	s0 =	sld [smem:$0x3F97];
	_ =	swait.ge [sflag:s4], $0x0  }
0x19: {  	s7 =	sld [smem:$0x3F98]  }
0x1a: {  	s8 =	sadd.s32 $0xFFFFE003, lr  }
0x1b: {  	s9 =	sadd.s32 $0xFFFFFEF7, lr;
	s5 =	simm.s32 $0xFFFFFFFF;
	p2 =	slt.u32 s8, $0xFFFFF086  }
0x1c: {  	p1 =	slt.u32 s9, $0xF7A;
	s5 =	simm.s32 @!p2 $0x0  }
0x1d: {  	s5 =	simm.s32 @p1 $0x1;
	p0 =	seq.s32 s7, s2  }
0x1e: {  	s7 =	smul.u32 @!p0 $0xF7A, s2;
	p2 =	seq.s32 @!p0 s5, $0x0  }
0x1f: {  	s9 =	smul.u32 $0xF7A, s1;
	s8 =	simm.s32 @!p0 $0x1BF5;
	p2 =	por !p2, p0  }
0x20: {  	[sflag:s8] =	ssyncset.s32 @!p0 $0xFFFFF086;
	s6 =	sadd.s32 @!p0 s3, s7;
	s7 =	simm.s32 @!p0 $0x108  }
0x21: {  	s3 =	sadd.s32 s3, s9;
	s6 =	sadd.s32 @!p0 $0x88, s6;
	s7 =	simm.s32 @p2 $0x1082  }
0x22: {  	[simem:s7], [sflag:s8] =	dma.local @!p0 [hbm:s6], $0xF7A  }
0x23: {  	s9 =	sor.u32 $0xD0000000, s2;
	s6 =	simm.s32 $0x108;
	_ =	swait.ge @!p0 [sflag:s8], $0x0  }
0x24: {  	s3 =	sadd.s32 $0x88, s3;
	s6 =	simm.s32 @!p1 $0x1082;
	[sflag:s4] =	ssyncset.s32 $0xFFFFF086  }
0x25: {  	[simem:s6], [sflag:s4] =	dma.local [hbm:s3], $0xF7A  }
0x26: {  	[smem:$0x3F98] =	sst s1;
	(tag) =	ssettag s2;
	_ =	strace s9  }
0x27: {  	s1 =	sld [smem:$0x3FA8]  }
0x28: {  	s2 =	sld [smem:$0x3FA9]  }
0x29: {  	s4 =	sld [smem:$0x3FAB]  }
0x2a: {  	p0 =	seq.s32 s5, $0x0;
	s5 =	sld [smem:$0x3FAC]  }
0x2b: {  	s6 =	sld [smem:$0x3FAD]  }
0x2c: {  	s7 =	sld [smem:$0x3FAE]  }
0x2d: {  	s3 =	simm.s32 $0x108;
	s8 =	sld [smem:$0x3FAF]  }
0x2e: {  	s3 =	simm.s32 @!p0 $0x1082;
	s9 =	sld [smem:$0x3FB0]  }
0x2f: {  	lr =	sadd.s32 s0, s3;
	s0 =	sld [smem:$0x3FA7]  }
0x30: {  	s3 =	sld [smem:$0x3FAA]  }
0x31: {  	[smem:$0x3FB3] =	sst s10  }
0x32: {  	s10 =	sld [smem:$0x3FB1];
	_ =	sdelay $0x3  }
0x33: {  	p0 =	seq.s32 s10, $0x1;
	s10 =	sld [smem:$0x3FB3];
	_ =	sdelay $0x3  }
0x34: {  	[smem:$0x3FB3] =	sst s10  }
0x35: {  	s10 =	sld [smem:$0x3FB2];
	_ =	sdelay $0x3  }
0x36: {  	p1 =	seq.s32 s10, $0x1;
	s10 =	sld [smem:$0x3FB3];
	_ =	sdelay $0x3  }
0x37: {  	[smem:$0x3FB3] =	sst s10  }
0x38: {  	s10 =	sld [smem:$0x3FB4]  }
0x39: {  	_ = 	snop;
	(pc) =	sbr.ind lr, $3  }
0x3a: {  	_ = 	snop  }
0x3b: {  	_ = 	snop  }
0x3c: {  	p2 =	seq.s32 s10, $0x1;
	s10 =	sld [smem:$0x3FB3]  }
0x3d: {  	_ =	shalt  }
0x3e: {  	_ =	shalt  }
0x3f: {  	_ =	shalt  }
0x40: {  	_ =	shalt  }
0x41: {  	_ =	shalt  }
0x42: {  	_ =	shalt  }
0x43: {  	_ =	shalt  }
0x44: {  	_ =	shalt  }
0x45: {  	_ =	shalt  }
0x46: {  	_ =	shalt  }
0x47: {  	_ =	shalt  }
0x48: {  	_ =	shalt  }
0x49: {  	_ =	shalt  }
0x4a: {  	_ =	shalt  }
0x4b: {  	_ =	shalt  }
0x4c: {  	_ =	shalt  }
0x4d: {  	_ =	shalt  }
0x4e: {  	_ =	shalt  }
0x4f: {  	_ =	shalt  }
0x50: {  	_ =	shalt  }
0x51: {  	_ =	shalt  }
0x52: {  	_ =	shalt  }
0x53: {  	_ =	shalt  }
0x54: {  	_ =	shalt  }
0x55: {  	_ =	shalt  }
0x56: {  	_ =	shalt  }
0x57: {  	_ =	shalt  }
0x58: {  	_ =	shalt  }
0x59: {  	_ =	shalt  }
0x5a: {  	_ =	shalt  }
0x5b: {  	_ =	shalt  }
0x5c: {  	_ =	shalt  }
0x5d: {  	_ =	shalt  }
0x5e: {  	_ =	shalt  }
0x5f: {  	_ =	shalt  }
0x60: {  	_ =	shalt  }
0x61: {  	_ =	shalt  }
0x62: {  	_ =	shalt  }
0x63: {  	_ =	shalt  }
0x64: {  	_ =	shalt  }
0x65: {  	_ =	shalt  }
0x66: {  	_ =	shalt  }
0x67: {  	_ =	shalt  }
0x68: {  	_ =	shalt  }
0x69: {  	_ =	shalt  }
0x6a: {  	_ =	shalt  }
0x6b: {  	_ =	shalt  }
0x6c: {  	_ =	shalt  }
0x6d: {  	_ =	shalt  }
0x6e: {  	_ =	shalt  }
0x6f: {  	_ =	shalt  }
0x70: {  	_ =	shalt  }
0x71: {  	_ =	shalt  }
0x72: {  	_ =	shalt  }
0x73: {  	_ =	shalt  }
0x74: {  	_ =	shalt  }
0x75: {  	_ =	shalt  }
0x76: {  	_ =	shalt  }
0x77: {  	_ =	shalt  }
0x78: {  	_ =	shalt  }
0x79: {  	_ =	shalt  }
0x7a: {  	_ =	shalt  }
0x7b: {  	_ =	shalt  }
0x7c: {  	_ =	shalt  }
0x7d: {  	_ =	shalt  }
0x7e: {  	_ =	shalt  }
0x7f: {  	_ =	shalt  }
0x80: {  	_ =	shalt  }
0x81: {  	_ =	shalt  }
0x82: {  	_ =	shalt  }
0x83: {  	_ =	shalt  }
0x84: {  	_ =	shalt  }
0x85: {  	_ =	shalt  }
0x86: {  	_ =	shalt  }
0x87: {  	_ =	shalt  }
.Lfunc_end0:
.L_simem_size_0:
called_computation_lowered:
.L_overlay_start_0:
0x88: {  	s2 =	sld [smem:$0x3FD9]  }
0x89: {  	s3 =	sld [smem:$0x3FFE];
	_ =	sdelay $0x1  }
0x8a: {  	s1 =	srdreg.scid  }
0x8b: {  	s0 =	sand.u32 $0x1, s1  }
0x8c: {  	s17 =	sshll.u32 s0, $0xA;
	s2 =	sadd.s32 s3, s2  }
0x8d: {  	s2 =	sadd.s32 s2, s17  }
0x8e: {  	[smem:$0x3FBF] =	sst s2  }
0x8f: {  	_ = 	snop  }
0x90: {  	s2 =	sld [smem:$0x3FD0];
	(tm) =	ssettm $0x1  }
0x91: {  	s18 =	sld [smem:$0x3FFB];
	_ =	sdelay $0x3  }
0x92: {  	_ =	strace s18  }
0x93: {  	s3 =	sld [smem:$0x3FFC];
	_ =	sdelay $0x3  }
0x94: {  	_ =	strace s3  }
0x95: {  	s3 =	sld [smem:$0x3FFD];
	_ =	sdelay $0x3  }
0x96: {  	_ =	strace s3  }
0x97: {  	_ =	strace $0x8FFFFFFF  }
0x98: {  	s19 =	sld [smem:$0x3FDB];
	_ =	sdelay $0x1  }
0x99: {  	s4 =	simm.s32 $_scs_section_size  }
0x9a: {  	s5 =	simm.s32 $_size__tile_overlayer_lowered;
	s6 =	simm.s32 $_tile_overlayer_lowered  }
0x9b: {  	s22 =	simm.s32 $0x1BFF;
	s21 =	sshll.u32 s6, $0x1;
	s3 =	sadd.s32 s4, s19  }
0x9c: {  	s7 =	simm.s32 $0x0;
	s20 =	sshll.u32 s5, $0x1;
	s5 =	sadd.s32 s21, s3  }
0x9d: {  	[timem:s7], [sflag:s22] =	dma.local [hbm:s5], s20  }
0x9e: {  	_ =	swait.ge [sflag:s22], s20  }
0x9f: {  	s4 =	ssub.s32 $0x0, s20;
	[sflag:s22] =	ssyncset.done $0x0  }
0xa0: {  	[sflag:s22] =	ssyncadd.s32 s4;
	_ =	sdelay $0x1  }
0xa1: {  	s23 =	simm.s32 $0x1B8B  }
0xa2: {  	_ =	swait.ge [sflag:s23], $0x1  }
0xa3: {  	[sflag:s23] =	ssyncset.done $0x0  }
0xa4: {  	s25 =	simm.s32 $0x1B8E;
	s24 =	sld [smem:$0x3FFE];
	[sflag:s23] =	ssyncadd.s32 $0xFFFFFFFF  }
0xa5: {  	s26 =	simm.s32 $execute0_lowered;
	[smem:$0x3FD2] =	sst s25  }
0xa6: {  	s5 =	sshll.u32 s26, $0x1;
	_ =	strace $0x80000046;
	[dreg:$0x1] =	wrdreg $0xFFFFFFFF  }
0xa7: {  	s28 =	simm.s32 $_size_execute0_lowered;
	s3 =	sadd.s32 s3, s5;
	[dreg:$0x0] =	wrdreg $0x0  }
0xa8: {  	s5 =	sshll.u32 s28, $0x1;
	[dreg:$0x2] =	wrdreg s3  }
0xa9: {  	[dreg:$0x3] =	wrdreg s5  }
0xaa: {  	[dreg:$0x4] =	wrdreg $0xC0  }
0xab: {  	_ =	task [dreg:s7], $0x5FFFF  }
0xac: {  	[dreg:$0x1] =	wrdreg $0xFFFFFFFF  }
0xad: {  	[dreg:$0x0] =	wrdreg $0x60  }
0xae: {  	[dreg:$0x2] =	wrdreg s24  }
0xaf: {  	[dreg:$0x3] =	wrdreg s2  }
0xb0: {  	[dreg:$0x4] =	wrdreg $0x17000  }
0xb1: {  	[dreg:$0x5] =	wrdreg $0x9  }
0xb2: {  	_ =	task.clear_ibuf [dreg:s7], $0x6FFFF;
	_ =	strace $0x90000046  }
0xb3: {  	s29 =	simm.s32 $0x9;
	_ =	strace $0x80000048  }
0xb4: {  	_ =	swait.ge [sflag:s29], $0x1  }
0xb5: {  	[sflag:s29] =	ssyncadd.s32 $0xFFFFFFFF  }
0xb6: {  	_ =	strace $0x90000048  }
0xb7: {  	_ =	sfence  }
0xb8: {  	s30 =	sld [smem:$0x0];
	_ =	sdelay $0x2  }
0xb9: {  	s31 =	sshll.u32 s1, $0xD;
	s1 =	sshrl.u32 s1, $0x2  }
0xba: {  	s3 =	sand.u32 $0x4000, s31;
	s1 =	sadd.s32 s1, s30  }
0xbb: {  	s0 =	sor.u32 s3, s0;
	s1 =	sshll.u32 s1, $0x11  }
0xbc: {  	s0 =	sor.u32 s1, s0  }
0xbd: {  	s0 =	sadd.s32 $0x8F2B, s0  }
0xbe: {  	[sflag:s0] =	ssyncadd.remote.s32 $0x1  }
0xbf: {  	_ =	sfence.sel $0xFFFF  }
0xc0: {  	[dreg:$0x0] =	wrdreg $0xFFFFFFFF;
	(pc) =	sbr.abs _section_cstart, $3  }
0xc1: {  	[dreg:$0x1] =	wrdreg $0xFFFFFFFF  }
0xc2: {  	_ =	task.clear_ibuf [dreg:s7], $0x2FFFF;
	_ =	strace $0x9FFFFFFF  }
0xc3: {  	(tm) =	ssettm $0x7FFFFFFF  }
tec
execute0_lowered:
.L_overlay_start_1:
0x0: {  	(tag) =	ssettag $0x1  }
0x1: {  	s5 =	rddreg [dreg:$0x0]  }
0x2: {  	s9 =	rddreg [dreg:$0x1]  }
0x3: {  	s2 =	rddreg [dreg:$0x2];
	s3 =	srdreg.scid  }
0x4: {  	s0 =	rddreg [dreg:$0x3];
	s1 =	stileid.u32;
	s14 =	simm.s32 $0x80  }
0x5: {  	s15 =	simm.s32 $0x0;
	s4 =	sand.u32 $0x1, s3;
	s3 =	simm.s32 $0x0  }
0x6: {  	s6 =	sshll.u32 s1, $0x2;
	s8 =	smul.u32 $0x278, s1;
	s11 =	sadd.s32 $0x2A00, s5  }
0x7: {  	s7 =	sshll.u32 s4, $0x1;
	[smem:$0x7FF] =	sst s3;
	s28 =	ssub.s32 $0x2, s4  }
0x8: {  	s13 =	smul.u32 $0x2780, s4;
	s4 =	sadd.s32 $0xCA00, s5;
	s6 =	sor.u32 s7, s6  }
0x9: {  	s5 =	sadd.s32 $0xCC00, s5;
	_ =	strace $0x80000047;
	s10 =	smul.u32 $0x1400, s6  }
0xa: {  	s12 =	sshrl.u32 s28, $0x1;
	s29 =	smul.u32 $0x280, s6;
	s13 =	sadd.s32 s8, s13  }
0xb: {  	s12 =	ssub.s32 s28, s12;
	s6 =	sadd.s32 s8, s2;
	s31 =	sshrl.u32 s13, $0x3  }
0xc: {  	s13 =	simm.s32 $0x1400;
	s10 =	sshrl.u32 s10, $0x3;
	s7 =	sadd.s32 s11, s29  }
0xd: {  	s9 =	sadd.s32 s9, s31;
	s30 =	sadd.s32 s11, s10;
	s10 =	smax.u32 s12, $0x1  }
0xe: {  	s11 =	simm.s32 $0x1680;
	s12 =	simm.s32 $0x1;
	s8 =	sadd.s32 $0x280, s30  }
.LBB2_1:
0xf: {  	[tilespmem:s11], [sflag:$0x1] =	stream.linear.gather [hbm4b:s4+s3], $0x80, $0x38;
	[tilespmem:$0x1978] =	vst v63  }
0x10: {  	_ =	swait.ge [sflag:s12], $0x80  }
0x11: {  	[sflag:s12] =	ssyncset.done $0x0  }
0x12: {  	[sflag:s12] =	ssyncadd.s32 $0xFFFFFF80  }
0x13: {  	[tilespmem:s13], [sflag:$0x1] =	stream.linear.gather [hbm4b:s5+s3], $0x280, $0x38;
	[tilespmem:$0x1978] =	vst v63  }
0x14: {  	_ =	swait.ge [sflag:s12], $0x280  }
0x15: {  	[sflag:s12] =	ssyncset.done $0x0  }
0x16: {  	[sflag:s12] =	ssyncadd.s32 $0xFFFFFD80  }
0x17: {  	[spmem:s6] =	stream.linear.scatter [tilespmem:s13], [sflag:$0x1], $0x278, $0x38;
	[tilespmem:$0x1978] =	vst v63  }
0x18: {  	_ =	swait.ge [sflag:s12], $0x278  }
0x19: {  	[sflag:s12] =	ssyncset.done $0x0  }
0x1a: {  	[sflag:s12] =	ssyncadd.s32 $0xFFFFFD88  }
0x1b: {  	[bflag:$0x0] =	sbarrier.arrive $0xFFFF  }
0x1c: {  	[tilespmem:s3], [sflag:$0x1] =	stream.linear.gather [hbm4b:s7+s3], $0x1400, $0x38;
	[tilespmem:$0x1978] =	vst v63  }
0x1d: {  	_ =	swait.ge [sflag:s12], $0x1400  }
0x1e: {  	[sflag:s12] =	ssyncset.done $0x0  }
0x1f: {  	s16 =	simm.s32 $0x0;
	[sflag:s12] =	ssyncadd.s32 $0xFFFFEC00  }
0x20: {  	[spmem:s2] =	stream.indirect.scatter.add.f32 [tilespmem:s11], [sflag:$0x1], $0x1, s16, s14, $0xb8;
	[tilespmem:$0x1978] =	vst v63  }
0x21: {  	_ =	swait.ge [sflag:s12], $0x80  }
0x22: {  	s16 =	simm.s32 $0x200;
	[sflag:s12] =	ssyncset.done $0x0  }
.LBB2_2:
0x23: {  	s17 =	sshra.s32 s16, $0x2;
	[sflag:s12] =	ssyncadd.s32 $0xFFFFFF80;
	p0 =	sne.s32 s16, $0x4E00  }
0x24: {  	[spmem:s2] =	stream.indirect.scatter.add.f32 [tilespmem:s11], [sflag:$0x1], $0x1, s17, s14, $0xb8;
	[tilespmem:$0x1978] =	vst v63  }
.Ltmp0:
0x25: {  	_ = 	snop;
	(pc) =	sbr.rel @p0 .LBB2_2-.Ltmp0, $4  }
0x26: {  	_ = 	snop  }
0x27: {  	s16 =	sadd.s32 $0x200, s16  }
0x28: {  	_ =	swait.ge [sflag:s12], $0x80  }
0x29: {  	[sflag:s12] =	ssyncset.done $0x0  }
0x2a: {  	[sflag:s12] =	ssyncadd.s32 $0xFFFFFF80;
	s16 =	simm.s32 $0x0  }
0x2b: {  	[tilespmem:s16], [sflag:$0x1] =	stream.linear.gather [hbm4b:s8+s16], $0x1400, $0x38;
	[tilespmem:$0x1978] =	vst v63  }
0x2c: {  	_ =	swait.ge [sflag:s12], $0x1400  }
0x2d: {  	[sflag:s12] =	ssyncset.done $0x0  }
0x2e: {  	s31 =	simm.s32 $0x0;
	[sflag:s12] =	ssyncadd.s32 $0xFFFFEC00  }
0x2f: {  	[spmem:s2] =	stream.indirect.scatter.add.f32 [tilespmem:s11], [sflag:$0x1], $0x1, s31, s14, $0xb8;
	[tilespmem:$0x1978] =	vst v63  }
0x30: {  	_ =	swait.ge [sflag:s12], $0x80  }
0x31: {  	s16 =	simm.s32 $0x200;
	[sflag:s12] =	ssyncset.done $0x0  }
.LBB2_4:
0x32: {  	s17 =	sshra.s32 s16, $0x2;
	[sflag:s12] =	ssyncadd.s32 $0xFFFFFF80;
	p0 =	sne.s32 s16, $0x4E00  }
0x33: {  	[spmem:s2] =	stream.indirect.scatter.add.f32 [tilespmem:s11], [sflag:$0x1], $0x1, s17, s14, $0xb8;
	[tilespmem:$0x1978] =	vst v63  }
.Ltmp1:
0x34: {  	_ = 	snop;
	(pc) =	sbr.rel @p0 .LBB2_4-.Ltmp1, $4  }
0x35: {  	_ = 	snop  }
0x36: {  	s16 =	sadd.s32 $0x200, s16  }
0x37: {  	_ =	swait.ge [sflag:s12], $0x80  }
0x38: {  	[sflag:s12] =	ssyncset.done $0x0  }
0x39: {  	[sflag:s12] =	ssyncadd.s32 $0xFFFFFF80  }
0x3a: {  	[bflag:$0x0] =	sbarrier.arrive $0xFFFF  }
0x3b: {  	[tilespmem:s13], [sflag:$0x1] =	stream.linear.gather [spmem:s6], $0x278, $0x38;
	[tilespmem:$0x1978] =	vst v63  }
0x3c: {  	s15 =	sadd.s32 $0x1, s15;
	_ =	swait.ge [sflag:s12], $0x278  }
0x3d: {  	p0 =	sne.s32 s15, s10;
	[sflag:s12] =	ssyncset.done $0x0  }
.Ltmp2:
0x3e: {  	[sflag:s12] =	ssyncadd.s32 $0xFFFFFD88;
	(pc) =	sbr.rel @p0 .LBB2_1-.Ltmp2, $4  }
0x3f: {  	[hbm4b:s9+s3] =	stream.linear.scatter [tilespmem:s13], [sflag:$0x1], $0x278, $0x38;
	[tilespmem:$0x1978] =	vst v63  }
0x40: {  	_ =	swait.ge [sflag:s12], $0x278  }
0x41: {  	[sflag:s12] =	ssyncset.done $0x0  }
0x42: {  	[sflag:s12] =	ssyncadd.s32 $0xFFFFFD88  }
0x43: {  	_ =	sfence.sel $0x180000  }
0x44: {  	[bflag:$0x0] =	sbarrier.arrive $0xFFFF  }
0x45: {  	p0 =	sne.s32 s1, $0x0;
	_ =	strace $0x90000047  }
0x46: {  	s0 =	sadd.s32 @!p0 $0x100000, s0;
	[bflag:$0x2] =	sbarrier.arrive $0xFFFF  }
0x47: {  	[sflag:s0] =	ssyncadd.tile.s32 @!p0 $0x1;
	_ =	shalt  }
.Lfunc_end2:
_tile_overlayer_lowered:
.L_overlay_start_2:
0x48: {  	(tag) =	ssettag $0x2  }
0x49: {  	s0 =	rddreg [dreg:$0x0];
	s2 =	stileid.u32  }
0x4a: {  	s1 =	rddreg [dreg:$0x1];
	p0 =	sne.s32 s2, $0x0  }
0x4b: {  	s3 =	rddreg [dreg:$0x2];
	[bflag:$0x3] =	sbarrier.arrive $0xFFFF;
	s2 =	simm.s32 @!p0 $0x1C01  }
0x4c: {  	[timem:s3], [sflag:s2] =	dma.local @!p0 [hbm:s0], s1  }
0x4d: {  	s0 =	simm.s32 @!p0 $0x1  }
0x4e: {  	_ =	swait.ge @!p0 [sflag:s0], s1  }
0x4f: {  	s1 =	ssub.s32 @!p0 $0x0, s1;
	[sflag:s0] =	ssyncset.done @!p0 $0x0  }
0x50: {  	[sflag:s0] =	ssyncadd.s32 @!p0 s1  }
0x51: {  	[bflag:$0x3] =	sbarrier.arrive $0xFFFF  }
0x52: {  	_ =	shalt  }

</sc_bundles>
